<compile_context>
chip_gen: v7x
topology: tpu7x:2x2x1
jax: 0.10.2.dev20260603
libtpu: 0.0.44.dev20260713+nightly
codegen_flags: <defaults>
</compile_context>

<pallas_src>
import jax
import jax.numpy as jnp
from jax import lax
from jax.experimental import pallas as pl
from jax.experimental.pallas import tpu as pltpu
from jax.experimental.pallas import tpu_sc as plsc

N = 10000
NPAD = 10240
E = 320000
NC = 2
NS = 16
NW = NC * NS
CH = 128
EROWS = E // CH
RPW = EROWS // NW
XTRA = EROWS - RPW * NW
CPW = RPW + 1
TRASH = N
ROWS_PER_TILE = NPAD // NS
RPT = EROWS // NS
XT = EROWS - RPT * NS
CPT = RPT + 1
BLK = 2048
GRID = NPAD // BLK


def _make_agg(D, gather=True):
  mesh = plsc.VectorSubcoreMesh(core_axis_name="c", subcore_axis_name="s",
                                num_cores=NC, num_subcores=NS)

  def body(table, edges, zeros, out, src_v, dst_v, buf0, buf1, acc, tbl,
           gsem0, gsem1, ssem0, ssem1):
    c = lax.axis_index("c")
    s = lax.axis_index("s")
    w = c * NS + s
    row0 = w * RPW + jnp.minimum(w, XTRA)

    for k in range(CH // 16):
      src_v[RPW, pl.ds(k * 16, 16)] = jnp.zeros((16,), jnp.int32)
      dst_v[RPW, pl.ds(k * 16, 16)] = jnp.full((16,), TRASH, jnp.int32)
    if gather:
      pltpu.sync_copy(edges.at[0, pl.ds(row0, RPW)], src_v.at[pl.ds(0, RPW)])
    pltpu.sync_copy(edges.at[1, pl.ds(row0, RPW)], dst_v.at[pl.ds(0, RPW)])

    @pl.when(w < XTRA)
    def _():
      if gather:
        pltpu.sync_copy(edges.at[0, pl.ds(row0 + RPW, 1)],
                        src_v.at[pl.ds(RPW, 1)])
      pltpu.sync_copy(edges.at[1, pl.ds(row0 + RPW, 1)],
                      dst_v.at[pl.ds(RPW, 1)])

    pltpu.sync_copy(zeros, acc.at[pl.ds(s * ROWS_PER_TILE, ROWS_PER_TILE)])
    if gather:
      pltpu.sync_copy(table.at[pl.ds(s * ROWS_PER_TILE, ROWS_PER_TILE)],
                      tbl.at[pl.ds(s * ROWS_PER_TILE, ROWS_PER_TILE)])
    plsc.subcore_barrier()

    if gather:
      pltpu.async_copy(tbl.at[src_v.at[0]], buf0, gsem0)

      def step(j, carry):
        i0 = 2 * j
        i1 = 2 * j + 1
        pltpu.make_async_copy(tbl.at[src_v.at[i0]], buf0, gsem0).wait()
        pltpu.async_copy(tbl.at[src_v.at[i1]], buf1, gsem1)
        pltpu.sync_copy(buf0, acc.at[dst_v.at[i0]], add=True)
        pltpu.make_async_copy(tbl.at[src_v.at[i1]], buf1, gsem1).wait()
        pltpu.async_copy(tbl.at[src_v.at[i0 + 2]], buf0, gsem0)
        pltpu.sync_copy(buf1, acc.at[dst_v.at[i1]], add=True)
        return carry

      lax.fori_loop(0, CPW // 2, step, 0)
      pltpu.make_async_copy(tbl.at[src_v.at[CPW - 1]], buf0, gsem0).wait()
      pltpu.sync_copy(buf0, acc.at[dst_v.at[CPW - 1]], add=True)
    else:
      pltpu.sync_copy(table, buf0)

      def step(j, carry):
        c0 = pltpu.async_copy(buf0, acc.at[dst_v.at[2 * j]], ssem0, add=True)
        c1 = pltpu.async_copy(buf0, acc.at[dst_v.at[2 * j + 1]], ssem1,
                              add=True)
        c0.wait()
        c1.wait()
        return carry

      lax.fori_loop(0, CPW // 2, step, 0)
      pltpu.sync_copy(buf0, acc.at[dst_v.at[CPW - 1]], add=True)

    plsc.subcore_barrier()
    pltpu.sync_copy(acc.at[pl.ds(s * ROWS_PER_TILE, ROWS_PER_TILE)],
                    out.at[pl.ds(s * ROWS_PER_TILE, ROWS_PER_TILE),
                           pl.ds(c * D, D)])

  return pl.kernel(
      body,
      out_type=jax.ShapeDtypeStruct((NPAD, NC * D), jnp.float32),
      mesh=mesh,
      scratch_types=[
          pltpu.VMEM((CPW, CH), jnp.int32),
          pltpu.VMEM((CPW, CH), jnp.int32),
          pltpu.VMEM((CH, D), jnp.float32),
          pltpu.VMEM((CH, D), jnp.float32),
          pltpu.VMEM_SHARED((NPAD, D), jnp.float32),
          pltpu.VMEM_SHARED((NPAD, D) if gather else (CH, D), jnp.float32),
          pltpu.SemaphoreType.DMA,
          pltpu.SemaphoreType.DMA,
          pltpu.SemaphoreType.DMA,
          pltpu.SemaphoreType.DMA,
      ],
      compiler_params=pltpu.CompilerParams(use_tc_tiling_on_sc=False),
  )


def _make_agg_fs(DH):
  mesh = plsc.VectorSubcoreMesh(core_axis_name="c", subcore_axis_name="s",
                                num_cores=NC, num_subcores=NS)

  def body(table, edges, zeros, out, src_v, dst_v, buf0, buf1, acc, tbl,
           gsem0, gsem1):
    c = lax.axis_index("c")
    s = lax.axis_index("s")
    row0 = s * RPT + jnp.minimum(s, XT)

    for k in range(CH // 16):
      src_v[RPT, pl.ds(k * 16, 16)] = jnp.zeros((16,), jnp.int32)
      dst_v[RPT, pl.ds(k * 16, 16)] = jnp.full((16,), TRASH, jnp.int32)
    pltpu.sync_copy(edges.at[0, pl.ds(row0, RPT)], src_v.at[pl.ds(0, RPT)])
    pltpu.sync_copy(edges.at[1, pl.ds(row0, RPT)], dst_v.at[pl.ds(0, RPT)])

    @pl.when(s < XT)
    def _():
      pltpu.sync_copy(edges.at[0, pl.ds(row0 + RPT, 1)],
                      src_v.at[pl.ds(RPT, 1)])
      pltpu.sync_copy(edges.at[1, pl.ds(row0 + RPT, 1)],
                      dst_v.at[pl.ds(RPT, 1)])

    pltpu.sync_copy(zeros, acc.at[pl.ds(s * ROWS_PER_TILE, ROWS_PER_TILE)])
    pltpu.sync_copy(
        table.at[pl.ds(s * ROWS_PER_TILE, ROWS_PER_TILE), pl.ds(c * DH, DH)],
        tbl.at[pl.ds(s * ROWS_PER_TILE, ROWS_PER_TILE)])
    plsc.subcore_barrier()

    pltpu.async_copy(tbl.at[src_v.at[0]], buf0, gsem0)

    def step(j, carry):
      i0 = 2 * j
      i1 = 2 * j + 1
      pltpu.make_async_copy(tbl.at[src_v.at[i0]], buf0, gsem0).wait()
      pltpu.async_copy(tbl.at[src_v.at[i1]], buf1, gsem1)
      pltpu.sync_copy(buf0, acc.at[dst_v.at[i0]], add=True)
      pltpu.make_async_copy(tbl.at[src_v.at[i1]], buf1, gsem1).wait()
      pltpu.async_copy(tbl.at[src_v.at[i0 + 2]], buf0, gsem0)
      pltpu.sync_copy(buf1, acc.at[dst_v.at[i1]], add=True)
      return carry

    lax.fori_loop(0, CPT // 2, step, 0)
    pltpu.make_async_copy(tbl.at[src_v.at[CPT - 1]], buf0, gsem0).wait()
    pltpu.sync_copy(buf0, acc.at[dst_v.at[CPT - 1]], add=True)

    plsc.subcore_barrier()
    pltpu.sync_copy(
        acc.at[pl.ds(s * ROWS_PER_TILE, ROWS_PER_TILE)],
        out.at[pl.ds(s * ROWS_PER_TILE, ROWS_PER_TILE), pl.ds(c * DH, DH)])

  return pl.kernel(
      body,
      out_type=jax.ShapeDtypeStruct((NPAD, 2 * DH), jnp.float32),
      mesh=mesh,
      scratch_types=[
          pltpu.VMEM((CPT, CH), jnp.int32),
          pltpu.VMEM((CPT, CH), jnp.int32),
          pltpu.VMEM((CH, DH), jnp.float32),
          pltpu.VMEM((CH, DH), jnp.float32),
          pltpu.VMEM_SHARED((NPAD, DH), jnp.float32),
          pltpu.VMEM_SHARED((NPAD, DH), jnp.float32),
          pltpu.SemaphoreType.DMA,
          pltpu.SemaphoreType.DMA,
      ],
      compiler_params=pltpu.CompilerParams(use_tc_tiling_on_sc=False),
  )


def _mm_body(x_ref, w_ref, o_ref):
  o_ref[...] = jnp.dot(x_ref[...], w_ref[...],
                       preferred_element_type=jnp.float32)


def _scale_body(m_ref, deg_ref, o_ref, d_ref):
  dis = lax.rsqrt(1.0 + deg_ref[:, 0:1] + deg_ref[:, 16:17])
  o_ref[...] = dis * m_ref[...]
  d_ref[...] = jnp.broadcast_to(dis, (BLK, 8))


def _mid_body(agg_ref, p_ref, b_ref, w_ref, dis_ref, o_ref):
  dis = dis_ref[:, 0:1]
  t = agg_ref[...] + p_ref[...]
  t = jnp.maximum(dis * t + b_ref[0:1, :], 0.0)
  o_ref[...] = dis * jnp.dot(t, w_ref[...],
                             preferred_element_type=jnp.float32)


def _last_body(parts_ref, p_ref, b_ref, w_ref, bl_ref, dis_ref, o_ref):
  dis = dis_ref[:, 0:1]
  d = p_ref.shape[1]
  t = parts_ref[:, 0:d] + parts_ref[:, d:2 * d] + p_ref[...]
  t = jnp.maximum(dis * t + b_ref[0:1, :], 0.0)
  o_ref[...] = jax.nn.sigmoid(
      jnp.dot(t, w_ref[...], preferred_element_type=jnp.float32)
      + bl_ref[0:1, 0:1])


def _row_spec(d):
  return pl.BlockSpec((BLK, d), lambda i: (i, 0))


def _full_spec(a, b):
  return pl.BlockSpec((a, b), lambda i: (0, 0))


def _tc_mm(x, w):
  dout = w.shape[1]
  return pl.pallas_call(
      _mm_body,
      grid=(GRID,),
      in_specs=[_row_spec(x.shape[1]), _full_spec(*w.shape)],
      out_specs=_row_spec(dout),
      out_shape=jax.ShapeDtypeStruct((NPAD, dout), jnp.float32),
  )(x, w)


def _tc_scale(m, degp):
  d = m.shape[1]
  return pl.pallas_call(
      _scale_body,
      grid=(GRID,),
      in_specs=[_row_spec(d), _row_spec(32)],
      out_specs=[_row_spec(d), _row_spec(8)],
      out_shape=[jax.ShapeDtypeStruct((NPAD, d), jnp.float32),
                 jax.ShapeDtypeStruct((NPAD, 8), jnp.float32)],
  )(m, degp)


def _tc_mid(agg, p, b8, w, dis8):
  d = w.shape[0]
  dout = w.shape[1]
  return pl.pallas_call(
      _mid_body,
      grid=(GRID,),
      in_specs=[_row_spec(d), _row_spec(d), _full_spec(8, d),
                _full_spec(*w.shape), _row_spec(8)],
      out_specs=_row_spec(dout),
      out_shape=jax.ShapeDtypeStruct((NPAD, dout), jnp.float32),
  )(agg, p, b8, w, dis8)


def _tc_last(parts, p, b8, wl, bl8, dis8):
  d = wl.shape[0]
  return pl.pallas_call(
      _last_body,
      grid=(GRID,),
      in_specs=[_row_spec(2 * d), _row_spec(d), _full_spec(8, d),
                _full_spec(*wl.shape), _full_spec(8, 8), _row_spec(8)],
      out_specs=_row_spec(1),
      out_shape=jax.ShapeDtypeStruct((N, 1), jnp.float32),
  )(parts, p, b8, wl, bl8, dis8)


@jax.jit
def kernel(x, edge_index, W1, b1, W2, b2, W3, b3, Wl, bl):
  e3 = edge_index.reshape(2, EROWS, CH)

  b18 = jnp.broadcast_to(b1, (8, b1.shape[0]))
  b28 = jnp.broadcast_to(b2, (8, b2.shape[0]))
  b38 = jnp.broadcast_to(b3, (8, b3.shape[0]))
  bl8 = jnp.broadcast_to(bl, (8, 8))

  z16 = jnp.zeros((ROWS_PER_TILE, 16), jnp.float32)
  z32 = jnp.zeros((ROWS_PER_TILE, 32), jnp.float32)
  ones16 = jnp.ones((CH, 16), jnp.float32)

  degp = _make_agg(16, gather=False)(ones16, e3, z16)
  m1 = _tc_mm(x, W1)
  p1, dis8 = _tc_scale(m1, degp)
  a1 = _make_agg_fs(32)(p1, e3, z32)
  p2 = _tc_mid(a1, p1, b18, W2, dis8)
  a2 = _make_agg_fs(16)(p2, e3, z16)
  p3 = _tc_mid(a2, p2, b28, W3, dis8)
  a3 = _make_agg(16)(p3, e3, z16)
  return _tc_last(a3, p3, b38, Wl, bl8, dis8)

# --- scband reference (transcript-rebuilt; emitter-appended) ---
"""Pipeline reference for scband-gcn3-layer-83124797046809 (READ-ONLY COPY).

The authoritative reference and input builder live on the scoring server;
editing this copy changes nothing except your own understanding.
"""

import jax, jax.numpy as jnp
import numpy as np

N = 10000
E = 320000
F = 128


def setup_inputs(seed: int = 0) -> dict:
    key = jax.random.key(seed)
    ks = jax.random.split(key, 12)
    x = jax.random.normal(ks[0], (N, F), dtype=jnp.float32)
    edge_index = jax.random.randint(ks[1], (2, E), 0, N, dtype=jnp.int32)
    W1 = jax.random.normal(ks[2], (F, 64), dtype=jnp.float32) / np.sqrt(F)
    b1 = jnp.zeros((64,), dtype=jnp.float32)
    W2 = jax.random.normal(ks[3], (64, 32), dtype=jnp.float32) / np.sqrt(64)
    b2 = jnp.zeros((32,), dtype=jnp.float32)
    W3 = jax.random.normal(ks[4], (32, 16), dtype=jnp.float32) / np.sqrt(32)
    b3 = jnp.zeros((16,), dtype=jnp.float32)
    Wl = jax.random.normal(ks[5], (16, 1), dtype=jnp.float32) / np.sqrt(16)
    bl = jnp.zeros((1,), dtype=jnp.float32)
    return {"x": x, "edge_index": edge_index, "W1": W1, "b1": b1,
            "W2": W2, "b2": b2, "W3": W3, "b3": b3, "Wl": Wl, "bl": bl}


def _gcn_conv(x, edge_index, W, b):
    # PyG GCNConv: linear transform, add self-loops, symmetric normalization, scatter-add aggregate
    h = x @ W
    n = x.shape[0]
    loop = jnp.arange(n, dtype=edge_index.dtype)
    src = jnp.concatenate([edge_index[0], loop])
    dst = jnp.concatenate([edge_index[1], loop])
    deg = jax.ops.segment_sum(jnp.ones_like(src, dtype=h.dtype), dst, num_segments=n)
    deg_inv_sqrt = jnp.where(deg > 0, jax.lax.rsqrt(jnp.maximum(deg, 1e-12)), 0.0)
    norm = deg_inv_sqrt[src] * deg_inv_sqrt[dst]
    msg = norm[:, None] * jnp.take(h, src, axis=0)
    out = jax.ops.segment_sum(msg, dst, num_segments=n)
    return out + b


def reference(x, edge_index, W1, b1, W2, b2, W3, b3, Wl, bl):
    # dropout is identity in eval/reference mode
    h = jax.nn.relu(_gcn_conv(x, edge_index, W1, b1))
    h = jax.nn.relu(_gcn_conv(h, edge_index, W2, b2))
    h = jax.nn.relu(_gcn_conv(h, edge_index, W3, b3))
    out = jax.nn.sigmoid(h @ Wl + bl)
    return out

if __name__ == "__main__":
    import jax
    _d = setup_inputs()
    print(jax.jit(kernel)(*tuple(_d.values())))

</pallas_src>

<mosaic_0001>
#map = affine_map<(d0, d1) -> (0, 0)>
#map1 = affine_map<(d0, d1) -> (0, 0, 0)>
module attributes {stable_mosaic.version = 14 : i64} {
  func.func @body(%arg0: i32, %arg1: i32, %arg2: memref<128x16xf32, #tpu.memory_space<hbm>>, %arg3: memref<2x2500x128xi32, #tpu.memory_space<hbm>>, %arg4: memref<640x16xf32, #tpu.memory_space<hbm>>, %arg5: memref<10240x32xf32, #tpu.memory_space<hbm>>, %arg6: memref<79x128xi32, #tpu.memory_space<vmem>>, %arg7: memref<79x128xi32, #tpu.memory_space<vmem>>, %arg8: memref<128x16xf32, #tpu.memory_space<vmem>>, %arg9: memref<128x16xf32, #tpu.memory_space<vmem>>, %arg10: memref<10240x16xf32, #tpu.memory_space<vmem_shared>>, %arg11: memref<128x16xf32, #tpu.memory_space<vmem_shared>>, %arg12: memref<!tpu.dma_semaphore, #tpu.memory_space<semaphore_mem>>, %arg13: memref<!tpu.dma_semaphore, #tpu.memory_space<semaphore_mem>>, %arg14: memref<!tpu.dma_semaphore, #tpu.memory_space<semaphore_mem>>, %arg15: memref<!tpu.dma_semaphore, #tpu.memory_space<semaphore_mem>>) attributes {dimension_semantics = [#tpu.dimension_semantics<core_parallel>, #tpu.dimension_semantics<subcore_parallel>], iteration_bounds = array<i64: 2, 16>, scalar_prefetch = 0 : i64, scratch_operands = 10 : i64, tpu.core_type = #tpu.core_type<sc_vector_subcore>, window_params = [{transform_indices = #map}, {transform_indices = #map1}, {transform_indices = #map}, {transform_indices = #map}]} {
    %mul3A = arith.constant 16 : i32
    %mul3A_0 = arith.muli %arg0, %mul3A : i32
    %add3A = arith.addi %mul3A_0, %arg1 : i32
    %mul3A_1 = arith.constant 78 : i32
    %mul3A_2 = arith.muli %add3A, %mul3A_1 : i32
    %min3A = arith.constant 4 : i32
    %min3A_3 = arith.minsi %add3A, %min3A : i32
    %add3A_4 = arith.addi %mul3A_2, %min3A_3 : i32
    %broadcast_in_dim3A = arith.constant 0 : i32
    %broadcast_in_dim3A_5 = vector.broadcast %broadcast_in_dim3A : i32 to vector<16xi32>
    %swap3A = arith.constant 78 : i32
    %swap3A_6 = arith.index_cast %swap3A : i32 to index
    %swap3A_7 = arith.constant 0 : index
    %swap3A_8 = tpu.vector_load %arg6[%swap3A_6, %swap3A_7] {strides = array<i32>} : memref<79x128xi32, #tpu.memory_space<vmem>>, vector<1x16xi32>,
    %swap3A_9 = vector.shape_cast %swap3A_8 : vector<1x16xi32> to vector<16xi32>
    %swap3A_10 = vector.shape_cast %broadcast_in_dim3A_5 : vector<16xi32> to vector<1x16xi32>
    tpu.vector_store %arg6[%swap3A_6, %swap3A_7], %swap3A_10 {strides = array<i32>} : memref<79x128xi32, #tpu.memory_space<vmem>>, vector<1x16xi32>,
    %broadcast_in_dim3A_11 = arith.constant 10000 : i32
    %broadcast_in_dim3A_12 = vector.broadcast %broadcast_in_dim3A_11 : i32 to vector<16xi32>
    %swap3A_13 = arith.constant 78 : i32
    %swap3A_14 = arith.index_cast %swap3A_13 : i32 to index
    %swap3A_15 = arith.constant 0 : index
    %swap3A_16 = tpu.vector_load %arg7[%swap3A_14, %swap3A_15] {strides = array<i32>} : memref<79x128xi32, #tpu.memory_space<vmem>>, vector<1x16xi32>,
    %swap3A_17 = vector.shape_cast %swap3A_16 : vector<1x16xi32> to vector<16xi32>
    %swap3A_18 = vector.shape_cast %broadcast_in_dim3A_12 : vector<16xi32> to vector<1x16xi32>
    tpu.vector_store %arg7[%swap3A_14, %swap3A_15], %swap3A_18 {strides = array<i32>} : memref<79x128xi32, #tpu.memory_space<vmem>>, vector<1x16xi32>,
    %broadcast_in_dim3A_19 = arith.constant 0 : i32
    %broadcast_in_dim3A_20 = vector.broadcast %broadcast_in_dim3A_19 : i32 to vector<16xi32>
    %swap3A_21 = arith.constant 78 : i32
    %swap3A_22 = arith.index_cast %swap3A_21 : i32 to index
    %swap3A_23 = arith.constant 16 : index
    %swap3A_24 = tpu.vector_load %arg6[%swap3A_22, %swap3A_23] {strides = array<i32>} : memref<79x128xi32, #tpu.memory_space<vmem>>, vector<1x16xi32>,
    %swap3A_25 = vector.shape_cast %swap3A_24 : vector<1x16xi32> to vector<16xi32>
    %swap3A_26 = vector.shape_cast %broadcast_in_dim3A_20 : vector<16xi32> to vector<1x16xi32>
    tpu.vector_store %arg6[%swap3A_22, %swap3A_23], %swap3A_26 {strides = array<i32>} : memref<79x128xi32, #tpu.memory_space<vmem>>, vector<1x16xi32>,
    %broadcast_in_dim3A_27 = arith.constant 10000 : i32
    %broadcast_in_dim3A_28 = vector.broadcast %broadcast_in_dim3A_27 : i32 to vector<16xi32>
    %swap3A_29 = arith.constant 78 : i32
    %swap3A_30 = arith.index_cast %swap3A_29 : i32 to index
    %swap3A_31 = arith.constant 16 : index
    %swap3A_32 = tpu.vector_load %arg7[%swap3A_30, %swap3A_31] {strides = array<i32>} : memref<79x128xi32, #tpu.memory_space<vmem>>, vector<1x16xi32>,
    %swap3A_33 = vector.shape_cast %swap3A_32 : vector<1x16xi32> to vector<16xi32>
    %swap3A_34 = vector.shape_cast %broadcast_in_dim3A_28 : vector<16xi32> to vector<1x16xi32>
    tpu.vector_store %arg7[%swap3A_30, %swap3A_31], %swap3A_34 {strides = array<i32>} : memref<79x128xi32, #tpu.memory_space<vmem>>, vector<1x16xi32>,
    %broadcast_in_dim3A_35 = arith.constant 0 : i32
    %broadcast_in_dim3A_36 = vector.broadcast %broadcast_in_dim3A_35 : i32 to vector<16xi32>
    %swap3A_37 = arith.constant 78 : i32
    %swap3A_38 = arith.index_cast %swap3A_37 : i32 to index
    %swap3A_39 = arith.constant 32 : index
    %swap3A_40 = tpu.vector_load %arg6[%swap3A_38, %swap3A_39] {strides = array<i32>} : memref<79x128xi32, #tpu.memory_space<vmem>>, vector<1x16xi32>,
    %swap3A_41 = vector.shape_cast %swap3A_40 : vector<1x16xi32> to vector<16xi32>
    %swap3A_42 = vector.shape_cast %broadcast_in_dim3A_36 : vector<16xi32> to vector<1x16xi32>
    tpu.vector_store %arg6[%swap3A_38, %swap3A_39], %swap3A_42 {strides = array<i32>} : memref<79x128xi32, #tpu.memory_space<vmem>>, vector<1x16xi32>,
    %broadcast_in_dim3A_43 = arith.constant 10000 : i32
    %broadcast_in_dim3A_44 = vector.broadcast %broadcast_in_dim3A_43 : i32 to vector<16xi32>
    %swap3A_45 = arith.constant 78 : i32
    %swap3A_46 = arith.index_cast %swap3A_45 : i32 to index
    %swap3A_47 = arith.constant 32 : index
    %swap3A_48 = tpu.vector_load %arg7[%swap3A_46, %swap3A_47] {strides = array<i32>} : memref<79x128xi32, #tpu.memory_space<vmem>>, vector<1x16xi32>,
    %swap3A_49 = vector.shape_cast %swap3A_48 : vector<1x16xi32> to vector<16xi32>
    %swap3A_50 = vector.shape_cast %broadcast_in_dim3A_44 : vector<16xi32> to vector<1x16xi32>
    tpu.vector_store %arg7[%swap3A_46, %swap3A_47], %swap3A_50 {strides = array<i32>} : memref<79x128xi32, #tpu.memory_space<vmem>>, vector<1x16xi32>,
    %broadcast_in_dim3A_51 = arith.constant 0 : i32
    %broadcast_in_dim3A_52 = vector.broadcast %broadcast_in_dim3A_51 : i32 to vector<16xi32>
    %swap3A_53 = arith.constant 78 : i32
    %swap3A_54 = arith.index_cast %swap3A_53 : i32 to index
    %swap3A_55 = arith.constant 48 : index
    %swap3A_56 = tpu.vector_load %arg6[%swap3A_54, %swap3A_55] {strides = array<i32>} : memref<79x128xi32, #tpu.memory_space<vmem>>, vector<1x16xi32>,
    %swap3A_57 = vector.shape_cast %swap3A_56 : vector<1x16xi32> to vector<16xi32>
    %swap3A_58 = vector.shape_cast %broadcast_in_dim3A_52 : vector<16xi32> to vector<1x16xi32>
    tpu.vector_store %arg6[%swap3A_54, %swap3A_55], %swap3A_58 {strides = array<i32>} : memref<79x128xi32, #tpu.memory_space<vmem>>, vector<1x16xi32>,
    %broadcast_in_dim3A_59 = arith.constant 10000 : i32
    %broadcast_in_dim3A_60 = vector.broadcast %broadcast_in_dim3A_59 : i32 to vector<16xi32>
    %swap3A_61 = arith.constant 78 : i32
    %swap3A_62 = arith.index_cast %swap3A_61 : i32 to index
    %swap3A_63 = arith.constant 48 : index
    %swap3A_64 = tpu.vector_load %arg7[%swap3A_62, %swap3A_63] {strides = array<i32>} : memref<79x128xi32, #tpu.memory_space<vmem>>, vector<1x16xi32>,
    %swap3A_65 = vector.shape_cast %swap3A_64 : vector<1x16xi32> to vector<16xi32>
    %swap3A_66 = vector.shape_cast %broadcast_in_dim3A_60 : vector<16xi32> to vector<1x16xi32>
    tpu.vector_store %arg7[%swap3A_62, %swap3A_63], %swap3A_66 {strides = array<i32>} : memref<79x128xi32, #tpu.memory_space<vmem>>, vector<1x16xi32>,
    %broadcast_in_dim3A_67 = arith.constant 0 : i32
    %broadcast_in_dim3A_68 = vector.broadcast %broadcast_in_dim3A_67 : i32 to vector<16xi32>
    %swap3A_69 = arith.constant 78 : i32
    %swap3A_70 = arith.index_cast %swap3A_69 : i32 to index
    %swap3A_71 = arith.constant 64 : index
    %swap3A_72 = tpu.vector_load %arg6[%swap3A_70, %swap3A_71] {strides = array<i32>} : memref<79x128xi32, #tpu.memory_space<vmem>>, vector<1x16xi32>,
    %swap3A_73 = vector.shape_cast %swap3A_72 : vector<1x16xi32> to vector<16xi32>
    %swap3A_74 = vector.shape_cast %broadcast_in_dim3A_68 : vector<16xi32> to vector<1x16xi32>
    tpu.vector_store %arg6[%swap3A_70, %swap3A_71], %swap3A_74 {strides = array<i32>} : memref<79x128xi32, #tpu.memory_space<vmem>>, vector<1x16xi32>,
    %broadcast_in_dim3A_75 = arith.constant 10000 : i32
    %broadcast_in_dim3A_76 = vector.broadcast %broadcast_in_dim3A_75 : i32 to vector<16xi32>
    %swap3A_77 = arith.constant 78 : i32
    %swap3A_78 = arith.index_cast %swap3A_77 : i32 to index
    %swap3A_79 = arith.constant 64 : index
    %swap3A_80 = tpu.vector_load %arg7[%swap3A_78, %swap3A_79] {strides = array<i32>} : memref<79x128xi32, #tpu.memory_space<vmem>>, vector<1x16xi32>,
    %swap3A_81 = vector.shape_cast %swap3A_80 : vector<1x16xi32> to vector<16xi32>
    %swap3A_82 = vector.shape_cast %broadcast_in_dim3A_76 : vector<16xi32> to vector<1x16xi32>
    tpu.vector_store %arg7[%swap3A_78, %swap3A_79], %swap3A_82 {strides = array<i32>} : memref<79x128xi32, #tpu.memory_space<vmem>>, vector<1x16xi32>,
    %broadcast_in_dim3A_83 = arith.constant 0 : i32
    %broadcast_in_dim3A_84 = vector.broadcast %broadcast_in_dim3A_83 : i32 to vector<16xi32>
    %swap3A_85 = arith.constant 78 : i32
    %swap3A_86 = arith.index_cast %swap3A_85 : i32 to index
    %swap3A_87 = arith.constant 80 : index
    %swap3A_88 = tpu.vector_load %arg6[%swap3A_86, %swap3A_87] {strides = array<i32>} : memref<79x128xi32, #tpu.memory_space<vmem>>, vector<1x16xi32>,
    %swap3A_89 = vector.shape_cast %swap3A_88 : vector<1x16xi32> to vector<16xi32>
    %swap3A_90 = vector.shape_cast %broadcast_in_dim3A_84 : vector<16xi32> to vector<1x16xi32>
    tpu.vector_store %arg6[%swap3A_86, %swap3A_87], %swap3A_90 {strides = array<i32>} : memref<79x128xi32, #tpu.memory_space<vmem>>, vector<1x16xi32>,
    %broadcast_in_dim3A_91 = arith.constant 10000 : i32
    %broadcast_in_dim3A_92 = vector.broadcast %broadcast_in_dim3A_91 : i32 to vector<16xi32>
    %swap3A_93 = arith.constant 78 : i32
    %swap3A_94 = arith.index_cast %swap3A_93 : i32 to index
    %swap3A_95 = arith.constant 80 : index
    %swap3A_96 = tpu.vector_load %arg7[%swap3A_94, %swap3A_95] {strides = array<i32>} : memref<79x128xi32, #tpu.memory_space<vmem>>, vector<1x16xi32>,
    %swap3A_97 = vector.shape_cast %swap3A_96 : vector<1x16xi32> to vector<16xi32>
    %swap3A_98 = vector.shape_cast %broadcast_in_dim3A_92 : vector<16xi32> to vector<1x16xi32>
    tpu.vector_store %arg7[%swap3A_94, %swap3A_95], %swap3A_98 {strides = array<i32>} : memref<79x128xi32, #tpu.memory_space<vmem>>, vector<1x16xi32>,
    %broadcast_in_dim3A_99 = arith.constant 0 : i32
    %broadcast_in_dim3A_100 = vector.broadcast %broadcast_in_dim3A_99 : i32 to vector<16xi32>
    %swap3A_101 = arith.constant 78 : i32
    %swap3A_102 = arith.index_cast %swap3A_101 : i32 to index
    %swap3A_103 = arith.constant 96 : index
    %swap3A_104 = tpu.vector_load %arg6[%swap3A_102, %swap3A_103] {strides = array<i32>} : memref<79x128xi32, #tpu.memory_space<vmem>>, vector<1x16xi32>,
    %swap3A_105 = vector.shape_cast %swap3A_104 : vector<1x16xi32> to vector<16xi32>
    %swap3A_106 = vector.shape_cast %broadcast_in_dim3A_100 : vector<16xi32> to vector<1x16xi32>
    tpu.vector_store %arg6[%swap3A_102, %swap3A_103], %swap3A_106 {strides = array<i32>} : memref<79x128xi32, #tpu.memory_space<vmem>>, vector<1x16xi32>,
    %broadcast_in_dim3A_107 = arith.constant 10000 : i32
    %broadcast_in_dim3A_108 = vector.broadcast %broadcast_in_dim3A_107 : i32 to vector<16xi32>
    %swap3A_109 = arith.constant 78 : i32
    %swap3A_110 = arith.index_cast %swap3A_109 : i32 to index
    %swap3A_111 = arith.constant 96 : index
    %swap3A_112 = tpu.vector_load %arg7[%swap3A_110, %swap3A_111] {strides = array<i32>} : memref<79x128xi32, #tpu.memory_space<vmem>>, vector<1x16xi32>,
    %swap3A_113 = vector.shape_cast %swap3A_112 : vector<1x16xi32> to vector<16xi32>
    %swap3A_114 = vector.shape_cast %broadcast_in_dim3A_108 : vector<16xi32> to vector<1x16xi32>
    tpu.vector_store %arg7[%swap3A_110, %swap3A_111], %swap3A_114 {strides = array<i32>} : memref<79x128xi32, #tpu.memory_space<vmem>>, vector<1x16xi32>,
    %broadcast_in_dim3A_115 = arith.constant 0 : i32
    %broadcast_in_dim3A_116 = vector.broadcast %broadcast_in_dim3A_115 : i32 to vector<16xi32>
    %swap3A_117 = arith.constant 78 : i32
    %swap3A_118 = arith.index_cast %swap3A_117 : i32 to index
    %swap3A_119 = arith.constant 112 : index
    %swap3A_120 = tpu.vector_load %arg6[%swap3A_118, %swap3A_119] {strides = array<i32>} : memref<79x128xi32, #tpu.memory_space<vmem>>, vector<1x16xi32>,
    %swap3A_121 = vector.shape_cast %swap3A_120 : vector<1x16xi32> to vector<16xi32>
    %swap3A_122 = vector.shape_cast %broadcast_in_dim3A_116 : vector<16xi32> to vector<1x16xi32>
    tpu.vector_store %arg6[%swap3A_118, %swap3A_119], %swap3A_122 {strides = array<i32>} : memref<79x128xi32, #tpu.memory_space<vmem>>, vector<1x16xi32>,
    %broadcast_in_dim3A_123 = arith.constant 10000 : i32
    %broadcast_in_dim3A_124 = vector.broadcast %broadcast_in_dim3A_123 : i32 to vector<16xi32>
    %swap3A_125 = arith.constant 78 : i32
    %swap3A_126 = arith.index_cast %swap3A_125 : i32 to index
    %swap3A_127 = arith.constant 112 : index
    %swap3A_128 = tpu.vector_load %arg7[%swap3A_126, %swap3A_127] {strides = array<i32>} : memref<79x128xi32, #tpu.memory_space<vmem>>, vector<1x16xi32>,
    %swap3A_129 = vector.shape_cast %swap3A_128 : vector<1x16xi32> to vector<16xi32>
    %swap3A_130 = vector.shape_cast %broadcast_in_dim3A_124 : vector<16xi32> to vector<1x16xi32>
    tpu.vector_store %arg7[%swap3A_126, %swap3A_127], %swap3A_130 {strides = array<i32>} : memref<79x128xi32, #tpu.memory_space<vmem>>, vector<1x16xi32>,
    %run_scoped3A = arith.constant 1 : i32
    "tpu.region"() ({
      %run_scoped3A_148 = tpu.sem_alloc : memref<!tpu.dma_semaphore, #tpu.memory_space<semaphore_mem>>
      %dma_start3A = arith.constant 0 : i32
      %dma_start3A_149 = arith.constant 0 : i32
      %dma_start3A_150 = tpu.memref_slice %arg7[%dma_start3A, %dma_start3A_149] : memref<79x128xi32, #tpu.memory_space<vmem>> -> memref<78x128xi32, #tpu.memory_space<vmem>>
      %dma_start3A_151 = arith.constant 0 : i32
      %dma_start3A_152 = tpu.memref_slice %arg3[%run_scoped3A, %add3A_4, %dma_start3A_151] : memref<2x2500x128xi32, #tpu.memory_space<hbm>> -> memref<1x78x128xi32, #tpu.memory_space<hbm>>
      %dma_start3A_153 = tpu.memref_squeeze %dma_start3A_152 : memref<1x78x128xi32, #tpu.memory_space<hbm>> -> memref<78x128xi32, #tpu.memory_space<hbm>>
      %dma_start3A_154 = arith.constant 0 : i32
      %dma_start3A_155 = arith.constant 0 : i32
      %dma_start3A_156 = tpu.memref_slice %arg7[%dma_start3A_154, %dma_start3A_155] : memref<79x128xi32, #tpu.memory_space<vmem>> -> memref<78x128xi32, #tpu.memory_space<vmem>>
      %dma_start3A_157 = arith.constant 0 : i32
      %dma_start3A_158 = tpu.memref_slice %arg3[%run_scoped3A, %add3A_4, %dma_start3A_157] : memref<2x2500x128xi32, #tpu.memory_space<hbm>> -> memref<1x78x128xi32, #tpu.memory_space<hbm>>
      %dma_start3A_159 = tpu.memref_squeeze %dma_start3A_158 : memref<1x78x128xi32, #tpu.memory_space<hbm>> -> memref<78x128xi32, #tpu.memory_space<hbm>>
      tpu.enqueue_dma source(%dma_start3A_159 : memref<78x128xi32, #tpu.memory_space<hbm>>) target(%dma_start3A_156 : memref<78x128xi32, #tpu.memory_space<vmem>>) target_semaphore(%run_scoped3A_148 : memref<!tpu.dma_semaphore, #tpu.memory_space<semaphore_mem>>)
      %dma_wait3A = arith.constant 0 : i32
      %dma_wait3A_160 = arith.constant 0 : i32
      %dma_wait3A_161 = tpu.memref_slice %arg7[%dma_wait3A, %dma_wait3A_160] : memref<79x128xi32, #tpu.memory_space<vmem>> -> memref<78x128xi32, #tpu.memory_space<vmem>>
      %dma_wait3A_162 = arith.constant 0 : i32
      %dma_wait3A_163 = tpu.memref_slice %arg3[%run_scoped3A, %add3A_4, %dma_wait3A_162] : memref<2x2500x128xi32, #tpu.memory_space<hbm>> -> memref<1x78x128xi32, #tpu.memory_space<hbm>>
      %dma_wait3A_164 = tpu.memref_squeeze %dma_wait3A_163 : memref<1x78x128xi32, #tpu.memory_space<hbm>> -> memref<78x128xi32, #tpu.memory_space<hbm>>
      %dma_wait3A_165 = arith.constant 0 : i32
      %dma_wait3A_166 = arith.constant 0 : i32
      %dma_wait3A_167 = tpu.memref_slice %arg7[%dma_wait3A_165, %dma_wait3A_166] : memref<79x128xi32, #tpu.memory_space<vmem>> -> memref<78x128xi32, #tpu.memory_space<vmem>>
      %dma_wait3A_168 = arith.constant 0 : i32
      %dma_wait3A_169 = tpu.memref_slice %arg3[%run_scoped3A, %add3A_4, %dma_wait3A_168] : memref<2x2500x128xi32, #tpu.memory_space<hbm>> -> memref<1x78x128xi32, #tpu.memory_space<hbm>>
      %dma_wait3A_170 = tpu.memref_squeeze %dma_wait3A_169 : memref<1x78x128xi32, #tpu.memory_space<hbm>> -> memref<78x128xi32, #tpu.memory_space<hbm>>
      tpu.wait_dma2 semaphore(%run_scoped3A_148 : memref<!tpu.dma_semaphore, #tpu.memory_space<semaphore_mem>>) src(%dma_wait3A_170 : memref<78x128xi32, #tpu.memory_space<hbm>>) dst(%dma_wait3A_167 : memref<78x128xi32, #tpu.memory_space<vmem>>)
      tpu.yield
    }) : () -> ()
    %lt3A = arith.constant 4 : i32
    %lt3A_131 = arith.cmpi slt, %add3A, %lt3A : i32
    %convert_element_type3A = arith.extui %lt3A_131 : i1 to i32
    %cond3A = arith.constant 0 : i32
    %cond3A_132 = arith.cmpi ne, %convert_element_type3A, %cond3A : i32
    scf.if %cond3A_132 {
      %add3A_148 = arith.constant 78 : i32
      %add3A_149 = arith.addi %add3A_4, %add3A_148 : i32
      %run_scoped3A_150 = arith.constant 1 : i32
      "tpu.region"() ({
        %run_scoped3A_151 = tpu.sem_alloc : memref<!tpu.dma_semaphore, #tpu.memory_space<semaphore_mem>>
        %dma_start3A = arith.constant 78 : i32
        %dma_start3A_152 = arith.constant 0 : i32
        %dma_start3A_153 = tpu.memref_slice %arg7[%dma_start3A, %dma_start3A_152] : memref<79x128xi32, #tpu.memory_space<vmem>> -> memref<1x128xi32, #tpu.memory_space<vmem>>
        %dma_start3A_154 = arith.constant 0 : i32
        %dma_start3A_155 = tpu.memref_slice %arg3[%run_scoped3A_150, %add3A_149, %dma_start3A_154] : memref<2x2500x128xi32, #tpu.memory_space<hbm>> -> memref<1x1x128xi32, #tpu.memory_space<hbm>>
        %dma_start3A_156 = tpu.memref_squeeze %dma_start3A_155 : memref<1x1x128xi32, #tpu.memory_space<hbm>> -> memref<1x128xi32, #tpu.memory_space<hbm>>
        %dma_start3A_157 = arith.constant 78 : i32
        %dma_start3A_158 = arith.constant 0 : i32
        %dma_start3A_159 = tpu.memref_slice %arg7[%dma_start3A_157, %dma_start3A_158] : memref<79x128xi32, #tpu.memory_space<vmem>> -> memref<1x128xi32, #tpu.memory_space<vmem>>
        %dma_start3A_160 = arith.constant 0 : i32
        %dma_start3A_161 = tpu.memref_slice %arg3[%run_scoped3A_150, %add3A_149, %dma_start3A_160] : memref<2x2500x128xi32, #tpu.memory_space<hbm>> -> memref<1x1x128xi32, #tpu.memory_space<hbm>>
        %dma_start3A_162 = tpu.memref_squeeze %dma_start3A_161 : memref<1x1x128xi32, #tpu.memory_space<hbm>> -> memref<1x128xi32, #tpu.memory_space<hbm>>
        tpu.enqueue_dma source(%dma_start3A_162 : memref<1x128xi32, #tpu.memory_space<hbm>>) target(%dma_start3A_159 : memref<1x128xi32, #tpu.memory_space<vmem>>) target_semaphore(%run_scoped3A_151 : memref<!tpu.dma_semaphore, #tpu.memory_space<semaphore_mem>>)
        %dma_wait3A = arith.constant 78 : i32
        %dma_wait3A_163 = arith.constant 0 : i32
        %dma_wait3A_164 = tpu.memref_slice %arg7[%dma_wait3A, %dma_wait3A_163] : memref<79x128xi32, #tpu.memory_space<vmem>> -> memref<1x128xi32, #tpu.memory_space<vmem>>
        %dma_wait3A_165 = arith.constant 0 : i32
        %dma_wait3A_166 = tpu.memref_slice %arg3[%run_scoped3A_150, %add3A_149, %dma_wait3A_165] : memref<2x2500x128xi32, #tpu.memory_space<hbm>> -> memref<1x1x128xi32, #tpu.memory_space<hbm>>
        %dma_wait3A_167 = tpu.memref_squeeze %dma_wait3A_166 : memref<1x1x128xi32, #tpu.memory_space<hbm>> -> memref<1x128xi32, #tpu.memory_space<hbm>>
        %dma_wait3A_168 = arith.constant 78 : i32
        %dma_wait3A_169 = arith.constant 0 : i32
        %dma_wait3A_170 = tpu.memref_slice %arg7[%dma_wait3A_168, %dma_wait3A_169] : memref<79x128xi32, #tpu.memory_space<vmem>> -> memref<1x128xi32, #tpu.memory_space<vmem>>
        %dma_wait3A_171 = arith.constant 0 : i32
        %dma_wait3A_172 = tpu.memref_slice %arg3[%run_scoped3A_150, %add3A_149, %dma_wait3A_171] : memref<2x2500x128xi32, #tpu.memory_space<hbm>> -> memref<1x1x128xi32, #tpu.memory_space<hbm>>
        %dma_wait3A_173 = tpu.memref_squeeze %dma_wait3A_172 : memref<1x1x128xi32, #tpu.memory_space<hbm>> -> memref<1x128xi32, #tpu.memory_space<hbm>>
        tpu.wait_dma2 semaphore(%run_scoped3A_151 : memref<!tpu.dma_semaphore, #tpu.memory_space<semaphore_mem>>) src(%dma_wait3A_173 : memref<1x128xi32, #tpu.memory_space<hbm>>) dst(%dma_wait3A_170 : memref<1x128xi32, #tpu.memory_space<vmem>>)
        tpu.yield
      }) : () -> ()
    } else {
    }
    %mul3A_133 = arith.constant 640 : i32
    %mul3A_134 = arith.muli %arg1, %mul3A_133 : i32
    "tpu.region"() ({
      %run_scoped3A_148 = tpu.sem_alloc : memref<!tpu.dma_semaphore, #tpu.memory_space<semaphore_mem>>
      %dma_start3A = arith.constant 0 : i32
      %dma_start3A_149 = tpu.memref_slice %arg10[%mul3A_134, %dma_start3A] : memref<10240x16xf32, #tpu.memory_space<vmem_shared>> -> memref<640x16xf32, #tpu.memory_space<vmem_shared>>
      tpu.enqueue_dma source(%arg4 : memref<640x16xf32, #tpu.memory_space<hbm>>) target(%dma_start3A_149 : memref<640x16xf32, #tpu.memory_space<vmem_shared>>) target_semaphore(%run_scoped3A_148 : memref<!tpu.dma_semaphore, #tpu.memory_space<semaphore_mem>>)
      %dma_wait3A = arith.constant 0 : i32
      %dma_wait3A_150 = tpu.memref_slice %arg10[%mul3A_134, %dma_wait3A] : memref<10240x16xf32, #tpu.memory_space<vmem_shared>> -> memref<640x16xf32, #tpu.memory_space<vmem_shared>>
      tpu.wait_dma2 semaphore(%run_scoped3A_148 : memref<!tpu.dma_semaphore, #tpu.memory_space<semaphore_mem>>) src(%arg4 : memref<640x16xf32, #tpu.memory_space<hbm>>) dst(%dma_wait3A_150 : memref<640x16xf32, #tpu.memory_space<vmem_shared>>)
      tpu.yield
    }) : () -> ()
    %barrier3A = arith.constant 0 : index
    tpu.barrier barrier_id(%barrier3A)
    "tpu.region"() ({
      %run_scoped3A_148 = tpu.sem_alloc : memref<!tpu.dma_semaphore, #tpu.memory_space<semaphore_mem>>
      tpu.enqueue_dma source(%arg2 : memref<128x16xf32, #tpu.memory_space<hbm>>) target(%arg8 : memref<128x16xf32, #tpu.memory_space<vmem>>) target_semaphore(%run_scoped3A_148 : memref<!tpu.dma_semaphore, #tpu.memory_space<semaphore_mem>>)
      tpu.wait_dma2 semaphore(%run_scoped3A_148 : memref<!tpu.dma_semaphore, #tpu.memory_space<semaphore_mem>>) src(%arg2 : memref<128x16xf32, #tpu.memory_space<hbm>>) dst(%arg8 : memref<128x16xf32, #tpu.memory_space<vmem>>)
      tpu.yield
    }) : () -> ()
    %scan3A = arith.constant 0 : i32
    %scan3A_135 = arith.constant 0 : i32
    %scan3A_136 = arith.constant 39 : i32
    %scan3A_137 = arith.addi %scan3A_135, %scan3A_136 : i32
    %scan3A_138 = arith.constant 1 : i32
    scf.for %scan3A_148 = %scan3A_135 to %scan3A_137 step %scan3A_138  : i32 {
      %mul3A_149 = arith.constant 2 : i32
      %mul3A_150 = arith.muli %mul3A_149, %scan3A_148 : i32
      %dma_start3A = arith.constant 0 : i32
      %dma_start3A_151 = tpu.memref_slice %arg7[%mul3A_150, %dma_start3A] : memref<79x128xi32, #tpu.memory_space<vmem>> -> memref<1x128xi32, #tpu.memory_space<vmem>>
      %dma_start3A_152 = tpu.memref_squeeze %dma_start3A_151 : memref<1x128xi32, #tpu.memory_space<vmem>> -> memref<128xi32, #tpu.memory_space<vmem>>
      %dma_start3A_153 = arith.constant 0 : i32
      %dma_start3A_154 = arith.constant 0 : i32
      %dma_start3A_155 = tpu.memref_slice %arg10[%dma_start3A_153, %dma_start3A_154] : memref<10240x16xf32, #tpu.memory_space<vmem_shared>> -> memref<10240x16xf32, #tpu.memory_space<vmem_shared>>
      tpu.enqueue_indirect_dma source(%arg8 : memref<128x16xf32, #tpu.memory_space<vmem>>) target(%dma_start3A_155 : memref<10240x16xf32, #tpu.memory_space<vmem_shared>>) offsets(%dma_start3A_152 : memref<128xi32, #tpu.memory_space<vmem>>) semaphore(%arg14 : memref<!tpu.dma_semaphore, #tpu.memory_space<semaphore_mem>>) {add = true}
      %mul3A_156 = arith.constant 2 : i32
      %mul3A_157 = arith.muli %mul3A_156, %scan3A_148 : i32
      %add3A_158 = arith.constant 1 : i32
      %add3A_159 = arith.addi %mul3A_157, %add3A_158 : i32
      %dma_start3A_160 = arith.constant 0 : i32
      %dma_start3A_161 = tpu.memref_slice %arg7[%add3A_159, %dma_start3A_160] : memref<79x128xi32, #tpu.memory_space<vmem>> -> memref<1x128xi32, #tpu.memory_space<vmem>>
      %dma_start3A_162 = tpu.memref_squeeze %dma_start3A_161 : memref<1x128xi32, #tpu.memory_space<vmem>> -> memref<128xi32, #tpu.memory_space<vmem>>
      %dma_start3A_163 = arith.constant 0 : i32
      %dma_start3A_164 = arith.constant 0 : i32
      %dma_start3A_165 = tpu.memref_slice %arg10[%dma_start3A_163, %dma_start3A_164] : memref<10240x16xf32, #tpu.memory_space<vmem_shared>> -> memref<10240x16xf32, #tpu.memory_space<vmem_shared>>
      tpu.enqueue_indirect_dma source(%arg8 : memref<128x16xf32, #tpu.memory_space<vmem>>) target(%dma_start3A_165 : memref<10240x16xf32, #tpu.memory_space<vmem_shared>>) offsets(%dma_start3A_162 : memref<128xi32, #tpu.memory_space<vmem>>) semaphore(%arg15 : memref<!tpu.dma_semaphore, #tpu.memory_space<semaphore_mem>>) {add = true}
      %dma_wait3A = arith.constant 0 : i32
      %dma_wait3A_166 = tpu.memref_slice %arg7[%mul3A_150, %dma_wait3A] : memref<79x128xi32, #tpu.memory_space<vmem>> -> memref<1x128xi32, #tpu.memory_space<vmem>>
      %dma_wait3A_167 = tpu.memref_squeeze %dma_wait3A_166 : memref<1x128xi32, #tpu.memory_space<vmem>> -> memref<128xi32, #tpu.memory_space<vmem>>
      %dma_wait3A_168 = arith.constant 0 : i32
      %dma_wait3A_169 = arith.constant 0 : i32
      %dma_wait3A_170 = tpu.memref_slice %arg10[%dma_wait3A_168, %dma_wait3A_169] : memref<10240x16xf32, #tpu.memory_space<vmem_shared>> -> memref<10240x16xf32, #tpu.memory_space<vmem_shared>>
      tpu.wait_indirect_dma semaphore(%arg14 : memref<!tpu.dma_semaphore, #tpu.memory_space<semaphore_mem>>) src(%arg8 : memref<128x16xf32, #tpu.memory_space<vmem>>) dst(%dma_wait3A_170 : memref<10240x16xf32, #tpu.memory_space<vmem_shared>>)
      %dma_wait3A_171 = arith.constant 0 : i32
      %dma_wait3A_172 = tpu.memref_slice %arg7[%add3A_159, %dma_wait3A_171] : memref<79x128xi32, #tpu.memory_space<vmem>> -> memref<1x128xi32, #tpu.memory_space<vmem>>
      %dma_wait3A_173 = tpu.memref_squeeze %dma_wait3A_172 : memref<1x128xi32, #tpu.memory_space<vmem>> -> memref<128xi32, #tpu.memory_space<vmem>>
      %dma_wait3A_174 = arith.constant 0 : i32
      %dma_wait3A_175 = arith.constant 0 : i32
      %dma_wait3A_176 = tpu.memref_slice %arg10[%dma_wait3A_174, %dma_wait3A_175] : memref<10240x16xf32, #tpu.memory_space<vmem_shared>> -> memref<10240x16xf32, #tpu.memory_space<vmem_shared>>
      tpu.wait_indirect_dma semaphore(%arg15 : memref<!tpu.dma_semaphore, #tpu.memory_space<semaphore_mem>>) src(%arg8 : memref<128x16xf32, #tpu.memory_space<vmem>>) dst(%dma_wait3A_176 : memref<10240x16xf32, #tpu.memory_space<vmem_shared>>)
    }
    %scan3A_139 = arith.constant 39 : i32
    %run_scoped3A_140 = arith.constant 78 : i32
    "tpu.region"() ({
      %run_scoped3A_148 = tpu.sem_alloc : memref<!tpu.dma_semaphore, #tpu.memory_space<semaphore_mem>>
      %dma_start3A = arith.constant 0 : i32
      %dma_start3A_149 = tpu.memref_slice %arg7[%run_scoped3A_140, %dma_start3A] : memref<79x128xi32, #tpu.memory_space<vmem>> -> memref<1x128xi32, #tpu.memory_space<vmem>>
      %dma_start3A_150 = tpu.memref_squeeze %dma_start3A_149 : memref<1x128xi32, #tpu.memory_space<vmem>> -> memref<128xi32, #tpu.memory_space<vmem>>
      %dma_start3A_151 = arith.constant 0 : i32
      %dma_start3A_152 = arith.constant 0 : i32
      %dma_start3A_153 = tpu.memref_slice %arg10[%dma_start3A_151, %dma_start3A_152] : memref<10240x16xf32, #tpu.memory_space<vmem_shared>> -> memref<10240x16xf32, #tpu.memory_space<vmem_shared>>
      tpu.enqueue_indirect_dma source(%arg8 : memref<128x16xf32, #tpu.memory_space<vmem>>) target(%dma_start3A_153 : memref<10240x16xf32, #tpu.memory_space<vmem_shared>>) offsets(%dma_start3A_150 : memref<128xi32, #tpu.memory_space<vmem>>) semaphore(%run_scoped3A_148 : memref<!tpu.dma_semaphore, #tpu.memory_space<semaphore_mem>>) {add = true}
      %dma_wait3A = arith.constant 0 : i32
      %dma_wait3A_154 = tpu.memref_slice %arg7[%run_scoped3A_140, %dma_wait3A] : memref<79x128xi32, #tpu.memory_space<vmem>> -> memref<1x128xi32, #tpu.memory_space<vmem>>
      %dma_wait3A_155 = tpu.memref_squeeze %dma_wait3A_154 : memref<1x128xi32, #tpu.memory_space<vmem>> -> memref<128xi32, #tpu.memory_space<vmem>>
      %dma_wait3A_156 = arith.constant 0 : i32
      %dma_wait3A_157 = arith.constant 0 : i32
      %dma_wait3A_158 = tpu.memref_slice %arg10[%dma_wait3A_156, %dma_wait3A_157] : memref<10240x16xf32, #tpu.memory_space<vmem_shared>> -> memref<10240x16xf32, #tpu.memory_space<vmem_shared>>
      tpu.wait_indirect_dma semaphore(%run_scoped3A_148 : memref<!tpu.dma_semaphore, #tpu.memory_space<semaphore_mem>>) src(%arg8 : memref<128x16xf32, #tpu.memory_space<vmem>>) dst(%dma_wait3A_158 : memref<10240x16xf32, #tpu.memory_space<vmem_shared>>)
      tpu.yield
    }) : () -> ()
    %barrier3A_141 = arith.constant 0 : index
    tpu.barrier barrier_id(%barrier3A_141)
    %mul3A_142 = arith.constant 640 : i32
    %mul3A_143 = arith.muli %arg1, %mul3A_142 : i32
    %mul3A_144 = arith.constant 640 : i32
    %mul3A_145 = arith.muli %arg1, %mul3A_144 : i32
    %mul3A_146 = arith.constant 16 : i32
    %mul3A_147 = arith.muli %arg0, %mul3A_146 : i32
    "tpu.region"() ({
      %run_scoped3A_148 = tpu.sem_alloc : memref<!tpu.dma_semaphore, #tpu.memory_space<semaphore_mem>>
      %dma_start3A = tpu.memref_slice %arg5[%mul3A_145, %mul3A_147] : memref<10240x32xf32, #tpu.memory_space<hbm>> -> memref<640x16xf32, #tpu.memory_space<hbm>>
      %dma_start3A_149 = arith.constant 0 : i32
      %dma_start3A_150 = tpu.memref_slice %arg10[%mul3A_143, %dma_start3A_149] : memref<10240x16xf32, #tpu.memory_space<vmem_shared>> -> memref<640x16xf32, #tpu.memory_space<vmem_shared>>
      tpu.enqueue_dma source(%dma_start3A_150 : memref<640x16xf32, #tpu.memory_space<vmem_shared>>) target(%dma_start3A : memref<640x16xf32, #tpu.memory_space<hbm>>) target_semaphore(%run_scoped3A_148 : memref<!tpu.dma_semaphore, #tpu.memory_space<semaphore_mem>>)
      %dma_wait3A = tpu.memref_slice %arg5[%mul3A_145, %mul3A_147] : memref<10240x32xf32, #tpu.memory_space<hbm>> -> memref<640x16xf32, #tpu.memory_space<hbm>>
      %dma_wait3A_151 = arith.constant 0 : i32
      %dma_wait3A_152 = tpu.memref_slice %arg10[%mul3A_143, %dma_wait3A_151] : memref<10240x16xf32, #tpu.memory_space<vmem_shared>> -> memref<640x16xf32, #tpu.memory_space<vmem_shared>>
      tpu.wait_dma2 semaphore(%run_scoped3A_148 : memref<!tpu.dma_semaphore, #tpu.memory_space<semaphore_mem>>) src(%dma_wait3A_152 : memref<640x16xf32, #tpu.memory_space<vmem_shared>>) dst(%dma_wait3A : memref<640x16xf32, #tpu.memory_space<hbm>>)
      tpu.yield
    }) : () -> ()
    return
  }
}

#map = affine_map<(d0, d1) -> (0, 0)>
#map1 = affine_map<(d0, d1) -> (0, 0, 0)>
module attributes {stable_mosaic.version = 14 : i64} {
  func.func @body(%arg0: i32, %arg1: i32, %arg2: memref<10240x16xf32, #tpu.memory_space<hbm>>, %arg3: memref<2x2500x128xi32, #tpu.memory_space<hbm>>, %arg4: memref<640x16xf32, #tpu.memory_space<hbm>>, %arg5: memref<10240x32xf32, #tpu.memory_space<hbm>>, %arg6: memref<79x128xi32, #tpu.memory_space<vmem>>, %arg7: memref<79x128xi32, #tpu.memory_space<vmem>>, %arg8: memref<128x16xf32, #tpu.memory_space<vmem>>, %arg9: memref<128x16xf32, #tpu.memory_space<vmem>>, %arg10: memref<10240x16xf32, #tpu.memory_space<vmem_shared>>, %arg11: memref<10240x16xf32, #tpu.memory_space<vmem_shared>>, %arg12: memref<!tpu.dma_semaphore, #tpu.memory_space<semaphore_mem>>, %arg13: memref<!tpu.dma_semaphore, #tpu.memory_space<semaphore_mem>>, %arg14: memref<!tpu.dma_semaphore, #tpu.memory_space<semaphore_mem>>, %arg15: memref<!tpu.dma_semaphore, #tpu.memory_space<semaphore_mem>>) attributes {dimension_semantics = [#tpu.dimension_semantics<core_parallel>, #tpu.dimension_semantics<subcore_parallel>], iteration_bounds = array<i64: 2, 16>, scalar_prefetch = 0 : i64, scratch_operands = 10 : i64, tpu.core_type = #tpu.core_type<sc_vector_subcore>, window_params = [{transform_indices = #map}, {transform_indices = #map1}, {transform_indices = #map}, {transform_indices = #map}]} {
    %mul3A = arith.constant 16 : i32
    %mul3A_0 = arith.muli %arg0, %mul3A : i32
    %add3A = arith.addi %mul3A_0, %arg1 : i32
    %mul3A_1 = arith.constant 78 : i32
    %mul3A_2 = arith.muli %add3A, %mul3A_1 : i32
    %min3A = arith.constant 4 : i32
    %min3A_3 = arith.minsi %add3A, %min3A : i32
    %add3A_4 = arith.addi %mul3A_2, %min3A_3 : i32
    %broadcast_in_dim3A = arith.constant 0 : i32
    %broadcast_in_dim3A_5 = vector.broadcast %broadcast_in_dim3A : i32 to vector<16xi32>
    %swap3A = arith.constant 78 : i32
    %swap3A_6 = arith.index_cast %swap3A : i32 to index
    %swap3A_7 = arith.constant 0 : index
    %swap3A_8 = tpu.vector_load %arg6[%swap3A_6, %swap3A_7] {strides = array<i32>} : memref<79x128xi32, #tpu.memory_space<vmem>>, vector<1x16xi32>,
    %swap3A_9 = vector.shape_cast %swap3A_8 : vector<1x16xi32> to vector<16xi32>
    %swap3A_10 = vector.shape_cast %broadcast_in_dim3A_5 : vector<16xi32> to vector<1x16xi32>
    tpu.vector_store %arg6[%swap3A_6, %swap3A_7], %swap3A_10 {strides = array<i32>} : memref<79x128xi32, #tpu.memory_space<vmem>>, vector<1x16xi32>,
    %broadcast_in_dim3A_11 = arith.constant 10000 : i32
    %broadcast_in_dim3A_12 = vector.broadcast %broadcast_in_dim3A_11 : i32 to vector<16xi32>
    %swap3A_13 = arith.constant 78 : i32
    %swap3A_14 = arith.index_cast %swap3A_13 : i32 to index
    %swap3A_15 = arith.constant 0 : index
    %swap3A_16 = tpu.vector_load %arg7[%swap3A_14, %swap3A_15] {strides = array<i32>} : memref<79x128xi32, #tpu.memory_space<vmem>>, vector<1x16xi32>,
    %swap3A_17 = vector.shape_cast %swap3A_16 : vector<1x16xi32> to vector<16xi32>
    %swap3A_18 = vector.shape_cast %broadcast_in_dim3A_12 : vector<16xi32> to vector<1x16xi32>
    tpu.vector_store %arg7[%swap3A_14, %swap3A_15], %swap3A_18 {strides = array<i32>} : memref<79x128xi32, #tpu.memory_space<vmem>>, vector<1x16xi32>,
    %broadcast_in_dim3A_19 = arith.constant 0 : i32
    %broadcast_in_dim3A_20 = vector.broadcast %broadcast_in_dim3A_19 : i32 to vector<16xi32>
    %swap3A_21 = arith.constant 78 : i32
    %swap3A_22 = arith.index_cast %swap3A_21 : i32 to index
    %swap3A_23 = arith.constant 16 : index
    %swap3A_24 = tpu.vector_load %arg6[%swap3A_22, %swap3A_23] {strides = array<i32>} : memref<79x128xi32, #tpu.memory_space<vmem>>, vector<1x16xi32>,
    %swap3A_25 = vector.shape_cast %swap3A_24 : vector<1x16xi32> to vector<16xi32>
    %swap3A_26 = vector.shape_cast %broadcast_in_dim3A_20 : vector<16xi32> to vector<1x16xi32>
    tpu.vector_store %arg6[%swap3A_22, %swap3A_23], %swap3A_26 {strides = array<i32>} : memref<79x128xi32, #tpu.memory_space<vmem>>, vector<1x16xi32>,
    %broadcast_in_dim3A_27 = arith.constant 10000 : i32
    %broadcast_in_dim3A_28 = vector.broadcast %broadcast_in_dim3A_27 : i32 to vector<16xi32>
    %swap3A_29 = arith.constant 78 : i32
    %swap3A_30 = arith.index_cast %swap3A_29 : i32 to index
    %swap3A_31 = arith.constant 16 : index
    %swap3A_32 = tpu.vector_load %arg7[%swap3A_30, %swap3A_31] {strides = array<i32>} : memref<79x128xi32, #tpu.memory_space<vmem>>, vector<1x16xi32>,
    %swap3A_33 = vector.shape_cast %swap3A_32 : vector<1x16xi32> to vector<16xi32>
    %swap3A_34 = vector.shape_cast %broadcast_in_dim3A_28 : vector<16xi32> to vector<1x16xi32>
    tpu.vector_store %arg7[%swap3A_30, %swap3A_31], %swap3A_34 {strides = array<i32>} : memref<79x128xi32, #tpu.memory_space<vmem>>, vector<1x16xi32>,
    %broadcast_in_dim3A_35 = arith.constant 0 : i32
    %broadcast_in_dim3A_36 = vector.broadcast %broadcast_in_dim3A_35 : i32 to vector<16xi32>
    %swap3A_37 = arith.constant 78 : i32
    %swap3A_38 = arith.index_cast %swap3A_37 : i32 to index
    %swap3A_39 = arith.constant 32 : index
    %swap3A_40 = tpu.vector_load %arg6[%swap3A_38, %swap3A_39] {strides = array<i32>} : memref<79x128xi32, #tpu.memory_space<vmem>>, vector<1x16xi32>,
    %swap3A_41 = vector.shape_cast %swap3A_40 : vector<1x16xi32> to vector<16xi32>
    %swap3A_42 = vector.shape_cast %broadcast_in_dim3A_36 : vector<16xi32> to vector<1x16xi32>
    tpu.vector_store %arg6[%swap3A_38, %swap3A_39], %swap3A_42 {strides = array<i32>} : memref<79x128xi32, #tpu.memory_space<vmem>>, vector<1x16xi32>,
    %broadcast_in_dim3A_43 = arith.constant 10000 : i32
    %broadcast_in_dim3A_44 = vector.broadcast %broadcast_in_dim3A_43 : i32 to vector<16xi32>
    %swap3A_45 = arith.constant 78 : i32
    %swap3A_46 = arith.index_cast %swap3A_45 : i32 to index
    %swap3A_47 = arith.constant 32 : index
    %swap3A_48 = tpu.vector_load %arg7[%swap3A_46, %swap3A_47] {strides = array<i32>} : memref<79x128xi32, #tpu.memory_space<vmem>>, vector<1x16xi32>,
    %swap3A_49 = vector.shape_cast %swap3A_48 : vector<1x16xi32> to vector<16xi32>
    %swap3A_50 = vector.shape_cast %broadcast_in_dim3A_44 : vector<16xi32> to vector<1x16xi32>
    tpu.vector_store %arg7[%swap3A_46, %swap3A_47], %swap3A_50 {strides = array<i32>} : memref<79x128xi32, #tpu.memory_space<vmem>>, vector<1x16xi32>,
    %broadcast_in_dim3A_51 = arith.constant 0 : i32
    %broadcast_in_dim3A_52 = vector.broadcast %broadcast_in_dim3A_51 : i32 to vector<16xi32>
    %swap3A_53 = arith.constant 78 : i32
    %swap3A_54 = arith.index_cast %swap3A_53 : i32 to index
    %swap3A_55 = arith.constant 48 : index
    %swap3A_56 = tpu.vector_load %arg6[%swap3A_54, %swap3A_55] {strides = array<i32>} : memref<79x128xi32, #tpu.memory_space<vmem>>, vector<1x16xi32>,
    %swap3A_57 = vector.shape_cast %swap3A_56 : vector<1x16xi32> to vector<16xi32>
    %swap3A_58 = vector.shape_cast %broadcast_in_dim3A_52 : vector<16xi32> to vector<1x16xi32>
    tpu.vector_store %arg6[%swap3A_54, %swap3A_55], %swap3A_58 {strides = array<i32>} : memref<79x128xi32, #tpu.memory_space<vmem>>, vector<1x16xi32>,
    %broadcast_in_dim3A_59 = arith.constant 10000 : i32
    %broadcast_in_dim3A_60 = vector.broadcast %broadcast_in_dim3A_59 : i32 to vector<16xi32>
    %swap3A_61 = arith.constant 78 : i32
    %swap3A_62 = arith.index_cast %swap3A_61 : i32 to index
    %swap3A_63 = arith.constant 48 : index
    %swap3A_64 = tpu.vector_load %arg7[%swap3A_62, %swap3A_63] {strides = array<i32>} : memref<79x128xi32, #tpu.memory_space<vmem>>, vector<1x16xi32>,
    %swap3A_65 = vector.shape_cast %swap3A_64 : vector<1x16xi32> to vector<16xi32>
    %swap3A_66 = vector.shape_cast %broadcast_in_dim3A_60 : vector<16xi32> to vector<1x16xi32>
    tpu.vector_store %arg7[%swap3A_62, %swap3A_63], %swap3A_66 {strides = array<i32>} : memref<79x128xi32, #tpu.memory_space<vmem>>, vector<1x16xi32>,
    %broadcast_in_dim3A_67 = arith.constant 0 : i32
    %broadcast_in_dim3A_68 = vector.broadcast %broadcast_in_dim3A_67 : i32 to vector<16xi32>
    %swap3A_69 = arith.constant 78 : i32
    %swap3A_70 = arith.index_cast %swap3A_69 : i32 to index
    %swap3A_71 = arith.constant 64 : index
    %swap3A_72 = tpu.vector_load %arg6[%swap3A_70, %swap3A_71] {strides = array<i32>} : memref<79x128xi32, #tpu.memory_space<vmem>>, vector<1x16xi32>,
    %swap3A_73 = vector.shape_cast %swap3A_72 : vector<1x16xi32> to vector<16xi32>
    %swap3A_74 = vector.shape_cast %broadcast_in_dim3A_68 : vector<16xi32> to vector<1x16xi32>
    tpu.vector_store %arg6[%swap3A_70, %swap3A_71], %swap3A_74 {strides = array<i32>} : memref<79x128xi32, #tpu.memory_space<vmem>>, vector<1x16xi32>,
    %broadcast_in_dim3A_75 = arith.constant 10000 : i32
    %broadcast_in_dim3A_76 = vector.broadcast %broadcast_in_dim3A_75 : i32 to vector<16xi32>
    %swap3A_77 = arith.constant 78 : i32
    %swap3A_78 = arith.index_cast %swap3A_77 : i32 to index
    %swap3A_79 = arith.constant 64 : index
    %swap3A_80 = tpu.vector_load %arg7[%swap3A_78, %swap3A_79] {strides = array<i32>} : memref<79x128xi32, #tpu.memory_space<vmem>>, vector<1x16xi32>,
    %swap3A_81 = vector.shape_cast %swap3A_80 : vector<1x16xi32> to vector<16xi32>
    %swap3A_82 = vector.shape_cast %broadcast_in_dim3A_76 : vector<16xi32> to vector<1x16xi32>
    tpu.vector_store %arg7[%swap3A_78, %swap3A_79], %swap3A_82 {strides = array<i32>} : memref<79x128xi32, #tpu.memory_space<vmem>>, vector<1x16xi32>,
    %broadcast_in_dim3A_83 = arith.constant 0 : i32
    %broadcast_in_dim3A_84 = vector.broadcast %broadcast_in_dim3A_83 : i32 to vector<16xi32>
    %swap3A_85 = arith.constant 78 : i32
    %swap3A_86 = arith.index_cast %swap3A_85 : i32 to index
    %swap3A_87 = arith.constant 80 : index
    %swap3A_88 = tpu.vector_load %arg6[%swap3A_86, %swap3A_87] {strides = array<i32>} : memref<79x128xi32, #tpu.memory_space<vmem>>, vector<1x16xi32>,
    %swap3A_89 = vector.shape_cast %swap3A_88 : vector<1x16xi32> to vector<16xi32>
    %swap3A_90 = vector.shape_cast %broadcast_in_dim3A_84 : vector<16xi32> to vector<1x16xi32>
    tpu.vector_store %arg6[%swap3A_86, %swap3A_87], %swap3A_90 {strides = array<i32>} : memref<79x128xi32, #tpu.memory_space<vmem>>, vector<1x16xi32>,
    %broadcast_in_dim3A_91 = arith.constant 10000 : i32
    %broadcast_in_dim3A_92 = vector.broadcast %broadcast_in_dim3A_91 : i32 to vector<16xi32>
    %swap3A_93 = arith.constant 78 : i32
    %swap3A_94 = arith.index_cast %swap3A_93 : i32 to index
    %swap3A_95 = arith.constant 80 : index
    %swap3A_96 = tpu.vector_load %arg7[%swap3A_94, %swap3A_95] {strides = array<i32>} : memref<79x128xi32, #tpu.memory_space<vmem>>, vector<1x16xi32>,
    %swap3A_97 = vector.shape_cast %swap3A_96 : vector<1x16xi32> to vector<16xi32>
    %swap3A_98 = vector.shape_cast %broadcast_in_dim3A_92 : vector<16xi32> to vector<1x16xi32>
    tpu.vector_store %arg7[%swap3A_94, %swap3A_95], %swap3A_98 {strides = array<i32>} : memref<79x128xi32, #tpu.memory_space<vmem>>, vector<1x16xi32>,
    %broadcast_in_dim3A_99 = arith.constant 0 : i32
    %broadcast_in_dim3A_100 = vector.broadcast %broadcast_in_dim3A_99 : i32 to vector<16xi32>
    %swap3A_101 = arith.constant 78 : i32
    %swap3A_102 = arith.index_cast %swap3A_101 : i32 to index
    %swap3A_103 = arith.constant 96 : index
    %swap3A_104 = tpu.vector_load %arg6[%swap3A_102, %swap3A_103] {strides = array<i32>} : memref<79x128xi32, #tpu.memory_space<vmem>>, vector<1x16xi32>,
    %swap3A_105 = vector.shape_cast %swap3A_104 : vector<1x16xi32> to vector<16xi32>
    %swap3A_106 = vector.shape_cast %broadcast_in_dim3A_100 : vector<16xi32> to vector<1x16xi32>
    tpu.vector_store %arg6[%swap3A_102, %swap3A_103], %swap3A_106 {strides = array<i32>} : memref<79x128xi32, #tpu.memory_space<vmem>>, vector<1x16xi32>,
    %broadcast_in_dim3A_107 = arith.constant 10000 : i32
    %broadcast_in_dim3A_108 = vector.broadcast %broadcast_in_dim3A_107 : i32 to vector<16xi32>
    %swap3A_109 = arith.constant 78 : i32
    %swap3A_110 = arith.index_cast %swap3A_109 : i32 to index
    %swap3A_111 = arith.constant 96 : index
    %swap3A_112 = tpu.vector_load %arg7[%swap3A_110, %swap3A_111] {strides = array<i32>} : memref<79x128xi32, #tpu.memory_space<vmem>>, vector<1x16xi32>,
    %swap3A_113 = vector.shape_cast %swap3A_112 : vector<1x16xi32> to vector<16xi32>
    %swap3A_114 = vector.shape_cast %broadcast_in_dim3A_108 : vector<16xi32> to vector<1x16xi32>
    tpu.vector_store %arg7[%swap3A_110, %swap3A_111], %swap3A_114 {strides = array<i32>} : memref<79x128xi32, #tpu.memory_space<vmem>>, vector<1x16xi32>,
    %broadcast_in_dim3A_115 = arith.constant 0 : i32
    %broadcast_in_dim3A_116 = vector.broadcast %broadcast_in_dim3A_115 : i32 to vector<16xi32>
    %swap3A_117 = arith.constant 78 : i32
    %swap3A_118 = arith.index_cast %swap3A_117 : i32 to index
    %swap3A_119 = arith.constant 112 : index
    %swap3A_120 = tpu.vector_load %arg6[%swap3A_118, %swap3A_119] {strides = array<i32>} : memref<79x128xi32, #tpu.memory_space<vmem>>, vector<1x16xi32>,
    %swap3A_121 = vector.shape_cast %swap3A_120 : vector<1x16xi32> to vector<16xi32>
    %swap3A_122 = vector.shape_cast %broadcast_in_dim3A_116 : vector<16xi32> to vector<1x16xi32>
    tpu.vector_store %arg6[%swap3A_118, %swap3A_119], %swap3A_122 {strides = array<i32>} : memref<79x128xi32, #tpu.memory_space<vmem>>, vector<1x16xi32>,
    %broadcast_in_dim3A_123 = arith.constant 10000 : i32
    %broadcast_in_dim3A_124 = vector.broadcast %broadcast_in_dim3A_123 : i32 to vector<16xi32>
    %swap3A_125 = arith.constant 78 : i32
    %swap3A_126 = arith.index_cast %swap3A_125 : i32 to index
    %swap3A_127 = arith.constant 112 : index
    %swap3A_128 = tpu.vector_load %arg7[%swap3A_126, %swap3A_127] {strides = array<i32>} : memref<79x128xi32, #tpu.memory_space<vmem>>, vector<1x16xi32>,
    %swap3A_129 = vector.shape_cast %swap3A_128 : vector<1x16xi32> to vector<16xi32>
    %swap3A_130 = vector.shape_cast %broadcast_in_dim3A_124 : vector<16xi32> to vector<1x16xi32>
    tpu.vector_store %arg7[%swap3A_126, %swap3A_127], %swap3A_130 {strides = array<i32>} : memref<79x128xi32, #tpu.memory_space<vmem>>, vector<1x16xi32>,
    %run_scoped3A = arith.constant 0 : i32
    "tpu.region"() ({
      %run_scoped3A_165 = tpu.sem_alloc : memref<!tpu.dma_semaphore, #tpu.memory_space<semaphore_mem>>
      %dma_start3A_166 = arith.constant 0 : i32
      %dma_start3A_167 = arith.constant 0 : i32
      %dma_start3A_168 = tpu.memref_slice %arg6[%dma_start3A_166, %dma_start3A_167] : memref<79x128xi32, #tpu.memory_space<vmem>> -> memref<78x128xi32, #tpu.memory_space<vmem>>
      %dma_start3A_169 = arith.constant 0 : i32
      %dma_start3A_170 = tpu.memref_slice %arg3[%run_scoped3A, %add3A_4, %dma_start3A_169] : memref<2x2500x128xi32, #tpu.memory_space<hbm>> -> memref<1x78x128xi32, #tpu.memory_space<hbm>>
      %dma_start3A_171 = tpu.memref_squeeze %dma_start3A_170 : memref<1x78x128xi32, #tpu.memory_space<hbm>> -> memref<78x128xi32, #tpu.memory_space<hbm>>
      %dma_start3A_172 = arith.constant 0 : i32
      %dma_start3A_173 = arith.constant 0 : i32
      %dma_start3A_174 = tpu.memref_slice %arg6[%dma_start3A_172, %dma_start3A_173] : memref<79x128xi32, #tpu.memory_space<vmem>> -> memref<78x128xi32, #tpu.memory_space<vmem>>
      %dma_start3A_175 = arith.constant 0 : i32
      %dma_start3A_176 = tpu.memref_slice %arg3[%run_scoped3A, %add3A_4, %dma_start3A_175] : memref<2x2500x128xi32, #tpu.memory_space<hbm>> -> memref<1x78x128xi32, #tpu.memory_space<hbm>>
      %dma_start3A_177 = tpu.memref_squeeze %dma_start3A_176 : memref<1x78x128xi32, #tpu.memory_space<hbm>> -> memref<78x128xi32, #tpu.memory_space<hbm>>
      tpu.enqueue_dma source(%dma_start3A_177 : memref<78x128xi32, #tpu.memory_space<hbm>>) target(%dma_start3A_174 : memref<78x128xi32, #tpu.memory_space<vmem>>) target_semaphore(%run_scoped3A_165 : memref<!tpu.dma_semaphore, #tpu.memory_space<semaphore_mem>>)
      %dma_wait3A_178 = arith.constant 0 : i32
      %dma_wait3A_179 = arith.constant 0 : i32
      %dma_wait3A_180 = tpu.memref_slice %arg6[%dma_wait3A_178, %dma_wait3A_179] : memref<79x128xi32, #tpu.memory_space<vmem>> -> memref<78x128xi32, #tpu.memory_space<vmem>>
      %dma_wait3A_181 = arith.constant 0 : i32
      %dma_wait3A_182 = tpu.memref_slice %arg3[%run_scoped3A, %add3A_4, %dma_wait3A_181] : memref<2x2500x128xi32, #tpu.memory_space<hbm>> -> memref<1x78x128xi32, #tpu.memory_space<hbm>>
      %dma_wait3A_183 = tpu.memref_squeeze %dma_wait3A_182 : memref<1x78x128xi32, #tpu.memory_space<hbm>> -> memref<78x128xi32, #tpu.memory_space<hbm>>
      %dma_wait3A_184 = arith.constant 0 : i32
      %dma_wait3A_185 = arith.constant 0 : i32
      %dma_wait3A_186 = tpu.memref_slice %arg6[%dma_wait3A_184, %dma_wait3A_185] : memref<79x128xi32, #tpu.memory_space<vmem>> -> memref<78x128xi32, #tpu.memory_space<vmem>>
      %dma_wait3A_187 = arith.constant 0 : i32
      %dma_wait3A_188 = tpu.memref_slice %arg3[%run_scoped3A, %add3A_4, %dma_wait3A_187] : memref<2x2500x128xi32, #tpu.memory_space<hbm>> -> memref<1x78x128xi32, #tpu.memory_space<hbm>>
      %dma_wait3A_189 = tpu.memref_squeeze %dma_wait3A_188 : memref<1x78x128xi32, #tpu.memory_space<hbm>> -> memref<78x128xi32, #tpu.memory_space<hbm>>
      tpu.wait_dma2 semaphore(%run_scoped3A_165 : memref<!tpu.dma_semaphore, #tpu.memory_space<semaphore_mem>>) src(%dma_wait3A_189 : memref<78x128xi32, #tpu.memory_space<hbm>>) dst(%dma_wait3A_186 : memref<78x128xi32, #tpu.memory_space<vmem>>)
      tpu.yield
    }) : () -> ()
    %run_scoped3A_131 = arith.constant 1 : i32
    "tpu.region"() ({
      %run_scoped3A_165 = tpu.sem_alloc : memref<!tpu.dma_semaphore, #tpu.memory_space<semaphore_mem>>
      %dma_start3A_166 = arith.constant 0 : i32
      %dma_start3A_167 = arith.constant 0 : i32
      %dma_start3A_168 = tpu.memref_slice %arg7[%dma_start3A_166, %dma_start3A_167] : memref<79x128xi32, #tpu.memory_space<vmem>> -> memref<78x128xi32, #tpu.memory_space<vmem>>
      %dma_start3A_169 = arith.constant 0 : i32
      %dma_start3A_170 = tpu.memref_slice %arg3[%run_scoped3A_131, %add3A_4, %dma_start3A_169] : memref<2x2500x128xi32, #tpu.memory_space<hbm>> -> memref<1x78x128xi32, #tpu.memory_space<hbm>>
      %dma_start3A_171 = tpu.memref_squeeze %dma_start3A_170 : memref<1x78x128xi32, #tpu.memory_space<hbm>> -> memref<78x128xi32, #tpu.memory_space<hbm>>
      %dma_start3A_172 = arith.constant 0 : i32
      %dma_start3A_173 = arith.constant 0 : i32
      %dma_start3A_174 = tpu.memref_slice %arg7[%dma_start3A_172, %dma_start3A_173] : memref<79x128xi32, #tpu.memory_space<vmem>> -> memref<78x128xi32, #tpu.memory_space<vmem>>
      %dma_start3A_175 = arith.constant 0 : i32
      %dma_start3A_176 = tpu.memref_slice %arg3[%run_scoped3A_131, %add3A_4, %dma_start3A_175] : memref<2x2500x128xi32, #tpu.memory_space<hbm>> -> memref<1x78x128xi32, #tpu.memory_space<hbm>>
      %dma_start3A_177 = tpu.memref_squeeze %dma_start3A_176 : memref<1x78x128xi32, #tpu.memory_space<hbm>> -> memref<78x128xi32, #tpu.memory_space<hbm>>
      tpu.enqueue_dma source(%dma_start3A_177 : memref<78x128xi32, #tpu.memory_space<hbm>>) target(%dma_start3A_174 : memref<78x128xi32, #tpu.memory_space<vmem>>) target_semaphore(%run_scoped3A_165 : memref<!tpu.dma_semaphore, #tpu.memory_space<semaphore_mem>>)
      %dma_wait3A_178 = arith.constant 0 : i32
      %dma_wait3A_179 = arith.constant 0 : i32
      %dma_wait3A_180 = tpu.memref_slice %arg7[%dma_wait3A_178, %dma_wait3A_179] : memref<79x128xi32, #tpu.memory_space<vmem>> -> memref<78x128xi32, #tpu.memory_space<vmem>>
      %dma_wait3A_181 = arith.constant 0 : i32
      %dma_wait3A_182 = tpu.memref_slice %arg3[%run_scoped3A_131, %add3A_4, %dma_wait3A_181] : memref<2x2500x128xi32, #tpu.memory_space<hbm>> -> memref<1x78x128xi32, #tpu.memory_space<hbm>>
      %dma_wait3A_183 = tpu.memref_squeeze %dma_wait3A_182 : memref<1x78x128xi32, #tpu.memory_space<hbm>> -> memref<78x128xi32, #tpu.memory_space<hbm>>
      %dma_wait3A_184 = arith.constant 0 : i32
      %dma_wait3A_185 = arith.constant 0 : i32
      %dma_wait3A_186 = tpu.memref_slice %arg7[%dma_wait3A_184, %dma_wait3A_185] : memref<79x128xi32, #tpu.memory_space<vmem>> -> memref<78x128xi32, #tpu.memory_space<vmem>>
      %dma_wait3A_187 = arith.constant 0 : i32
      %dma_wait3A_188 = tpu.memref_slice %arg3[%run_scoped3A_131, %add3A_4, %dma_wait3A_187] : memref<2x2500x128xi32, #tpu.memory_space<hbm>> -> memref<1x78x128xi32, #tpu.memory_space<hbm>>
      %dma_wait3A_189 = tpu.memref_squeeze %dma_wait3A_188 : memref<1x78x128xi32, #tpu.memory_space<hbm>> -> memref<78x128xi32, #tpu.memory_space<hbm>>
      tpu.wait_dma2 semaphore(%run_scoped3A_165 : memref<!tpu.dma_semaphore, #tpu.memory_space<semaphore_mem>>) src(%dma_wait3A_189 : memref<78x128xi32, #tpu.memory_space<hbm>>) dst(%dma_wait3A_186 : memref<78x128xi32, #tpu.memory_space<vmem>>)
      tpu.yield
    }) : () -> ()
    %lt3A = arith.constant 4 : i32
    %lt3A_132 = arith.cmpi slt, %add3A, %lt3A : i32
    %convert_element_type3A = arith.extui %lt3A_132 : i1 to i32
    %cond3A = arith.constant 0 : i32
    %cond3A_133 = arith.cmpi ne, %convert_element_type3A, %cond3A : i32
    scf.if %cond3A_133 {
      %add3A_165 = arith.constant 78 : i32
      %add3A_166 = arith.addi %add3A_4, %add3A_165 : i32
      %run_scoped3A_167 = arith.constant 0 : i32
      "tpu.region"() ({
        %run_scoped3A_171 = tpu.sem_alloc : memref<!tpu.dma_semaphore, #tpu.memory_space<semaphore_mem>>
        %dma_start3A_172 = arith.constant 78 : i32
        %dma_start3A_173 = arith.constant 0 : i32
        %dma_start3A_174 = tpu.memref_slice %arg6[%dma_start3A_172, %dma_start3A_173] : memref<79x128xi32, #tpu.memory_space<vmem>> -> memref<1x128xi32, #tpu.memory_space<vmem>>
        %dma_start3A_175 = arith.constant 0 : i32
        %dma_start3A_176 = tpu.memref_slice %arg3[%run_scoped3A_167, %add3A_166, %dma_start3A_175] : memref<2x2500x128xi32, #tpu.memory_space<hbm>> -> memref<1x1x128xi32, #tpu.memory_space<hbm>>
        %dma_start3A_177 = tpu.memref_squeeze %dma_start3A_176 : memref<1x1x128xi32, #tpu.memory_space<hbm>> -> memref<1x128xi32, #tpu.memory_space<hbm>>
        %dma_start3A_178 = arith.constant 78 : i32
        %dma_start3A_179 = arith.constant 0 : i32
        %dma_start3A_180 = tpu.memref_slice %arg6[%dma_start3A_178, %dma_start3A_179] : memref<79x128xi32, #tpu.memory_space<vmem>> -> memref<1x128xi32, #tpu.memory_space<vmem>>
        %dma_start3A_181 = arith.constant 0 : i32
        %dma_start3A_182 = tpu.memref_slice %arg3[%run_scoped3A_167, %add3A_166, %dma_start3A_181] : memref<2x2500x128xi32, #tpu.memory_space<hbm>> -> memref<1x1x128xi32, #tpu.memory_space<hbm>>
        %dma_start3A_183 = tpu.memref_squeeze %dma_start3A_182 : memref<1x1x128xi32, #tpu.memory_space<hbm>> -> memref<1x128xi32, #tpu.memory_space<hbm>>
        tpu.enqueue_dma source(%dma_start3A_183 : memref<1x128xi32, #tpu.memory_space<hbm>>) target(%dma_start3A_180 : memref<1x128xi32, #tpu.memory_space<vmem>>) target_semaphore(%run_scoped3A_171 : memref<!tpu.dma_semaphore, #tpu.memory_space<semaphore_mem>>)
        %dma_wait3A_184 = arith.constant 78 : i32
        %dma_wait3A_185 = arith.constant 0 : i32
        %dma_wait3A_186 = tpu.memref_slice %arg6[%dma_wait3A_184, %dma_wait3A_185] : memref<79x128xi32, #tpu.memory_space<vmem>> -> memref<1x128xi32, #tpu.memory_space<vmem>>
        %dma_wait3A_187 = arith.constant 0 : i32
        %dma_wait3A_188 = tpu.memref_slice %arg3[%run_scoped3A_167, %add3A_166, %dma_wait3A_187] : memref<2x2500x128xi32, #tpu.memory_space<hbm>> -> memref<1x1x128xi32, #tpu.memory_space<hbm>>
        %dma_wait3A_189 = tpu.memref_squeeze %dma_wait3A_188 : memref<1x1x128xi32, #tpu.memory_space<hbm>> -> memref<1x128xi32, #tpu.memory_space<hbm>>
        %dma_wait3A_190 = arith.constant 78 : i32
        %dma_wait3A_191 = arith.constant 0 : i32
        %dma_wait3A_192 = tpu.memref_slice %arg6[%dma_wait3A_190, %dma_wait3A_191] : memref<79x128xi32, #tpu.memory_space<vmem>> -> memref<1x128xi32, #tpu.memory_space<vmem>>
        %dma_wait3A_193 = arith.constant 0 : i32
        %dma_wait3A_194 = tpu.memref_slice %arg3[%run_scoped3A_167, %add3A_166, %dma_wait3A_193] : memref<2x2500x128xi32, #tpu.memory_space<hbm>> -> memref<1x1x128xi32, #tpu.memory_space<hbm>>
        %dma_wait3A_195 = tpu.memref_squeeze %dma_wait3A_194 : memref<1x1x128xi32, #tpu.memory_space<hbm>> -> memref<1x128xi32, #tpu.memory_space<hbm>>
        tpu.wait_dma2 semaphore(%run_scoped3A_171 : memref<!tpu.dma_semaphore, #tpu.memory_space<semaphore_mem>>) src(%dma_wait3A_195 : memref<1x128xi32, #tpu.memory_space<hbm>>) dst(%dma_wait3A_192 : memref<1x128xi32, #tpu.memory_space<vmem>>)
        tpu.yield
      }) : () -> ()
      %add3A_168 = arith.constant 78 : i32
      %add3A_169 = arith.addi %add3A_4, %add3A_168 : i32
      %run_scoped3A_170 = arith.constant 1 : i32
      "tpu.region"() ({
        %run_scoped3A_171 = tpu.sem_alloc : memref<!tpu.dma_semaphore, #tpu.memory_space<semaphore_mem>>
        %dma_start3A_172 = arith.constant 78 : i32
        %dma_start3A_173 = arith.constant 0 : i32
        %dma_start3A_174 = tpu.memref_slice %arg7[%dma_start3A_172, %dma_start3A_173] : memref<79x128xi32, #tpu.memory_space<vmem>> -> memref<1x128xi32, #tpu.memory_space<vmem>>
        %dma_start3A_175 = arith.constant 0 : i32
        %dma_start3A_176 = tpu.memref_slice %arg3[%run_scoped3A_170, %add3A_169, %dma_start3A_175] : memref<2x2500x128xi32, #tpu.memory_space<hbm>> -> memref<1x1x128xi32, #tpu.memory_space<hbm>>
        %dma_start3A_177 = tpu.memref_squeeze %dma_start3A_176 : memref<1x1x128xi32, #tpu.memory_space<hbm>> -> memref<1x128xi32, #tpu.memory_space<hbm>>
        %dma_start3A_178 = arith.constant 78 : i32
        %dma_start3A_179 = arith.constant 0 : i32
        %dma_start3A_180 = tpu.memref_slice %arg7[%dma_start3A_178, %dma_start3A_179] : memref<79x128xi32, #tpu.memory_space<vmem>> -> memref<1x128xi32, #tpu.memory_space<vmem>>
        %dma_start3A_181 = arith.constant 0 : i32
        %dma_start3A_182 = tpu.memref_slice %arg3[%run_scoped3A_170, %add3A_169, %dma_start3A_181] : memref<2x2500x128xi32, #tpu.memory_space<hbm>> -> memref<1x1x128xi32, #tpu.memory_space<hbm>>
        %dma_start3A_183 = tpu.memref_squeeze %dma_start3A_182 : memref<1x1x128xi32, #tpu.memory_space<hbm>> -> memref<1x128xi32, #tpu.memory_space<hbm>>
        tpu.enqueue_dma source(%dma_start3A_183 : memref<1x128xi32, #tpu.memory_space<hbm>>) target(%dma_start3A_180 : memref<1x128xi32, #tpu.memory_space<vmem>>) target_semaphore(%run_scoped3A_171 : memref<!tpu.dma_semaphore, #tpu.memory_space<semaphore_mem>>)
        %dma_wait3A_184 = arith.constant 78 : i32
        %dma_wait3A_185 = arith.constant 0 : i32
        %dma_wait3A_186 = tpu.memref_slice %arg7[%dma_wait3A_184, %dma_wait3A_185] : memref<79x128xi32, #tpu.memory_space<vmem>> -> memref<1x128xi32, #tpu.memory_space<vmem>>
        %dma_wait3A_187 = arith.constant 0 : i32
        %dma_wait3A_188 = tpu.memref_slice %arg3[%run_scoped3A_170, %add3A_169, %dma_wait3A_187] : memref<2x2500x128xi32, #tpu.memory_space<hbm>> -> memref<1x1x128xi32, #tpu.memory_space<hbm>>
        %dma_wait3A_189 = tpu.memref_squeeze %dma_wait3A_188 : memref<1x1x128xi32, #tpu.memory_space<hbm>> -> memref<1x128xi32, #tpu.memory_space<hbm>>
        %dma_wait3A_190 = arith.constant 78 : i32
        %dma_wait3A_191 = arith.constant 0 : i32
        %dma_wait3A_192 = tpu.memref_slice %arg7[%dma_wait3A_190, %dma_wait3A_191] : memref<79x128xi32, #tpu.memory_space<vmem>> -> memref<1x128xi32, #tpu.memory_space<vmem>>
        %dma_wait3A_193 = arith.constant 0 : i32
        %dma_wait3A_194 = tpu.memref_slice %arg3[%run_scoped3A_170, %add3A_169, %dma_wait3A_193] : memref<2x2500x128xi32, #tpu.memory_space<hbm>> -> memref<1x1x128xi32, #tpu.memory_space<hbm>>
        %dma_wait3A_195 = tpu.memref_squeeze %dma_wait3A_194 : memref<1x1x128xi32, #tpu.memory_space<hbm>> -> memref<1x128xi32, #tpu.memory_space<hbm>>
        tpu.wait_dma2 semaphore(%run_scoped3A_171 : memref<!tpu.dma_semaphore, #tpu.memory_space<semaphore_mem>>) src(%dma_wait3A_195 : memref<1x128xi32, #tpu.memory_space<hbm>>) dst(%dma_wait3A_192 : memref<1x128xi32, #tpu.memory_space<vmem>>)
        tpu.yield
      }) : () -> ()
    } else {
    }
    %mul3A_134 = arith.constant 640 : i32
    %mul3A_135 = arith.muli %arg1, %mul3A_134 : i32
    "tpu.region"() ({
      %run_scoped3A_165 = tpu.sem_alloc : memref<!tpu.dma_semaphore, #tpu.memory_space<semaphore_mem>>
      %dma_start3A_166 = arith.constant 0 : i32
      %dma_start3A_167 = tpu.memref_slice %arg10[%mul3A_135, %dma_start3A_166] : memref<10240x16xf32, #tpu.memory_space<vmem_shared>> -> memref<640x16xf32, #tpu.memory_space<vmem_shared>>
      tpu.enqueue_dma source(%arg4 : memref<640x16xf32, #tpu.memory_space<hbm>>) target(%dma_start3A_167 : memref<640x16xf32, #tpu.memory_space<vmem_shared>>) target_semaphore(%run_scoped3A_165 : memref<!tpu.dma_semaphore, #tpu.memory_space<semaphore_mem>>)
      %dma_wait3A_168 = arith.constant 0 : i32
      %dma_wait3A_169 = tpu.memref_slice %arg10[%mul3A_135, %dma_wait3A_168] : memref<10240x16xf32, #tpu.memory_space<vmem_shared>> -> memref<640x16xf32, #tpu.memory_space<vmem_shared>>
      tpu.wait_dma2 semaphore(%run_scoped3A_165 : memref<!tpu.dma_semaphore, #tpu.memory_space<semaphore_mem>>) src(%arg4 : memref<640x16xf32, #tpu.memory_space<hbm>>) dst(%dma_wait3A_169 : memref<640x16xf32, #tpu.memory_space<vmem_shared>>)
      tpu.yield
    }) : () -> ()
    %mul3A_136 = arith.constant 640 : i32
    %mul3A_137 = arith.muli %arg1, %mul3A_136 : i32
    %mul3A_138 = arith.constant 640 : i32
    %mul3A_139 = arith.muli %arg1, %mul3A_138 : i32
    "tpu.region"() ({
      %run_scoped3A_165 = tpu.sem_alloc : memref<!tpu.dma_semaphore, #tpu.memory_space<semaphore_mem>>
      %dma_start3A_166 = arith.constant 0 : i32
      %dma_start3A_167 = tpu.memref_slice %arg11[%mul3A_139, %dma_start3A_166] : memref<10240x16xf32, #tpu.memory_space<vmem_shared>> -> memref<640x16xf32, #tpu.memory_space<vmem_shared>>
      %dma_start3A_168 = arith.constant 0 : i32
      %dma_start3A_169 = tpu.memref_slice %arg2[%mul3A_137, %dma_start3A_168] : memref<10240x16xf32, #tpu.memory_space<hbm>> -> memref<640x16xf32, #tpu.memory_space<hbm>>
      tpu.enqueue_dma source(%dma_start3A_169 : memref<640x16xf32, #tpu.memory_space<hbm>>) target(%dma_start3A_167 : memref<640x16xf32, #tpu.memory_space<vmem_shared>>) target_semaphore(%run_scoped3A_165 : memref<!tpu.dma_semaphore, #tpu.memory_space<semaphore_mem>>)
      %dma_wait3A_170 = arith.constant 0 : i32
      %dma_wait3A_171 = tpu.memref_slice %arg11[%mul3A_139, %dma_wait3A_170] : memref<10240x16xf32, #tpu.memory_space<vmem_shared>> -> memref<640x16xf32, #tpu.memory_space<vmem_shared>>
      %dma_wait3A_172 = arith.constant 0 : i32
      %dma_wait3A_173 = tpu.memref_slice %arg2[%mul3A_137, %dma_wait3A_172] : memref<10240x16xf32, #tpu.memory_space<hbm>> -> memref<640x16xf32, #tpu.memory_space<hbm>>
      tpu.wait_dma2 semaphore(%run_scoped3A_165 : memref<!tpu.dma_semaphore, #tpu.memory_space<semaphore_mem>>) src(%dma_wait3A_173 : memref<640x16xf32, #tpu.memory_space<hbm>>) dst(%dma_wait3A_171 : memref<640x16xf32, #tpu.memory_space<vmem_shared>>)
      tpu.yield
    }) : () -> ()
    %barrier3A = arith.constant 0 : index
    tpu.barrier barrier_id(%barrier3A)
    %dma_start3A = arith.constant 0 : i32
    %dma_start3A_140 = arith.constant 0 : i32
    %dma_start3A_141 = tpu.memref_slice %arg6[%dma_start3A, %dma_start3A_140] : memref<79x128xi32, #tpu.memory_space<vmem>> -> memref<1x128xi32, #tpu.memory_space<vmem>>
    %dma_start3A_142 = tpu.memref_squeeze %dma_start3A_141 : memref<1x128xi32, #tpu.memory_space<vmem>> -> memref<128xi32, #tpu.memory_space<vmem>>
    %dma_start3A_143 = arith.constant 0 : i32
    %dma_start3A_144 = arith.constant 0 : i32
    %dma_start3A_145 = tpu.memref_slice %arg11[%dma_start3A_143, %dma_start3A_144] : memref<10240x16xf32, #tpu.memory_space<vmem_shared>> -> memref<10240x16xf32, #tpu.memory_space<vmem_shared>>
    tpu.enqueue_indirect_dma source(%dma_start3A_145 : memref<10240x16xf32, #tpu.memory_space<vmem_shared>>) target(%arg8 : memref<128x16xf32, #tpu.memory_space<vmem>>) offsets(%dma_start3A_142 : memref<128xi32, #tpu.memory_space<vmem>>) semaphore(%arg12 : memref<!tpu.dma_semaphore, #tpu.memory_space<semaphore_mem>>)
    %scan3A = arith.constant 0 : i32
    %scan3A_146 = arith.constant 0 : i32
    %scan3A_147 = arith.constant 39 : i32
    %scan3A_148 = arith.addi %scan3A_146, %scan3A_147 : i32
    %scan3A_149 = arith.constant 1 : i32
    scf.for %scan3A_165 = %scan3A_146 to %scan3A_148 step %scan3A_149  : i32 {
      %mul3A_166 = arith.constant 2 : i32
      %mul3A_167 = arith.muli %mul3A_166, %scan3A_165 : i32
      %mul3A_168 = arith.constant 2 : i32
      %mul3A_169 = arith.muli %mul3A_168, %scan3A_165 : i32
      %add3A_170 = arith.constant 1 : i32
      %add3A_171 = arith.addi %mul3A_169, %add3A_170 : i32
      %dma_wait3A_172 = arith.constant 0 : i32
      %dma_wait3A_173 = tpu.memref_slice %arg6[%mul3A_167, %dma_wait3A_172] : memref<79x128xi32, #tpu.memory_space<vmem>> -> memref<1x128xi32, #tpu.memory_space<vmem>>
      %dma_wait3A_174 = tpu.memref_squeeze %dma_wait3A_173 : memref<1x128xi32, #tpu.memory_space<vmem>> -> memref<128xi32, #tpu.memory_space<vmem>>
      %dma_wait3A_175 = arith.constant 0 : i32
      %dma_wait3A_176 = arith.constant 0 : i32
      %dma_wait3A_177 = tpu.memref_slice %arg11[%dma_wait3A_175, %dma_wait3A_176] : memref<10240x16xf32, #tpu.memory_space<vmem_shared>> -> memref<10240x16xf32, #tpu.memory_space<vmem_shared>>
      tpu.wait_indirect_dma semaphore(%arg12 : memref<!tpu.dma_semaphore, #tpu.memory_space<semaphore_mem>>) src(%dma_wait3A_177 : memref<10240x16xf32, #tpu.memory_space<vmem_shared>>) dst(%arg8 : memref<128x16xf32, #tpu.memory_space<vmem>>)
      %dma_start3A_178 = arith.constant 0 : i32
      %dma_start3A_179 = tpu.memref_slice %arg6[%add3A_171, %dma_start3A_178] : memref<79x128xi32, #tpu.memory_space<vmem>> -> memref<1x128xi32, #tpu.memory_space<vmem>>
      %dma_start3A_180 = tpu.memref_squeeze %dma_start3A_179 : memref<1x128xi32, #tpu.memory_space<vmem>> -> memref<128xi32, #tpu.memory_space<vmem>>
      %dma_start3A_181 = arith.constant 0 : i32
      %dma_start3A_182 = arith.constant 0 : i32
      %dma_start3A_183 = tpu.memref_slice %arg11[%dma_start3A_181, %dma_start3A_182] : memref<10240x16xf32, #tpu.memory_space<vmem_shared>> -> memref<10240x16xf32, #tpu.memory_space<vmem_shared>>
      tpu.enqueue_indirect_dma source(%dma_start3A_183 : memref<10240x16xf32, #tpu.memory_space<vmem_shared>>) target(%arg9 : memref<128x16xf32, #tpu.memory_space<vmem>>) offsets(%dma_start3A_180 : memref<128xi32, #tpu.memory_space<vmem>>) semaphore(%arg13 : memref<!tpu.dma_semaphore, #tpu.memory_space<semaphore_mem>>)
      "tpu.region"() ({
        %run_scoped3A_198 = tpu.sem_alloc : memref<!tpu.dma_semaphore, #tpu.memory_space<semaphore_mem>>
        %dma_start3A_199 = arith.constant 0 : i32
        %dma_start3A_200 = tpu.memref_slice %arg7[%mul3A_167, %dma_start3A_199] : memref<79x128xi32, #tpu.memory_space<vmem>> -> memref<1x128xi32, #tpu.memory_space<vmem>>
        %dma_start3A_201 = tpu.memref_squeeze %dma_start3A_200 : memref<1x128xi32, #tpu.memory_space<vmem>> -> memref<128xi32, #tpu.memory_space<vmem>>
        %dma_start3A_202 = arith.constant 0 : i32
        %dma_start3A_203 = arith.constant 0 : i32
        %dma_start3A_204 = tpu.memref_slice %arg10[%dma_start3A_202, %dma_start3A_203] : memref<10240x16xf32, #tpu.memory_space<vmem_shared>> -> memref<10240x16xf32, #tpu.memory_space<vmem_shared>>
        tpu.enqueue_indirect_dma source(%arg8 : memref<128x16xf32, #tpu.memory_space<vmem>>) target(%dma_start3A_204 : memref<10240x16xf32, #tpu.memory_space<vmem_shared>>) offsets(%dma_start3A_201 : memref<128xi32, #tpu.memory_space<vmem>>) semaphore(%run_scoped3A_198 : memref<!tpu.dma_semaphore, #tpu.memory_space<semaphore_mem>>) {add = true}
        %dma_wait3A_205 = arith.constant 0 : i32
        %dma_wait3A_206 = tpu.memref_slice %arg7[%mul3A_167, %dma_wait3A_205] : memref<79x128xi32, #tpu.memory_space<vmem>> -> memref<1x128xi32, #tpu.memory_space<vmem>>
        %dma_wait3A_207 = tpu.memref_squeeze %dma_wait3A_206 : memref<1x128xi32, #tpu.memory_space<vmem>> -> memref<128xi32, #tpu.memory_space<vmem>>
        %dma_wait3A_208 = arith.constant 0 : i32
        %dma_wait3A_209 = arith.constant 0 : i32
        %dma_wait3A_210 = tpu.memref_slice %arg10[%dma_wait3A_208, %dma_wait3A_209] : memref<10240x16xf32, #tpu.memory_space<vmem_shared>> -> memref<10240x16xf32, #tpu.memory_space<vmem_shared>>
        tpu.wait_indirect_dma semaphore(%run_scoped3A_198 : memref<!tpu.dma_semaphore, #tpu.memory_space<semaphore_mem>>) src(%arg8 : memref<128x16xf32, #tpu.memory_space<vmem>>) dst(%dma_wait3A_210 : memref<10240x16xf32, #tpu.memory_space<vmem_shared>>)
        tpu.yield
      }) : () -> ()
      %dma_wait3A_184 = arith.constant 0 : i32
      %dma_wait3A_185 = tpu.memref_slice %arg6[%add3A_171, %dma_wait3A_184] : memref<79x128xi32, #tpu.memory_space<vmem>> -> memref<1x128xi32, #tpu.memory_space<vmem>>
      %dma_wait3A_186 = tpu.memref_squeeze %dma_wait3A_185 : memref<1x128xi32, #tpu.memory_space<vmem>> -> memref<128xi32, #tpu.memory_space<vmem>>
      %dma_wait3A_187 = arith.constant 0 : i32
      %dma_wait3A_188 = arith.constant 0 : i32
      %dma_wait3A_189 = tpu.memref_slice %arg11[%dma_wait3A_187, %dma_wait3A_188] : memref<10240x16xf32, #tpu.memory_space<vmem_shared>> -> memref<10240x16xf32, #tpu.memory_space<vmem_shared>>
      tpu.wait_indirect_dma semaphore(%arg13 : memref<!tpu.dma_semaphore, #tpu.memory_space<semaphore_mem>>) src(%dma_wait3A_189 : memref<10240x16xf32, #tpu.memory_space<vmem_shared>>) dst(%arg9 : memref<128x16xf32, #tpu.memory_space<vmem>>)
      %add3A_190 = arith.constant 2 : i32
      %add3A_191 = arith.addi %mul3A_167, %add3A_190 : i32
      %dma_start3A_192 = arith.constant 0 : i32
      %dma_start3A_193 = tpu.memref_slice %arg6[%add3A_191, %dma_start3A_192] : memref<79x128xi32, #tpu.memory_space<vmem>> -> memref<1x128xi32, #tpu.memory_space<vmem>>
      %dma_start3A_194 = tpu.memref_squeeze %dma_start3A_193 : memref<1x128xi32, #tpu.memory_space<vmem>> -> memref<128xi32, #tpu.memory_space<vmem>>
      %dma_start3A_195 = arith.constant 0 : i32
      %dma_start3A_196 = arith.constant 0 : i32
      %dma_start3A_197 = tpu.memref_slice %arg11[%dma_start3A_195, %dma_start3A_196] : memref<10240x16xf32, #tpu.memory_space<vmem_shared>> -> memref<10240x16xf32, #tpu.memory_space<vmem_shared>>
      tpu.enqueue_indirect_dma source(%dma_start3A_197 : memref<10240x16xf32, #tpu.memory_space<vmem_shared>>) target(%arg8 : memref<128x16xf32, #tpu.memory_space<vmem>>) offsets(%dma_start3A_194 : memref<128xi32, #tpu.memory_space<vmem>>) semaphore(%arg12 : memref<!tpu.dma_semaphore, #tpu.memory_space<semaphore_mem>>)
      "tpu.region"() ({
        %run_scoped3A_198 = tpu.sem_alloc : memref<!tpu.dma_semaphore, #tpu.memory_space<semaphore_mem>>
        %dma_start3A_199 = arith.constant 0 : i32
        %dma_start3A_200 = tpu.memref_slice %arg7[%add3A_171, %dma_start3A_199] : memref<79x128xi32, #tpu.memory_space<vmem>> -> memref<1x128xi32, #tpu.memory_space<vmem>>
        %dma_start3A_201 = tpu.memref_squeeze %dma_start3A_200 : memref<1x128xi32, #tpu.memory_space<vmem>> -> memref<128xi32, #tpu.memory_space<vmem>>
        %dma_start3A_202 = arith.constant 0 : i32
        %dma_start3A_203 = arith.constant 0 : i32
        %dma_start3A_204 = tpu.memref_slice %arg10[%dma_start3A_202, %dma_start3A_203] : memref<10240x16xf32, #tpu.memory_space<vmem_shared>> -> memref<10240x16xf32, #tpu.memory_space<vmem_shared>>
        tpu.enqueue_indirect_dma source(%arg9 : memref<128x16xf32, #tpu.memory_space<vmem>>) target(%dma_start3A_204 : memref<10240x16xf32, #tpu.memory_space<vmem_shared>>) offsets(%dma_start3A_201 : memref<128xi32, #tpu.memory_space<vmem>>) semaphore(%run_scoped3A_198 : memref<!tpu.dma_semaphore, #tpu.memory_space<semaphore_mem>>) {add = true}
        %dma_wait3A_205 = arith.constant 0 : i32
        %dma_wait3A_206 = tpu.memref_slice %arg7[%add3A_171, %dma_wait3A_205] : memref<79x128xi32, #tpu.memory_space<vmem>> -> memref<1x128xi32, #tpu.memory_space<vmem>>
        %dma_wait3A_207 = tpu.memref_squeeze %dma_wait3A_206 : memref<1x128xi32, #tpu.memory_space<vmem>> -> memref<128xi32, #tpu.memory_space<vmem>>
        %dma_wait3A_208 = arith.constant 0 : i32
        %dma_wait3A_209 = arith.constant 0 : i32
        %dma_wait3A_210 = tpu.memref_slice %arg10[%dma_wait3A_208, %dma_wait3A_209] : memref<10240x16xf32, #tpu.memory_space<vmem_shared>> -> memref<10240x16xf32, #tpu.memory_space<vmem_shared>>
        tpu.wait_indirect_dma semaphore(%run_scoped3A_198 : memref<!tpu.dma_semaphore, #tpu.memory_space<semaphore_mem>>) src(%arg9 : memref<128x16xf32, #tpu.memory_space<vmem>>) dst(%dma_wait3A_210 : memref<10240x16xf32, #tpu.memory_space<vmem_shared>>)
        tpu.yield
      }) : () -> ()
    }
    %scan3A_150 = arith.constant 39 : i32
    %dma_wait3A = arith.constant 78 : i32
    %dma_wait3A_151 = arith.constant 0 : i32
    %dma_wait3A_152 = tpu.memref_slice %arg6[%dma_wait3A, %dma_wait3A_151] : memref<79x128xi32, #tpu.memory_space<vmem>> -> memref<1x128xi32, #tpu.memory_space<vmem>>
    %dma_wait3A_153 = tpu.memref_squeeze %dma_wait3A_152 : memref<1x128xi32, #tpu.memory_space<vmem>> -> memref<128xi32, #tpu.memory_space<vmem>>
    %dma_wait3A_154 = arith.constant 0 : i32
    %dma_wait3A_155 = arith.constant 0 : i32
    %dma_wait3A_156 = tpu.memref_slice %arg11[%dma_wait3A_154, %dma_wait3A_155] : memref<10240x16xf32, #tpu.memory_space<vmem_shared>> -> memref<10240x16xf32, #tpu.memory_space<vmem_shared>>
    tpu.wait_indirect_dma semaphore(%arg12 : memref<!tpu.dma_semaphore, #tpu.memory_space<semaphore_mem>>) src(%dma_wait3A_156 : memref<10240x16xf32, #tpu.memory_space<vmem_shared>>) dst(%arg8 : memref<128x16xf32, #tpu.memory_space<vmem>>)
    %run_scoped3A_157 = arith.constant 78 : i32
    "tpu.region"() ({
      %run_scoped3A_165 = tpu.sem_alloc : memref<!tpu.dma_semaphore, #tpu.memory_space<semaphore_mem>>
      %dma_start3A_166 = arith.constant 0 : i32
      %dma_start3A_167 = tpu.memref_slice %arg7[%run_scoped3A_157, %dma_start3A_166] : memref<79x128xi32, #tpu.memory_space<vmem>> -> memref<1x128xi32, #tpu.memory_space<vmem>>
      %dma_start3A_168 = tpu.memref_squeeze %dma_start3A_167 : memref<1x128xi32, #tpu.memory_space<vmem>> -> memref<128xi32, #tpu.memory_space<vmem>>
      %dma_start3A_169 = arith.constant 0 : i32
      %dma_start3A_170 = arith.constant 0 : i32
      %dma_start3A_171 = tpu.memref_slice %arg10[%dma_start3A_169, %dma_start3A_170] : memref<10240x16xf32, #tpu.memory_space<vmem_shared>> -> memref<10240x16xf32, #tpu.memory_space<vmem_shared>>
      tpu.enqueue_indirect_dma source(%arg8 : memref<128x16xf32, #tpu.memory_space<vmem>>) target(%dma_start3A_171 : memref<10240x16xf32, #tpu.memory_space<vmem_shared>>) offsets(%dma_start3A_168 : memref<128xi32, #tpu.memory_space<vmem>>) semaphore(%run_scoped3A_165 : memref<!tpu.dma_semaphore, #tpu.memory_space<semaphore_mem>>) {add = true}
      %dma_wait3A_172 = arith.constant 0 : i32
      %dma_wait3A_173 = tpu.memref_slice %arg7[%run_scoped3A_157, %dma_wait3A_172] : memref<79x128xi32, #tpu.memory_space<vmem>> -> memref<1x128xi32, #tpu.memory_space<vmem>>
      %dma_wait3A_174 = tpu.memref_squeeze %dma_wait3A_173 : memref<1x128xi32, #tpu.memory_space<vmem>> -> memref<128xi32, #tpu.memory_space<vmem>>
      %dma_wait3A_175 = arith.constant 0 : i32
      %dma_wait3A_176 = arith.constant 0 : i32
      %dma_wait3A_177 = tpu.memref_slice %arg10[%dma_wait3A_175, %dma_wait3A_176] : memref<10240x16xf32, #tpu.memory_space<vmem_shared>> -> memref<10240x16xf32, #tpu.memory_space<vmem_shared>>
      tpu.wait_indirect_dma semaphore(%run_scoped3A_165 : memref<!tpu.dma_semaphore, #tpu.memory_space<semaphore_mem>>) src(%arg8 : memref<128x16xf32, #tpu.memory_space<vmem>>) dst(%dma_wait3A_177 : memref<10240x16xf32, #tpu.memory_space<vmem_shared>>)
      tpu.yield
    }) : () -> ()
    %barrier3A_158 = arith.constant 0 : index
    tpu.barrier barrier_id(%barrier3A_158)
    %mul3A_159 = arith.constant 640 : i32
    %mul3A_160 = arith.muli %arg1, %mul3A_159 : i32
    %mul3A_161 = arith.constant 640 : i32
    %mul3A_162 = arith.muli %arg1, %mul3A_161 : i32
    %mul3A_163 = arith.constant 16 : i32
    %mul3A_164 = arith.muli %arg0, %mul3A_163 : i32
    "tpu.region"() ({
      %run_scoped3A_165 = tpu.sem_alloc : memref<!tpu.dma_semaphore, #tpu.memory_space<semaphore_mem>>
      %dma_start3A_166 = tpu.memref_slice %arg5[%mul3A_162, %mul3A_164] : memref<10240x32xf32, #tpu.memory_space<hbm>> -> memref<640x16xf32, #tpu.memory_space<hbm>>
      %dma_start3A_167 = arith.constant 0 : i32
      %dma_start3A_168 = tpu.memref_slice %arg10[%mul3A_160, %dma_start3A_167] : memref<10240x16xf32, #tpu.memory_space<vmem_shared>> -> memref<640x16xf32, #tpu.memory_space<vmem_shared>>
      tpu.enqueue_dma source(%dma_start3A_168 : memref<640x16xf32, #tpu.memory_space<vmem_shared>>) target(%dma_start3A_166 : memref<640x16xf32, #tpu.memory_space<hbm>>) target_semaphore(%run_scoped3A_165 : memref<!tpu.dma_semaphore, #tpu.memory_space<semaphore_mem>>)
      %dma_wait3A_169 = tpu.memref_slice %arg5[%mul3A_162, %mul3A_164] : memref<10240x32xf32, #tpu.memory_space<hbm>> -> memref<640x16xf32, #tpu.memory_space<hbm>>
      %dma_wait3A_170 = arith.constant 0 : i32
      %dma_wait3A_171 = tpu.memref_slice %arg10[%mul3A_160, %dma_wait3A_170] : memref<10240x16xf32, #tpu.memory_space<vmem_shared>> -> memref<640x16xf32, #tpu.memory_space<vmem_shared>>
      tpu.wait_dma2 semaphore(%run_scoped3A_165 : memref<!tpu.dma_semaphore, #tpu.memory_space<semaphore_mem>>) src(%dma_wait3A_171 : memref<640x16xf32, #tpu.memory_space<vmem_shared>>) dst(%dma_wait3A_169 : memref<640x16xf32, #tpu.memory_space<hbm>>)
      tpu.yield
    }) : () -> ()
    return
  }
}

#map = affine_map<(d0, d1) -> (0, 0)>
#map1 = affine_map<(d0, d1) -> (0, 0, 0)>
module attributes {stable_mosaic.version = 14 : i64} {
  func.func @body(%arg0: i32, %arg1: i32, %arg2: memref<10240x64xf32, #tpu.memory_space<hbm>>, %arg3: memref<2x2500x128xi32, #tpu.memory_space<hbm>>, %arg4: memref<640x32xf32, #tpu.memory_space<hbm>>, %arg5: memref<10240x64xf32, #tpu.memory_space<hbm>>, %arg6: memref<157x128xi32, #tpu.memory_space<vmem>>, %arg7: memref<157x128xi32, #tpu.memory_space<vmem>>, %arg8: memref<128x32xf32, #tpu.memory_space<vmem>>, %arg9: memref<128x32xf32, #tpu.memory_space<vmem>>, %arg10: memref<10240x32xf32, #tpu.memory_space<vmem_shared>>, %arg11: memref<10240x32xf32, #tpu.memory_space<vmem_shared>>, %arg12: memref<!tpu.dma_semaphore, #tpu.memory_space<semaphore_mem>>, %arg13: memref<!tpu.dma_semaphore, #tpu.memory_space<semaphore_mem>>) attributes {dimension_semantics = [#tpu.dimension_semantics<core_parallel>, #tpu.dimension_semantics<subcore_parallel>], iteration_bounds = array<i64: 2, 16>, scalar_prefetch = 0 : i64, scratch_operands = 8 : i64, tpu.core_type = #tpu.core_type<sc_vector_subcore>, window_params = [{transform_indices = #map}, {transform_indices = #map1}, {transform_indices = #map}, {transform_indices = #map}]} {
    %mul3A = arith.constant 156 : i32
    %mul3A_0 = arith.muli %arg1, %mul3A : i32
    %min3A = arith.constant 4 : i32
    %min3A_1 = arith.minsi %arg1, %min3A : i32
    %add3A = arith.addi %mul3A_0, %min3A_1 : i32
    %broadcast_in_dim3A = arith.constant 0 : i32
    %broadcast_in_dim3A_2 = vector.broadcast %broadcast_in_dim3A : i32 to vector<16xi32>
    %swap3A = arith.constant 156 : i32
    %swap3A_3 = arith.index_cast %swap3A : i32 to index
    %swap3A_4 = arith.constant 0 : index
    %swap3A_5 = tpu.vector_load %arg6[%swap3A_3, %swap3A_4] {strides = array<i32>} : memref<157x128xi32, #tpu.memory_space<vmem>>, vector<1x16xi32>,
    %swap3A_6 = vector.shape_cast %swap3A_5 : vector<1x16xi32> to vector<16xi32>
    %swap3A_7 = vector.shape_cast %broadcast_in_dim3A_2 : vector<16xi32> to vector<1x16xi32>
    tpu.vector_store %arg6[%swap3A_3, %swap3A_4], %swap3A_7 {strides = array<i32>} : memref<157x128xi32, #tpu.memory_space<vmem>>, vector<1x16xi32>,
    %broadcast_in_dim3A_8 = arith.constant 10000 : i32
    %broadcast_in_dim3A_9 = vector.broadcast %broadcast_in_dim3A_8 : i32 to vector<16xi32>
    %swap3A_10 = arith.constant 156 : i32
    %swap3A_11 = arith.index_cast %swap3A_10 : i32 to index
    %swap3A_12 = arith.constant 0 : index
    %swap3A_13 = tpu.vector_load %arg7[%swap3A_11, %swap3A_12] {strides = array<i32>} : memref<157x128xi32, #tpu.memory_space<vmem>>, vector<1x16xi32>,
    %swap3A_14 = vector.shape_cast %swap3A_13 : vector<1x16xi32> to vector<16xi32>
    %swap3A_15 = vector.shape_cast %broadcast_in_dim3A_9 : vector<16xi32> to vector<1x16xi32>
    tpu.vector_store %arg7[%swap3A_11, %swap3A_12], %swap3A_15 {strides = array<i32>} : memref<157x128xi32, #tpu.memory_space<vmem>>, vector<1x16xi32>,
    %broadcast_in_dim3A_16 = arith.constant 0 : i32
    %broadcast_in_dim3A_17 = vector.broadcast %broadcast_in_dim3A_16 : i32 to vector<16xi32>
    %swap3A_18 = arith.constant 156 : i32
    %swap3A_19 = arith.index_cast %swap3A_18 : i32 to index
    %swap3A_20 = arith.constant 16 : index
    %swap3A_21 = tpu.vector_load %arg6[%swap3A_19, %swap3A_20] {strides = array<i32>} : memref<157x128xi32, #tpu.memory_space<vmem>>, vector<1x16xi32>,
    %swap3A_22 = vector.shape_cast %swap3A_21 : vector<1x16xi32> to vector<16xi32>
    %swap3A_23 = vector.shape_cast %broadcast_in_dim3A_17 : vector<16xi32> to vector<1x16xi32>
    tpu.vector_store %arg6[%swap3A_19, %swap3A_20], %swap3A_23 {strides = array<i32>} : memref<157x128xi32, #tpu.memory_space<vmem>>, vector<1x16xi32>,
    %broadcast_in_dim3A_24 = arith.constant 10000 : i32
    %broadcast_in_dim3A_25 = vector.broadcast %broadcast_in_dim3A_24 : i32 to vector<16xi32>
    %swap3A_26 = arith.constant 156 : i32
    %swap3A_27 = arith.index_cast %swap3A_26 : i32 to index
    %swap3A_28 = arith.constant 16 : index
    %swap3A_29 = tpu.vector_load %arg7[%swap3A_27, %swap3A_28] {strides = array<i32>} : memref<157x128xi32, #tpu.memory_space<vmem>>, vector<1x16xi32>,
    %swap3A_30 = vector.shape_cast %swap3A_29 : vector<1x16xi32> to vector<16xi32>
    %swap3A_31 = vector.shape_cast %broadcast_in_dim3A_25 : vector<16xi32> to vector<1x16xi32>
    tpu.vector_store %arg7[%swap3A_27, %swap3A_28], %swap3A_31 {strides = array<i32>} : memref<157x128xi32, #tpu.memory_space<vmem>>, vector<1x16xi32>,
    %broadcast_in_dim3A_32 = arith.constant 0 : i32
    %broadcast_in_dim3A_33 = vector.broadcast %broadcast_in_dim3A_32 : i32 to vector<16xi32>
    %swap3A_34 = arith.constant 156 : i32
    %swap3A_35 = arith.index_cast %swap3A_34 : i32 to index
    %swap3A_36 = arith.constant 32 : index
    %swap3A_37 = tpu.vector_load %arg6[%swap3A_35, %swap3A_36] {strides = array<i32>} : memref<157x128xi32, #tpu.memory_space<vmem>>, vector<1x16xi32>,
    %swap3A_38 = vector.shape_cast %swap3A_37 : vector<1x16xi32> to vector<16xi32>
    %swap3A_39 = vector.shape_cast %broadcast_in_dim3A_33 : vector<16xi32> to vector<1x16xi32>
    tpu.vector_store %arg6[%swap3A_35, %swap3A_36], %swap3A_39 {strides = array<i32>} : memref<157x128xi32, #tpu.memory_space<vmem>>, vector<1x16xi32>,
    %broadcast_in_dim3A_40 = arith.constant 10000 : i32
    %broadcast_in_dim3A_41 = vector.broadcast %broadcast_in_dim3A_40 : i32 to vector<16xi32>
    %swap3A_42 = arith.constant 156 : i32
    %swap3A_43 = arith.index_cast %swap3A_42 : i32 to index
    %swap3A_44 = arith.constant 32 : index
    %swap3A_45 = tpu.vector_load %arg7[%swap3A_43, %swap3A_44] {strides = array<i32>} : memref<157x128xi32, #tpu.memory_space<vmem>>, vector<1x16xi32>,
    %swap3A_46 = vector.shape_cast %swap3A_45 : vector<1x16xi32> to vector<16xi32>
    %swap3A_47 = vector.shape_cast %broadcast_in_dim3A_41 : vector<16xi32> to vector<1x16xi32>
    tpu.vector_store %arg7[%swap3A_43, %swap3A_44], %swap3A_47 {strides = array<i32>} : memref<157x128xi32, #tpu.memory_space<vmem>>, vector<1x16xi32>,
    %broadcast_in_dim3A_48 = arith.constant 0 : i32
    %broadcast_in_dim3A_49 = vector.broadcast %broadcast_in_dim3A_48 : i32 to vector<16xi32>
    %swap3A_50 = arith.constant 156 : i32
    %swap3A_51 = arith.index_cast %swap3A_50 : i32 to index
    %swap3A_52 = arith.constant 48 : index
    %swap3A_53 = tpu.vector_load %arg6[%swap3A_51, %swap3A_52] {strides = array<i32>} : memref<157x128xi32, #tpu.memory_space<vmem>>, vector<1x16xi32>,
    %swap3A_54 = vector.shape_cast %swap3A_53 : vector<1x16xi32> to vector<16xi32>
    %swap3A_55 = vector.shape_cast %broadcast_in_dim3A_49 : vector<16xi32> to vector<1x16xi32>
    tpu.vector_store %arg6[%swap3A_51, %swap3A_52], %swap3A_55 {strides = array<i32>} : memref<157x128xi32, #tpu.memory_space<vmem>>, vector<1x16xi32>,
    %broadcast_in_dim3A_56 = arith.constant 10000 : i32
    %broadcast_in_dim3A_57 = vector.broadcast %broadcast_in_dim3A_56 : i32 to vector<16xi32>
    %swap3A_58 = arith.constant 156 : i32
    %swap3A_59 = arith.index_cast %swap3A_58 : i32 to index
    %swap3A_60 = arith.constant 48 : index
    %swap3A_61 = tpu.vector_load %arg7[%swap3A_59, %swap3A_60] {strides = array<i32>} : memref<157x128xi32, #tpu.memory_space<vmem>>, vector<1x16xi32>,
    %swap3A_62 = vector.shape_cast %swap3A_61 : vector<1x16xi32> to vector<16xi32>
    %swap3A_63 = vector.shape_cast %broadcast_in_dim3A_57 : vector<16xi32> to vector<1x16xi32>
    tpu.vector_store %arg7[%swap3A_59, %swap3A_60], %swap3A_63 {strides = array<i32>} : memref<157x128xi32, #tpu.memory_space<vmem>>, vector<1x16xi32>,
    %broadcast_in_dim3A_64 = arith.constant 0 : i32
    %broadcast_in_dim3A_65 = vector.broadcast %broadcast_in_dim3A_64 : i32 to vector<16xi32>
    %swap3A_66 = arith.constant 156 : i32
    %swap3A_67 = arith.index_cast %swap3A_66 : i32 to index
    %swap3A_68 = arith.constant 64 : index
    %swap3A_69 = tpu.vector_load %arg6[%swap3A_67, %swap3A_68] {strides = array<i32>} : memref<157x128xi32, #tpu.memory_space<vmem>>, vector<1x16xi32>,
    %swap3A_70 = vector.shape_cast %swap3A_69 : vector<1x16xi32> to vector<16xi32>
    %swap3A_71 = vector.shape_cast %broadcast_in_dim3A_65 : vector<16xi32> to vector<1x16xi32>
    tpu.vector_store %arg6[%swap3A_67, %swap3A_68], %swap3A_71 {strides = array<i32>} : memref<157x128xi32, #tpu.memory_space<vmem>>, vector<1x16xi32>,
    %broadcast_in_dim3A_72 = arith.constant 10000 : i32
    %broadcast_in_dim3A_73 = vector.broadcast %broadcast_in_dim3A_72 : i32 to vector<16xi32>
    %swap3A_74 = arith.constant 156 : i32
    %swap3A_75 = arith.index_cast %swap3A_74 : i32 to index
    %swap3A_76 = arith.constant 64 : index
    %swap3A_77 = tpu.vector_load %arg7[%swap3A_75, %swap3A_76] {strides = array<i32>} : memref<157x128xi32, #tpu.memory_space<vmem>>, vector<1x16xi32>,
    %swap3A_78 = vector.shape_cast %swap3A_77 : vector<1x16xi32> to vector<16xi32>
    %swap3A_79 = vector.shape_cast %broadcast_in_dim3A_73 : vector<16xi32> to vector<1x16xi32>
    tpu.vector_store %arg7[%swap3A_75, %swap3A_76], %swap3A_79 {strides = array<i32>} : memref<157x128xi32, #tpu.memory_space<vmem>>, vector<1x16xi32>,
    %broadcast_in_dim3A_80 = arith.constant 0 : i32
    %broadcast_in_dim3A_81 = vector.broadcast %broadcast_in_dim3A_80 : i32 to vector<16xi32>
    %swap3A_82 = arith.constant 156 : i32
    %swap3A_83 = arith.index_cast %swap3A_82 : i32 to index
    %swap3A_84 = arith.constant 80 : index
    %swap3A_85 = tpu.vector_load %arg6[%swap3A_83, %swap3A_84] {strides = array<i32>} : memref<157x128xi32, #tpu.memory_space<vmem>>, vector<1x16xi32>,
    %swap3A_86 = vector.shape_cast %swap3A_85 : vector<1x16xi32> to vector<16xi32>
    %swap3A_87 = vector.shape_cast %broadcast_in_dim3A_81 : vector<16xi32> to vector<1x16xi32>
    tpu.vector_store %arg6[%swap3A_83, %swap3A_84], %swap3A_87 {strides = array<i32>} : memref<157x128xi32, #tpu.memory_space<vmem>>, vector<1x16xi32>,
    %broadcast_in_dim3A_88 = arith.constant 10000 : i32
    %broadcast_in_dim3A_89 = vector.broadcast %broadcast_in_dim3A_88 : i32 to vector<16xi32>
    %swap3A_90 = arith.constant 156 : i32
    %swap3A_91 = arith.index_cast %swap3A_90 : i32 to index
    %swap3A_92 = arith.constant 80 : index
    %swap3A_93 = tpu.vector_load %arg7[%swap3A_91, %swap3A_92] {strides = array<i32>} : memref<157x128xi32, #tpu.memory_space<vmem>>, vector<1x16xi32>,
    %swap3A_94 = vector.shape_cast %swap3A_93 : vector<1x16xi32> to vector<16xi32>
    %swap3A_95 = vector.shape_cast %broadcast_in_dim3A_89 : vector<16xi32> to vector<1x16xi32>
    tpu.vector_store %arg7[%swap3A_91, %swap3A_92], %swap3A_95 {strides = array<i32>} : memref<157x128xi32, #tpu.memory_space<vmem>>, vector<1x16xi32>,
    %broadcast_in_dim3A_96 = arith.constant 0 : i32
    %broadcast_in_dim3A_97 = vector.broadcast %broadcast_in_dim3A_96 : i32 to vector<16xi32>
    %swap3A_98 = arith.constant 156 : i32
    %swap3A_99 = arith.index_cast %swap3A_98 : i32 to index
    %swap3A_100 = arith.constant 96 : index
    %swap3A_101 = tpu.vector_load %arg6[%swap3A_99, %swap3A_100] {strides = array<i32>} : memref<157x128xi32, #tpu.memory_space<vmem>>, vector<1x16xi32>,
    %swap3A_102 = vector.shape_cast %swap3A_101 : vector<1x16xi32> to vector<16xi32>
    %swap3A_103 = vector.shape_cast %broadcast_in_dim3A_97 : vector<16xi32> to vector<1x16xi32>
    tpu.vector_store %arg6[%swap3A_99, %swap3A_100], %swap3A_103 {strides = array<i32>} : memref<157x128xi32, #tpu.memory_space<vmem>>, vector<1x16xi32>,
    %broadcast_in_dim3A_104 = arith.constant 10000 : i32
    %broadcast_in_dim3A_105 = vector.broadcast %broadcast_in_dim3A_104 : i32 to vector<16xi32>
    %swap3A_106 = arith.constant 156 : i32
    %swap3A_107 = arith.index_cast %swap3A_106 : i32 to index
    %swap3A_108 = arith.constant 96 : index
    %swap3A_109 = tpu.vector_load %arg7[%swap3A_107, %swap3A_108] {strides = array<i32>} : memref<157x128xi32, #tpu.memory_space<vmem>>, vector<1x16xi32>,
    %swap3A_110 = vector.shape_cast %swap3A_109 : vector<1x16xi32> to vector<16xi32>
    %swap3A_111 = vector.shape_cast %broadcast_in_dim3A_105 : vector<16xi32> to vector<1x16xi32>
    tpu.vector_store %arg7[%swap3A_107, %swap3A_108], %swap3A_111 {strides = array<i32>} : memref<157x128xi32, #tpu.memory_space<vmem>>, vector<1x16xi32>,
    %broadcast_in_dim3A_112 = arith.constant 0 : i32
    %broadcast_in_dim3A_113 = vector.broadcast %broadcast_in_dim3A_112 : i32 to vector<16xi32>
    %swap3A_114 = arith.constant 156 : i32
    %swap3A_115 = arith.index_cast %swap3A_114 : i32 to index
    %swap3A_116 = arith.constant 112 : index
    %swap3A_117 = tpu.vector_load %arg6[%swap3A_115, %swap3A_116] {strides = array<i32>} : memref<157x128xi32, #tpu.memory_space<vmem>>, vector<1x16xi32>,
    %swap3A_118 = vector.shape_cast %swap3A_117 : vector<1x16xi32> to vector<16xi32>
    %swap3A_119 = vector.shape_cast %broadcast_in_dim3A_113 : vector<16xi32> to vector<1x16xi32>
    tpu.vector_store %arg6[%swap3A_115, %swap3A_116], %swap3A_119 {strides = array<i32>} : memref<157x128xi32, #tpu.memory_space<vmem>>, vector<1x16xi32>,
    %broadcast_in_dim3A_120 = arith.constant 10000 : i32
    %broadcast_in_dim3A_121 = vector.broadcast %broadcast_in_dim3A_120 : i32 to vector<16xi32>
    %swap3A_122 = arith.constant 156 : i32
    %swap3A_123 = arith.index_cast %swap3A_122 : i32 to index
    %swap3A_124 = arith.constant 112 : index
    %swap3A_125 = tpu.vector_load %arg7[%swap3A_123, %swap3A_124] {strides = array<i32>} : memref<157x128xi32, #tpu.memory_space<vmem>>, vector<1x16xi32>,
    %swap3A_126 = vector.shape_cast %swap3A_125 : vector<1x16xi32> to vector<16xi32>
    %swap3A_127 = vector.shape_cast %broadcast_in_dim3A_121 : vector<16xi32> to vector<1x16xi32>
    tpu.vector_store %arg7[%swap3A_123, %swap3A_124], %swap3A_127 {strides = array<i32>} : memref<157x128xi32, #tpu.memory_space<vmem>>, vector<1x16xi32>,
    %run_scoped3A = arith.constant 0 : i32
    "tpu.region"() ({
      %run_scoped3A_164 = tpu.sem_alloc : memref<!tpu.dma_semaphore, #tpu.memory_space<semaphore_mem>>
      %dma_start3A_165 = arith.constant 0 : i32
      %dma_start3A_166 = arith.constant 0 : i32
      %dma_start3A_167 = tpu.memref_slice %arg6[%dma_start3A_165, %dma_start3A_166] : memref<157x128xi32, #tpu.memory_space<vmem>> -> memref<156x128xi32, #tpu.memory_space<vmem>>
      %dma_start3A_168 = arith.constant 0 : i32
      %dma_start3A_169 = tpu.memref_slice %arg3[%run_scoped3A, %add3A, %dma_start3A_168] : memref<2x2500x128xi32, #tpu.memory_space<hbm>> -> memref<1x156x128xi32, #tpu.memory_space<hbm>>
      %dma_start3A_170 = tpu.memref_squeeze %dma_start3A_169 : memref<1x156x128xi32, #tpu.memory_space<hbm>> -> memref<156x128xi32, #tpu.memory_space<hbm>>
      %dma_start3A_171 = arith.constant 0 : i32
      %dma_start3A_172 = arith.constant 0 : i32
      %dma_start3A_173 = tpu.memref_slice %arg6[%dma_start3A_171, %dma_start3A_172] : memref<157x128xi32, #tpu.memory_space<vmem>> -> memref<156x128xi32, #tpu.memory_space<vmem>>
      %dma_start3A_174 = arith.constant 0 : i32
      %dma_start3A_175 = tpu.memref_slice %arg3[%run_scoped3A, %add3A, %dma_start3A_174] : memref<2x2500x128xi32, #tpu.memory_space<hbm>> -> memref<1x156x128xi32, #tpu.memory_space<hbm>>
      %dma_start3A_176 = tpu.memref_squeeze %dma_start3A_175 : memref<1x156x128xi32, #tpu.memory_space<hbm>> -> memref<156x128xi32, #tpu.memory_space<hbm>>
      tpu.enqueue_dma source(%dma_start3A_176 : memref<156x128xi32, #tpu.memory_space<hbm>>) target(%dma_start3A_173 : memref<156x128xi32, #tpu.memory_space<vmem>>) target_semaphore(%run_scoped3A_164 : memref<!tpu.dma_semaphore, #tpu.memory_space<semaphore_mem>>)
      %dma_wait3A_177 = arith.constant 0 : i32
      %dma_wait3A_178 = arith.constant 0 : i32
      %dma_wait3A_179 = tpu.memref_slice %arg6[%dma_wait3A_177, %dma_wait3A_178] : memref<157x128xi32, #tpu.memory_space<vmem>> -> memref<156x128xi32, #tpu.memory_space<vmem>>
      %dma_wait3A_180 = arith.constant 0 : i32
      %dma_wait3A_181 = tpu.memref_slice %arg3[%run_scoped3A, %add3A, %dma_wait3A_180] : memref<2x2500x128xi32, #tpu.memory_space<hbm>> -> memref<1x156x128xi32, #tpu.memory_space<hbm>>
      %dma_wait3A_182 = tpu.memref_squeeze %dma_wait3A_181 : memref<1x156x128xi32, #tpu.memory_space<hbm>> -> memref<156x128xi32, #tpu.memory_space<hbm>>
      %dma_wait3A_183 = arith.constant 0 : i32
      %dma_wait3A_184 = arith.constant 0 : i32
      %dma_wait3A_185 = tpu.memref_slice %arg6[%dma_wait3A_183, %dma_wait3A_184] : memref<157x128xi32, #tpu.memory_space<vmem>> -> memref<156x128xi32, #tpu.memory_space<vmem>>
      %dma_wait3A_186 = arith.constant 0 : i32
      %dma_wait3A_187 = tpu.memref_slice %arg3[%run_scoped3A, %add3A, %dma_wait3A_186] : memref<2x2500x128xi32, #tpu.memory_space<hbm>> -> memref<1x156x128xi32, #tpu.memory_space<hbm>>
      %dma_wait3A_188 = tpu.memref_squeeze %dma_wait3A_187 : memref<1x156x128xi32, #tpu.memory_space<hbm>> -> memref<156x128xi32, #tpu.memory_space<hbm>>
      tpu.wait_dma2 semaphore(%run_scoped3A_164 : memref<!tpu.dma_semaphore, #tpu.memory_space<semaphore_mem>>) src(%dma_wait3A_188 : memref<156x128xi32, #tpu.memory_space<hbm>>) dst(%dma_wait3A_185 : memref<156x128xi32, #tpu.memory_space<vmem>>)
      tpu.yield
    }) : () -> ()
    %run_scoped3A_128 = arith.constant 1 : i32
    "tpu.region"() ({
      %run_scoped3A_164 = tpu.sem_alloc : memref<!tpu.dma_semaphore, #tpu.memory_space<semaphore_mem>>
      %dma_start3A_165 = arith.constant 0 : i32
      %dma_start3A_166 = arith.constant 0 : i32
      %dma_start3A_167 = tpu.memref_slice %arg7[%dma_start3A_165, %dma_start3A_166] : memref<157x128xi32, #tpu.memory_space<vmem>> -> memref<156x128xi32, #tpu.memory_space<vmem>>
      %dma_start3A_168 = arith.constant 0 : i32
      %dma_start3A_169 = tpu.memref_slice %arg3[%run_scoped3A_128, %add3A, %dma_start3A_168] : memref<2x2500x128xi32, #tpu.memory_space<hbm>> -> memref<1x156x128xi32, #tpu.memory_space<hbm>>
      %dma_start3A_170 = tpu.memref_squeeze %dma_start3A_169 : memref<1x156x128xi32, #tpu.memory_space<hbm>> -> memref<156x128xi32, #tpu.memory_space<hbm>>
      %dma_start3A_171 = arith.constant 0 : i32
      %dma_start3A_172 = arith.constant 0 : i32
      %dma_start3A_173 = tpu.memref_slice %arg7[%dma_start3A_171, %dma_start3A_172] : memref<157x128xi32, #tpu.memory_space<vmem>> -> memref<156x128xi32, #tpu.memory_space<vmem>>
      %dma_start3A_174 = arith.constant 0 : i32
      %dma_start3A_175 = tpu.memref_slice %arg3[%run_scoped3A_128, %add3A, %dma_start3A_174] : memref<2x2500x128xi32, #tpu.memory_space<hbm>> -> memref<1x156x128xi32, #tpu.memory_space<hbm>>
      %dma_start3A_176 = tpu.memref_squeeze %dma_start3A_175 : memref<1x156x128xi32, #tpu.memory_space<hbm>> -> memref<156x128xi32, #tpu.memory_space<hbm>>
      tpu.enqueue_dma source(%dma_start3A_176 : memref<156x128xi32, #tpu.memory_space<hbm>>) target(%dma_start3A_173 : memref<156x128xi32, #tpu.memory_space<vmem>>) target_semaphore(%run_scoped3A_164 : memref<!tpu.dma_semaphore, #tpu.memory_space<semaphore_mem>>)
      %dma_wait3A_177 = arith.constant 0 : i32
      %dma_wait3A_178 = arith.constant 0 : i32
      %dma_wait3A_179 = tpu.memref_slice %arg7[%dma_wait3A_177, %dma_wait3A_178] : memref<157x128xi32, #tpu.memory_space<vmem>> -> memref<156x128xi32, #tpu.memory_space<vmem>>
      %dma_wait3A_180 = arith.constant 0 : i32
      %dma_wait3A_181 = tpu.memref_slice %arg3[%run_scoped3A_128, %add3A, %dma_wait3A_180] : memref<2x2500x128xi32, #tpu.memory_space<hbm>> -> memref<1x156x128xi32, #tpu.memory_space<hbm>>
      %dma_wait3A_182 = tpu.memref_squeeze %dma_wait3A_181 : memref<1x156x128xi32, #tpu.memory_space<hbm>> -> memref<156x128xi32, #tpu.memory_space<hbm>>
      %dma_wait3A_183 = arith.constant 0 : i32
      %dma_wait3A_184 = arith.constant 0 : i32
      %dma_wait3A_185 = tpu.memref_slice %arg7[%dma_wait3A_183, %dma_wait3A_184] : memref<157x128xi32, #tpu.memory_space<vmem>> -> memref<156x128xi32, #tpu.memory_space<vmem>>
      %dma_wait3A_186 = arith.constant 0 : i32
      %dma_wait3A_187 = tpu.memref_slice %arg3[%run_scoped3A_128, %add3A, %dma_wait3A_186] : memref<2x2500x128xi32, #tpu.memory_space<hbm>> -> memref<1x156x128xi32, #tpu.memory_space<hbm>>
      %dma_wait3A_188 = tpu.memref_squeeze %dma_wait3A_187 : memref<1x156x128xi32, #tpu.memory_space<hbm>> -> memref<156x128xi32, #tpu.memory_space<hbm>>
      tpu.wait_dma2 semaphore(%run_scoped3A_164 : memref<!tpu.dma_semaphore, #tpu.memory_space<semaphore_mem>>) src(%dma_wait3A_188 : memref<156x128xi32, #tpu.memory_space<hbm>>) dst(%dma_wait3A_185 : memref<156x128xi32, #tpu.memory_space<vmem>>)
      tpu.yield
    }) : () -> ()
    %lt3A = arith.constant 4 : i32
    %lt3A_129 = arith.cmpi slt, %arg1, %lt3A : i32
    %convert_element_type3A = arith.extui %lt3A_129 : i1 to i32
    %cond3A = arith.constant 0 : i32
    %cond3A_130 = arith.cmpi ne, %convert_element_type3A, %cond3A : i32
    scf.if %cond3A_130 {
      %add3A_164 = arith.constant 156 : i32
      %add3A_165 = arith.addi %add3A, %add3A_164 : i32
      %run_scoped3A_166 = arith.constant 0 : i32
      "tpu.region"() ({
        %run_scoped3A_170 = tpu.sem_alloc : memref<!tpu.dma_semaphore, #tpu.memory_space<semaphore_mem>>
        %dma_start3A_171 = arith.constant 156 : i32
        %dma_start3A_172 = arith.constant 0 : i32
        %dma_start3A_173 = tpu.memref_slice %arg6[%dma_start3A_171, %dma_start3A_172] : memref<157x128xi32, #tpu.memory_space<vmem>> -> memref<1x128xi32, #tpu.memory_space<vmem>>
        %dma_start3A_174 = arith.constant 0 : i32
        %dma_start3A_175 = tpu.memref_slice %arg3[%run_scoped3A_166, %add3A_165, %dma_start3A_174] : memref<2x2500x128xi32, #tpu.memory_space<hbm>> -> memref<1x1x128xi32, #tpu.memory_space<hbm>>
        %dma_start3A_176 = tpu.memref_squeeze %dma_start3A_175 : memref<1x1x128xi32, #tpu.memory_space<hbm>> -> memref<1x128xi32, #tpu.memory_space<hbm>>
        %dma_start3A_177 = arith.constant 156 : i32
        %dma_start3A_178 = arith.constant 0 : i32
        %dma_start3A_179 = tpu.memref_slice %arg6[%dma_start3A_177, %dma_start3A_178] : memref<157x128xi32, #tpu.memory_space<vmem>> -> memref<1x128xi32, #tpu.memory_space<vmem>>
        %dma_start3A_180 = arith.constant 0 : i32
        %dma_start3A_181 = tpu.memref_slice %arg3[%run_scoped3A_166, %add3A_165, %dma_start3A_180] : memref<2x2500x128xi32, #tpu.memory_space<hbm>> -> memref<1x1x128xi32, #tpu.memory_space<hbm>>
        %dma_start3A_182 = tpu.memref_squeeze %dma_start3A_181 : memref<1x1x128xi32, #tpu.memory_space<hbm>> -> memref<1x128xi32, #tpu.memory_space<hbm>>
        tpu.enqueue_dma source(%dma_start3A_182 : memref<1x128xi32, #tpu.memory_space<hbm>>) target(%dma_start3A_179 : memref<1x128xi32, #tpu.memory_space<vmem>>) target_semaphore(%run_scoped3A_170 : memref<!tpu.dma_semaphore, #tpu.memory_space<semaphore_mem>>)
        %dma_wait3A_183 = arith.constant 156 : i32
        %dma_wait3A_184 = arith.constant 0 : i32
        %dma_wait3A_185 = tpu.memref_slice %arg6[%dma_wait3A_183, %dma_wait3A_184] : memref<157x128xi32, #tpu.memory_space<vmem>> -> memref<1x128xi32, #tpu.memory_space<vmem>>
        %dma_wait3A_186 = arith.constant 0 : i32
        %dma_wait3A_187 = tpu.memref_slice %arg3[%run_scoped3A_166, %add3A_165, %dma_wait3A_186] : memref<2x2500x128xi32, #tpu.memory_space<hbm>> -> memref<1x1x128xi32, #tpu.memory_space<hbm>>
        %dma_wait3A_188 = tpu.memref_squeeze %dma_wait3A_187 : memref<1x1x128xi32, #tpu.memory_space<hbm>> -> memref<1x128xi32, #tpu.memory_space<hbm>>
        %dma_wait3A_189 = arith.constant 156 : i32
        %dma_wait3A_190 = arith.constant 0 : i32
        %dma_wait3A_191 = tpu.memref_slice %arg6[%dma_wait3A_189, %dma_wait3A_190] : memref<157x128xi32, #tpu.memory_space<vmem>> -> memref<1x128xi32, #tpu.memory_space<vmem>>
        %dma_wait3A_192 = arith.constant 0 : i32
        %dma_wait3A_193 = tpu.memref_slice %arg3[%run_scoped3A_166, %add3A_165, %dma_wait3A_192] : memref<2x2500x128xi32, #tpu.memory_space<hbm>> -> memref<1x1x128xi32, #tpu.memory_space<hbm>>
        %dma_wait3A_194 = tpu.memref_squeeze %dma_wait3A_193 : memref<1x1x128xi32, #tpu.memory_space<hbm>> -> memref<1x128xi32, #tpu.memory_space<hbm>>
        tpu.wait_dma2 semaphore(%run_scoped3A_170 : memref<!tpu.dma_semaphore, #tpu.memory_space<semaphore_mem>>) src(%dma_wait3A_194 : memref<1x128xi32, #tpu.memory_space<hbm>>) dst(%dma_wait3A_191 : memref<1x128xi32, #tpu.memory_space<vmem>>)
        tpu.yield
      }) : () -> ()
      %add3A_167 = arith.constant 156 : i32
      %add3A_168 = arith.addi %add3A, %add3A_167 : i32
      %run_scoped3A_169 = arith.constant 1 : i32
      "tpu.region"() ({
        %run_scoped3A_170 = tpu.sem_alloc : memref<!tpu.dma_semaphore, #tpu.memory_space<semaphore_mem>>
        %dma_start3A_171 = arith.constant 156 : i32
        %dma_start3A_172 = arith.constant 0 : i32
        %dma_start3A_173 = tpu.memref_slice %arg7[%dma_start3A_171, %dma_start3A_172] : memref<157x128xi32, #tpu.memory_space<vmem>> -> memref<1x128xi32, #tpu.memory_space<vmem>>
        %dma_start3A_174 = arith.constant 0 : i32
        %dma_start3A_175 = tpu.memref_slice %arg3[%run_scoped3A_169, %add3A_168, %dma_start3A_174] : memref<2x2500x128xi32, #tpu.memory_space<hbm>> -> memref<1x1x128xi32, #tpu.memory_space<hbm>>
        %dma_start3A_176 = tpu.memref_squeeze %dma_start3A_175 : memref<1x1x128xi32, #tpu.memory_space<hbm>> -> memref<1x128xi32, #tpu.memory_space<hbm>>
        %dma_start3A_177 = arith.constant 156 : i32
        %dma_start3A_178 = arith.constant 0 : i32
        %dma_start3A_179 = tpu.memref_slice %arg7[%dma_start3A_177, %dma_start3A_178] : memref<157x128xi32, #tpu.memory_space<vmem>> -> memref<1x128xi32, #tpu.memory_space<vmem>>
        %dma_start3A_180 = arith.constant 0 : i32
        %dma_start3A_181 = tpu.memref_slice %arg3[%run_scoped3A_169, %add3A_168, %dma_start3A_180] : memref<2x2500x128xi32, #tpu.memory_space<hbm>> -> memref<1x1x128xi32, #tpu.memory_space<hbm>>
        %dma_start3A_182 = tpu.memref_squeeze %dma_start3A_181 : memref<1x1x128xi32, #tpu.memory_space<hbm>> -> memref<1x128xi32, #tpu.memory_space<hbm>>
        tpu.enqueue_dma source(%dma_start3A_182 : memref<1x128xi32, #tpu.memory_space<hbm>>) target(%dma_start3A_179 : memref<1x128xi32, #tpu.memory_space<vmem>>) target_semaphore(%run_scoped3A_170 : memref<!tpu.dma_semaphore, #tpu.memory_space<semaphore_mem>>)
        %dma_wait3A_183 = arith.constant 156 : i32
        %dma_wait3A_184 = arith.constant 0 : i32
        %dma_wait3A_185 = tpu.memref_slice %arg7[%dma_wait3A_183, %dma_wait3A_184] : memref<157x128xi32, #tpu.memory_space<vmem>> -> memref<1x128xi32, #tpu.memory_space<vmem>>
        %dma_wait3A_186 = arith.constant 0 : i32
        %dma_wait3A_187 = tpu.memref_slice %arg3[%run_scoped3A_169, %add3A_168, %dma_wait3A_186] : memref<2x2500x128xi32, #tpu.memory_space<hbm>> -> memref<1x1x128xi32, #tpu.memory_space<hbm>>
        %dma_wait3A_188 = tpu.memref_squeeze %dma_wait3A_187 : memref<1x1x128xi32, #tpu.memory_space<hbm>> -> memref<1x128xi32, #tpu.memory_space<hbm>>
        %dma_wait3A_189 = arith.constant 156 : i32
        %dma_wait3A_190 = arith.constant 0 : i32
        %dma_wait3A_191 = tpu.memref_slice %arg7[%dma_wait3A_189, %dma_wait3A_190] : memref<157x128xi32, #tpu.memory_space<vmem>> -> memref<1x128xi32, #tpu.memory_space<vmem>>
        %dma_wait3A_192 = arith.constant 0 : i32
        %dma_wait3A_193 = tpu.memref_slice %arg3[%run_scoped3A_169, %add3A_168, %dma_wait3A_192] : memref<2x2500x128xi32, #tpu.memory_space<hbm>> -> memref<1x1x128xi32, #tpu.memory_space<hbm>>
        %dma_wait3A_194 = tpu.memref_squeeze %dma_wait3A_193 : memref<1x1x128xi32, #tpu.memory_space<hbm>> -> memref<1x128xi32, #tpu.memory_space<hbm>>
        tpu.wait_dma2 semaphore(%run_scoped3A_170 : memref<!tpu.dma_semaphore, #tpu.memory_space<semaphore_mem>>) src(%dma_wait3A_194 : memref<1x128xi32, #tpu.memory_space<hbm>>) dst(%dma_wait3A_191 : memref<1x128xi32, #tpu.memory_space<vmem>>)
        tpu.yield
      }) : () -> ()
    } else {
    }
    %mul3A_131 = arith.constant 640 : i32
    %mul3A_132 = arith.muli %arg1, %mul3A_131 : i32
    "tpu.region"() ({
      %run_scoped3A_164 = tpu.sem_alloc : memref<!tpu.dma_semaphore, #tpu.memory_space<semaphore_mem>>
      %dma_start3A_165 = arith.constant 0 : i32
      %dma_start3A_166 = tpu.memref_slice %arg10[%mul3A_132, %dma_start3A_165] : memref<10240x32xf32, #tpu.memory_space<vmem_shared>> -> memref<640x32xf32, #tpu.memory_space<vmem_shared>>
      tpu.enqueue_dma source(%arg4 : memref<640x32xf32, #tpu.memory_space<hbm>>) target(%dma_start3A_166 : memref<640x32xf32, #tpu.memory_space<vmem_shared>>) target_semaphore(%run_scoped3A_164 : memref<!tpu.dma_semaphore, #tpu.memory_space<semaphore_mem>>)
      %dma_wait3A_167 = arith.constant 0 : i32
      %dma_wait3A_168 = tpu.memref_slice %arg10[%mul3A_132, %dma_wait3A_167] : memref<10240x32xf32, #tpu.memory_space<vmem_shared>> -> memref<640x32xf32, #tpu.memory_space<vmem_shared>>
      tpu.wait_dma2 semaphore(%run_scoped3A_164 : memref<!tpu.dma_semaphore, #tpu.memory_space<semaphore_mem>>) src(%arg4 : memref<640x32xf32, #tpu.memory_space<hbm>>) dst(%dma_wait3A_168 : memref<640x32xf32, #tpu.memory_space<vmem_shared>>)
      tpu.yield
    }) : () -> ()
    %mul3A_133 = arith.constant 640 : i32
    %mul3A_134 = arith.muli %arg1, %mul3A_133 : i32
    %mul3A_135 = arith.constant 32 : i32
    %mul3A_136 = arith.muli %arg0, %mul3A_135 : i32
    %mul3A_137 = arith.constant 640 : i32
    %mul3A_138 = arith.muli %arg1, %mul3A_137 : i32
    "tpu.region"() ({
      %run_scoped3A_164 = tpu.sem_alloc : memref<!tpu.dma_semaphore, #tpu.memory_space<semaphore_mem>>
      %dma_start3A_165 = arith.constant 0 : i32
      %dma_start3A_166 = tpu.memref_slice %arg11[%mul3A_138, %dma_start3A_165] : memref<10240x32xf32, #tpu.memory_space<vmem_shared>> -> memref<640x32xf32, #tpu.memory_space<vmem_shared>>
      %dma_start3A_167 = tpu.memref_slice %arg2[%mul3A_134, %mul3A_136] : memref<10240x64xf32, #tpu.memory_space<hbm>> -> memref<640x32xf32, #tpu.memory_space<hbm>>
      tpu.enqueue_dma source(%dma_start3A_167 : memref<640x32xf32, #tpu.memory_space<hbm>>) target(%dma_start3A_166 : memref<640x32xf32, #tpu.memory_space<vmem_shared>>) target_semaphore(%run_scoped3A_164 : memref<!tpu.dma_semaphore, #tpu.memory_space<semaphore_mem>>)
      %dma_wait3A_168 = arith.constant 0 : i32
      %dma_wait3A_169 = tpu.memref_slice %arg11[%mul3A_138, %dma_wait3A_168] : memref<10240x32xf32, #tpu.memory_space<vmem_shared>> -> memref<640x32xf32, #tpu.memory_space<vmem_shared>>
      %dma_wait3A_170 = tpu.memref_slice %arg2[%mul3A_134, %mul3A_136] : memref<10240x64xf32, #tpu.memory_space<hbm>> -> memref<640x32xf32, #tpu.memory_space<hbm>>
      tpu.wait_dma2 semaphore(%run_scoped3A_164 : memref<!tpu.dma_semaphore, #tpu.memory_space<semaphore_mem>>) src(%dma_wait3A_170 : memref<640x32xf32, #tpu.memory_space<hbm>>) dst(%dma_wait3A_169 : memref<640x32xf32, #tpu.memory_space<vmem_shared>>)
      tpu.yield
    }) : () -> ()
    %barrier3A = arith.constant 0 : index
    tpu.barrier barrier_id(%barrier3A)
    %dma_start3A = arith.constant 0 : i32
    %dma_start3A_139 = arith.constant 0 : i32
    %dma_start3A_140 = tpu.memref_slice %arg6[%dma_start3A, %dma_start3A_139] : memref<157x128xi32, #tpu.memory_space<vmem>> -> memref<1x128xi32, #tpu.memory_space<vmem>>
    %dma_start3A_141 = tpu.memref_squeeze %dma_start3A_140 : memref<1x128xi32, #tpu.memory_space<vmem>> -> memref<128xi32, #tpu.memory_space<vmem>>
    %dma_start3A_142 = arith.constant 0 : i32
    %dma_start3A_143 = arith.constant 0 : i32
    %dma_start3A_144 = tpu.memref_slice %arg11[%dma_start3A_142, %dma_start3A_143] : memref<10240x32xf32, #tpu.memory_space<vmem_shared>> -> memref<10240x32xf32, #tpu.memory_space<vmem_shared>>
    tpu.enqueue_indirect_dma source(%dma_start3A_144 : memref<10240x32xf32, #tpu.memory_space<vmem_shared>>) target(%arg8 : memref<128x32xf32, #tpu.memory_space<vmem>>) offsets(%dma_start3A_141 : memref<128xi32, #tpu.memory_space<vmem>>) semaphore(%arg12 : memref<!tpu.dma_semaphore, #tpu.memory_space<semaphore_mem>>)
    %scan3A = arith.constant 0 : i32
    %scan3A_145 = arith.constant 0 : i32
    %scan3A_146 = arith.constant 78 : i32
    %scan3A_147 = arith.addi %scan3A_145, %scan3A_146 : i32
    %scan3A_148 = arith.constant 1 : i32
    scf.for %scan3A_164 = %scan3A_145 to %scan3A_147 step %scan3A_148  : i32 {
      %mul3A_165 = arith.constant 2 : i32
      %mul3A_166 = arith.muli %mul3A_165, %scan3A_164 : i32
      %mul3A_167 = arith.constant 2 : i32
      %mul3A_168 = arith.muli %mul3A_167, %scan3A_164 : i32
      %add3A_169 = arith.constant 1 : i32
      %add3A_170 = arith.addi %mul3A_168, %add3A_169 : i32
      %dma_wait3A_171 = arith.constant 0 : i32
      %dma_wait3A_172 = tpu.memref_slice %arg6[%mul3A_166, %dma_wait3A_171] : memref<157x128xi32, #tpu.memory_space<vmem>> -> memref<1x128xi32, #tpu.memory_space<vmem>>
      %dma_wait3A_173 = tpu.memref_squeeze %dma_wait3A_172 : memref<1x128xi32, #tpu.memory_space<vmem>> -> memref<128xi32, #tpu.memory_space<vmem>>
      %dma_wait3A_174 = arith.constant 0 : i32
      %dma_wait3A_175 = arith.constant 0 : i32
      %dma_wait3A_176 = tpu.memref_slice %arg11[%dma_wait3A_174, %dma_wait3A_175] : memref<10240x32xf32, #tpu.memory_space<vmem_shared>> -> memref<10240x32xf32, #tpu.memory_space<vmem_shared>>
      tpu.wait_indirect_dma semaphore(%arg12 : memref<!tpu.dma_semaphore, #tpu.memory_space<semaphore_mem>>) src(%dma_wait3A_176 : memref<10240x32xf32, #tpu.memory_space<vmem_shared>>) dst(%arg8 : memref<128x32xf32, #tpu.memory_space<vmem>>)
      %dma_start3A_177 = arith.constant 0 : i32
      %dma_start3A_178 = tpu.memref_slice %arg6[%add3A_170, %dma_start3A_177] : memref<157x128xi32, #tpu.memory_space<vmem>> -> memref<1x128xi32, #tpu.memory_space<vmem>>
      %dma_start3A_179 = tpu.memref_squeeze %dma_start3A_178 : memref<1x128xi32, #tpu.memory_space<vmem>> -> memref<128xi32, #tpu.memory_space<vmem>>
      %dma_start3A_180 = arith.constant 0 : i32
      %dma_start3A_181 = arith.constant 0 : i32
      %dma_start3A_182 = tpu.memref_slice %arg11[%dma_start3A_180, %dma_start3A_181] : memref<10240x32xf32, #tpu.memory_space<vmem_shared>> -> memref<10240x32xf32, #tpu.memory_space<vmem_shared>>
      tpu.enqueue_indirect_dma source(%dma_start3A_182 : memref<10240x32xf32, #tpu.memory_space<vmem_shared>>) target(%arg9 : memref<128x32xf32, #tpu.memory_space<vmem>>) offsets(%dma_start3A_179 : memref<128xi32, #tpu.memory_space<vmem>>) semaphore(%arg13 : memref<!tpu.dma_semaphore, #tpu.memory_space<semaphore_mem>>)
      "tpu.region"() ({
        %run_scoped3A_197 = tpu.sem_alloc : memref<!tpu.dma_semaphore, #tpu.memory_space<semaphore_mem>>
        %dma_start3A_198 = arith.constant 0 : i32
        %dma_start3A_199 = tpu.memref_slice %arg7[%mul3A_166, %dma_start3A_198] : memref<157x128xi32, #tpu.memory_space<vmem>> -> memref<1x128xi32, #tpu.memory_space<vmem>>
        %dma_start3A_200 = tpu.memref_squeeze %dma_start3A_199 : memref<1x128xi32, #tpu.memory_space<vmem>> -> memref<128xi32, #tpu.memory_space<vmem>>
        %dma_start3A_201 = arith.constant 0 : i32
        %dma_start3A_202 = arith.constant 0 : i32
        %dma_start3A_203 = tpu.memref_slice %arg10[%dma_start3A_201, %dma_start3A_202] : memref<10240x32xf32, #tpu.memory_space<vmem_shared>> -> memref<10240x32xf32, #tpu.memory_space<vmem_shared>>
        tpu.enqueue_indirect_dma source(%arg8 : memref<128x32xf32, #tpu.memory_space<vmem>>) target(%dma_start3A_203 : memref<10240x32xf32, #tpu.memory_space<vmem_shared>>) offsets(%dma_start3A_200 : memref<128xi32, #tpu.memory_space<vmem>>) semaphore(%run_scoped3A_197 : memref<!tpu.dma_semaphore, #tpu.memory_space<semaphore_mem>>) {add = true}
        %dma_wait3A_204 = arith.constant 0 : i32
        %dma_wait3A_205 = tpu.memref_slice %arg7[%mul3A_166, %dma_wait3A_204] : memref<157x128xi32, #tpu.memory_space<vmem>> -> memref<1x128xi32, #tpu.memory_space<vmem>>
        %dma_wait3A_206 = tpu.memref_squeeze %dma_wait3A_205 : memref<1x128xi32, #tpu.memory_space<vmem>> -> memref<128xi32, #tpu.memory_space<vmem>>
        %dma_wait3A_207 = arith.constant 0 : i32
        %dma_wait3A_208 = arith.constant 0 : i32
        %dma_wait3A_209 = tpu.memref_slice %arg10[%dma_wait3A_207, %dma_wait3A_208] : memref<10240x32xf32, #tpu.memory_space<vmem_shared>> -> memref<10240x32xf32, #tpu.memory_space<vmem_shared>>
        tpu.wait_indirect_dma semaphore(%run_scoped3A_197 : memref<!tpu.dma_semaphore, #tpu.memory_space<semaphore_mem>>) src(%arg8 : memref<128x32xf32, #tpu.memory_space<vmem>>) dst(%dma_wait3A_209 : memref<10240x32xf32, #tpu.memory_space<vmem_shared>>)
        tpu.yield
      }) : () -> ()
      %dma_wait3A_183 = arith.constant 0 : i32
      %dma_wait3A_184 = tpu.memref_slice %arg6[%add3A_170, %dma_wait3A_183] : memref<157x128xi32, #tpu.memory_space<vmem>> -> memref<1x128xi32, #tpu.memory_space<vmem>>
      %dma_wait3A_185 = tpu.memref_squeeze %dma_wait3A_184 : memref<1x128xi32, #tpu.memory_space<vmem>> -> memref<128xi32, #tpu.memory_space<vmem>>
      %dma_wait3A_186 = arith.constant 0 : i32
      %dma_wait3A_187 = arith.constant 0 : i32
      %dma_wait3A_188 = tpu.memref_slice %arg11[%dma_wait3A_186, %dma_wait3A_187] : memref<10240x32xf32, #tpu.memory_space<vmem_shared>> -> memref<10240x32xf32, #tpu.memory_space<vmem_shared>>
      tpu.wait_indirect_dma semaphore(%arg13 : memref<!tpu.dma_semaphore, #tpu.memory_space<semaphore_mem>>) src(%dma_wait3A_188 : memref<10240x32xf32, #tpu.memory_space<vmem_shared>>) dst(%arg9 : memref<128x32xf32, #tpu.memory_space<vmem>>)
      %add3A_189 = arith.constant 2 : i32
      %add3A_190 = arith.addi %mul3A_166, %add3A_189 : i32
      %dma_start3A_191 = arith.constant 0 : i32
      %dma_start3A_192 = tpu.memref_slice %arg6[%add3A_190, %dma_start3A_191] : memref<157x128xi32, #tpu.memory_space<vmem>> -> memref<1x128xi32, #tpu.memory_space<vmem>>
      %dma_start3A_193 = tpu.memref_squeeze %dma_start3A_192 : memref<1x128xi32, #tpu.memory_space<vmem>> -> memref<128xi32, #tpu.memory_space<vmem>>
      %dma_start3A_194 = arith.constant 0 : i32
      %dma_start3A_195 = arith.constant 0 : i32
      %dma_start3A_196 = tpu.memref_slice %arg11[%dma_start3A_194, %dma_start3A_195] : memref<10240x32xf32, #tpu.memory_space<vmem_shared>> -> memref<10240x32xf32, #tpu.memory_space<vmem_shared>>
      tpu.enqueue_indirect_dma source(%dma_start3A_196 : memref<10240x32xf32, #tpu.memory_space<vmem_shared>>) target(%arg8 : memref<128x32xf32, #tpu.memory_space<vmem>>) offsets(%dma_start3A_193 : memref<128xi32, #tpu.memory_space<vmem>>) semaphore(%arg12 : memref<!tpu.dma_semaphore, #tpu.memory_space<semaphore_mem>>)
      "tpu.region"() ({
        %run_scoped3A_197 = tpu.sem_alloc : memref<!tpu.dma_semaphore, #tpu.memory_space<semaphore_mem>>
        %dma_start3A_198 = arith.constant 0 : i32
        %dma_start3A_199 = tpu.memref_slice %arg7[%add3A_170, %dma_start3A_198] : memref<157x128xi32, #tpu.memory_space<vmem>> -> memref<1x128xi32, #tpu.memory_space<vmem>>
        %dma_start3A_200 = tpu.memref_squeeze %dma_start3A_199 : memref<1x128xi32, #tpu.memory_space<vmem>> -> memref<128xi32, #tpu.memory_space<vmem>>
        %dma_start3A_201 = arith.constant 0 : i32
        %dma_start3A_202 = arith.constant 0 : i32
        %dma_start3A_203 = tpu.memref_slice %arg10[%dma_start3A_201, %dma_start3A_202] : memref<10240x32xf32, #tpu.memory_space<vmem_shared>> -> memref<10240x32xf32, #tpu.memory_space<vmem_shared>>
        tpu.enqueue_indirect_dma source(%arg9 : memref<128x32xf32, #tpu.memory_space<vmem>>) target(%dma_start3A_203 : memref<10240x32xf32, #tpu.memory_space<vmem_shared>>) offsets(%dma_start3A_200 : memref<128xi32, #tpu.memory_space<vmem>>) semaphore(%run_scoped3A_197 : memref<!tpu.dma_semaphore, #tpu.memory_space<semaphore_mem>>) {add = true}
        %dma_wait3A_204 = arith.constant 0 : i32
        %dma_wait3A_205 = tpu.memref_slice %arg7[%add3A_170, %dma_wait3A_204] : memref<157x128xi32, #tpu.memory_space<vmem>> -> memref<1x128xi32, #tpu.memory_space<vmem>>
        %dma_wait3A_206 = tpu.memref_squeeze %dma_wait3A_205 : memref<1x128xi32, #tpu.memory_space<vmem>> -> memref<128xi32, #tpu.memory_space<vmem>>
        %dma_wait3A_207 = arith.constant 0 : i32
        %dma_wait3A_208 = arith.constant 0 : i32
        %dma_wait3A_209 = tpu.memref_slice %arg10[%dma_wait3A_207, %dma_wait3A_208] : memref<10240x32xf32, #tpu.memory_space<vmem_shared>> -> memref<10240x32xf32, #tpu.memory_space<vmem_shared>>
        tpu.wait_indirect_dma semaphore(%run_scoped3A_197 : memref<!tpu.dma_semaphore, #tpu.memory_space<semaphore_mem>>) src(%arg9 : memref<128x32xf32, #tpu.memory_space<vmem>>) dst(%dma_wait3A_209 : memref<10240x32xf32, #tpu.memory_space<vmem_shared>>)
        tpu.yield
      }) : () -> ()
    }
    %scan3A_149 = arith.constant 78 : i32
    %dma_wait3A = arith.constant 156 : i32
    %dma_wait3A_150 = arith.constant 0 : i32
    %dma_wait3A_151 = tpu.memref_slice %arg6[%dma_wait3A, %dma_wait3A_150] : memref<157x128xi32, #tpu.memory_space<vmem>> -> memref<1x128xi32, #tpu.memory_space<vmem>>
    %dma_wait3A_152 = tpu.memref_squeeze %dma_wait3A_151 : memref<1x128xi32, #tpu.memory_space<vmem>> -> memref<128xi32, #tpu.memory_space<vmem>>
    %dma_wait3A_153 = arith.constant 0 : i32
    %dma_wait3A_154 = arith.constant 0 : i32
    %dma_wait3A_155 = tpu.memref_slice %arg11[%dma_wait3A_153, %dma_wait3A_154] : memref<10240x32xf32, #tpu.memory_space<vmem_shared>> -> memref<10240x32xf32, #tpu.memory_space<vmem_shared>>
    tpu.wait_indirect_dma semaphore(%arg12 : memref<!tpu.dma_semaphore, #tpu.memory_space<semaphore_mem>>) src(%dma_wait3A_155 : memref<10240x32xf32, #tpu.memory_space<vmem_shared>>) dst(%arg8 : memref<128x32xf32, #tpu.memory_space<vmem>>)
    %run_scoped3A_156 = arith.constant 156 : i32
    "tpu.region"() ({
      %run_scoped3A_164 = tpu.sem_alloc : memref<!tpu.dma_semaphore, #tpu.memory_space<semaphore_mem>>
      %dma_start3A_165 = arith.constant 0 : i32
      %dma_start3A_166 = tpu.memref_slice %arg7[%run_scoped3A_156, %dma_start3A_165] : memref<157x128xi32, #tpu.memory_space<vmem>> -> memref<1x128xi32, #tpu.memory_space<vmem>>
      %dma_start3A_167 = tpu.memref_squeeze %dma_start3A_166 : memref<1x128xi32, #tpu.memory_space<vmem>> -> memref<128xi32, #tpu.memory_space<vmem>>
      %dma_start3A_168 = arith.constant 0 : i32
      %dma_start3A_169 = arith.constant 0 : i32
      %dma_start3A_170 = tpu.memref_slice %arg10[%dma_start3A_168, %dma_start3A_169] : memref<10240x32xf32, #tpu.memory_space<vmem_shared>> -> memref<10240x32xf32, #tpu.memory_space<vmem_shared>>
      tpu.enqueue_indirect_dma source(%arg8 : memref<128x32xf32, #tpu.memory_space<vmem>>) target(%dma_start3A_170 : memref<10240x32xf32, #tpu.memory_space<vmem_shared>>) offsets(%dma_start3A_167 : memref<128xi32, #tpu.memory_space<vmem>>) semaphore(%run_scoped3A_164 : memref<!tpu.dma_semaphore, #tpu.memory_space<semaphore_mem>>) {add = true}
      %dma_wait3A_171 = arith.constant 0 : i32
      %dma_wait3A_172 = tpu.memref_slice %arg7[%run_scoped3A_156, %dma_wait3A_171] : memref<157x128xi32, #tpu.memory_space<vmem>> -> memref<1x128xi32, #tpu.memory_space<vmem>>
      %dma_wait3A_173 = tpu.memref_squeeze %dma_wait3A_172 : memref<1x128xi32, #tpu.memory_space<vmem>> -> memref<128xi32, #tpu.memory_space<vmem>>
      %dma_wait3A_174 = arith.constant 0 : i32
      %dma_wait3A_175 = arith.constant 0 : i32
      %dma_wait3A_176 = tpu.memref_slice %arg10[%dma_wait3A_174, %dma_wait3A_175] : memref<10240x32xf32, #tpu.memory_space<vmem_shared>> -> memref<10240x32xf32, #tpu.memory_space<vmem_shared>>
      tpu.wait_indirect_dma semaphore(%run_scoped3A_164 : memref<!tpu.dma_semaphore, #tpu.memory_space<semaphore_mem>>) src(%arg8 : memref<128x32xf32, #tpu.memory_space<vmem>>) dst(%dma_wait3A_176 : memref<10240x32xf32, #tpu.memory_space<vmem_shared>>)
      tpu.yield
    }) : () -> ()
    %barrier3A_157 = arith.constant 0 : index
    tpu.barrier barrier_id(%barrier3A_157)
    %mul3A_158 = arith.constant 640 : i32
    %mul3A_159 = arith.muli %arg1, %mul3A_158 : i32
    %mul3A_160 = arith.constant 640 : i32
    %mul3A_161 = arith.muli %arg1, %mul3A_160 : i32
    %mul3A_162 = arith.constant 32 : i32
    %mul3A_163 = arith.muli %arg0, %mul3A_162 : i32
    "tpu.region"() ({
      %run_scoped3A_164 = tpu.sem_alloc : memref<!tpu.dma_semaphore, #tpu.memory_space<semaphore_mem>>
      %dma_start3A_165 = tpu.memref_slice %arg5[%mul3A_161, %mul3A_163] : memref<10240x64xf32, #tpu.memory_space<hbm>> -> memref<640x32xf32, #tpu.memory_space<hbm>>
      %dma_start3A_166 = arith.constant 0 : i32
      %dma_start3A_167 = tpu.memref_slice %arg10[%mul3A_159, %dma_start3A_166] : memref<10240x32xf32, #tpu.memory_space<vmem_shared>> -> memref<640x32xf32, #tpu.memory_space<vmem_shared>>
      tpu.enqueue_dma source(%dma_start3A_167 : memref<640x32xf32, #tpu.memory_space<vmem_shared>>) target(%dma_start3A_165 : memref<640x32xf32, #tpu.memory_space<hbm>>) target_semaphore(%run_scoped3A_164 : memref<!tpu.dma_semaphore, #tpu.memory_space<semaphore_mem>>)
      %dma_wait3A_168 = tpu.memref_slice %arg5[%mul3A_161, %mul3A_163] : memref<10240x64xf32, #tpu.memory_space<hbm>> -> memref<640x32xf32, #tpu.memory_space<hbm>>
      %dma_wait3A_169 = arith.constant 0 : i32
      %dma_wait3A_170 = tpu.memref_slice %arg10[%mul3A_159, %dma_wait3A_169] : memref<10240x32xf32, #tpu.memory_space<vmem_shared>> -> memref<640x32xf32, #tpu.memory_space<vmem_shared>>
      tpu.wait_dma2 semaphore(%run_scoped3A_164 : memref<!tpu.dma_semaphore, #tpu.memory_space<semaphore_mem>>) src(%dma_wait3A_170 : memref<640x32xf32, #tpu.memory_space<vmem_shared>>) dst(%dma_wait3A_168 : memref<640x32xf32, #tpu.memory_space<hbm>>)
      tpu.yield
    }) : () -> ()
    return
  }
}

#map = affine_map<(d0, d1) -> (0, 0)>
#map1 = affine_map<(d0, d1) -> (0, 0, 0)>
module attributes {stable_mosaic.version = 14 : i64} {
  func.func @body(%arg0: i32, %arg1: i32, %arg2: memref<10240x32xf32, #tpu.memory_space<hbm>>, %arg3: memref<2x2500x128xi32, #tpu.memory_space<hbm>>, %arg4: memref<640x16xf32, #tpu.memory_space<hbm>>, %arg5: memref<10240x32xf32, #tpu.memory_space<hbm>>, %arg6: memref<157x128xi32, #tpu.memory_space<vmem>>, %arg7: memref<157x128xi32, #tpu.memory_space<vmem>>, %arg8: memref<128x16xf32, #tpu.memory_space<vmem>>, %arg9: memref<128x16xf32, #tpu.memory_space<vmem>>, %arg10: memref<10240x16xf32, #tpu.memory_space<vmem_shared>>, %arg11: memref<10240x16xf32, #tpu.memory_space<vmem_shared>>, %arg12: memref<!tpu.dma_semaphore, #tpu.memory_space<semaphore_mem>>, %arg13: memref<!tpu.dma_semaphore, #tpu.memory_space<semaphore_mem>>) attributes {dimension_semantics = [#tpu.dimension_semantics<core_parallel>, #tpu.dimension_semantics<subcore_parallel>], iteration_bounds = array<i64: 2, 16>, scalar_prefetch = 0 : i64, scratch_operands = 8 : i64, tpu.core_type = #tpu.core_type<sc_vector_subcore>, window_params = [{transform_indices = #map}, {transform_indices = #map1}, {transform_indices = #map}, {transform_indices = #map}]} {
    %mul3A = arith.constant 156 : i32
    %mul3A_0 = arith.muli %arg1, %mul3A : i32
    %min3A = arith.constant 4 : i32
    %min3A_1 = arith.minsi %arg1, %min3A : i32
    %add3A = arith.addi %mul3A_0, %min3A_1 : i32
    %broadcast_in_dim3A = arith.constant 0 : i32
    %broadcast_in_dim3A_2 = vector.broadcast %broadcast_in_dim3A : i32 to vector<16xi32>
    %swap3A = arith.constant 156 : i32
    %swap3A_3 = arith.index_cast %swap3A : i32 to index
    %swap3A_4 = arith.constant 0 : index
    %swap3A_5 = tpu.vector_load %arg6[%swap3A_3, %swap3A_4] {strides = array<i32>} : memref<157x128xi32, #tpu.memory_space<vmem>>, vector<1x16xi32>,
    %swap3A_6 = vector.shape_cast %swap3A_5 : vector<1x16xi32> to vector<16xi32>
    %swap3A_7 = vector.shape_cast %broadcast_in_dim3A_2 : vector<16xi32> to vector<1x16xi32>
    tpu.vector_store %arg6[%swap3A_3, %swap3A_4], %swap3A_7 {strides = array<i32>} : memref<157x128xi32, #tpu.memory_space<vmem>>, vector<1x16xi32>,
    %broadcast_in_dim3A_8 = arith.constant 10000 : i32
    %broadcast_in_dim3A_9 = vector.broadcast %broadcast_in_dim3A_8 : i32 to vector<16xi32>
    %swap3A_10 = arith.constant 156 : i32
    %swap3A_11 = arith.index_cast %swap3A_10 : i32 to index
    %swap3A_12 = arith.constant 0 : index
    %swap3A_13 = tpu.vector_load %arg7[%swap3A_11, %swap3A_12] {strides = array<i32>} : memref<157x128xi32, #tpu.memory_space<vmem>>, vector<1x16xi32>,
    %swap3A_14 = vector.shape_cast %swap3A_13 : vector<1x16xi32> to vector<16xi32>
    %swap3A_15 = vector.shape_cast %broadcast_in_dim3A_9 : vector<16xi32> to vector<1x16xi32>
    tpu.vector_store %arg7[%swap3A_11, %swap3A_12], %swap3A_15 {strides = array<i32>} : memref<157x128xi32, #tpu.memory_space<vmem>>, vector<1x16xi32>,
    %broadcast_in_dim3A_16 = arith.constant 0 : i32
    %broadcast_in_dim3A_17 = vector.broadcast %broadcast_in_dim3A_16 : i32 to vector<16xi32>
    %swap3A_18 = arith.constant 156 : i32
    %swap3A_19 = arith.index_cast %swap3A_18 : i32 to index
    %swap3A_20 = arith.constant 16 : index
    %swap3A_21 = tpu.vector_load %arg6[%swap3A_19, %swap3A_20] {strides = array<i32>} : memref<157x128xi32, #tpu.memory_space<vmem>>, vector<1x16xi32>,
    %swap3A_22 = vector.shape_cast %swap3A_21 : vector<1x16xi32> to vector<16xi32>
    %swap3A_23 = vector.shape_cast %broadcast_in_dim3A_17 : vector<16xi32> to vector<1x16xi32>
    tpu.vector_store %arg6[%swap3A_19, %swap3A_20], %swap3A_23 {strides = array<i32>} : memref<157x128xi32, #tpu.memory_space<vmem>>, vector<1x16xi32>,
    %broadcast_in_dim3A_24 = arith.constant 10000 : i32
    %broadcast_in_dim3A_25 = vector.broadcast %broadcast_in_dim3A_24 : i32 to vector<16xi32>
    %swap3A_26 = arith.constant 156 : i32
    %swap3A_27 = arith.index_cast %swap3A_26 : i32 to index
    %swap3A_28 = arith.constant 16 : index
    %swap3A_29 = tpu.vector_load %arg7[%swap3A_27, %swap3A_28] {strides = array<i32>} : memref<157x128xi32, #tpu.memory_space<vmem>>, vector<1x16xi32>,
    %swap3A_30 = vector.shape_cast %swap3A_29 : vector<1x16xi32> to vector<16xi32>
    %swap3A_31 = vector.shape_cast %broadcast_in_dim3A_25 : vector<16xi32> to vector<1x16xi32>
    tpu.vector_store %arg7[%swap3A_27, %swap3A_28], %swap3A_31 {strides = array<i32>} : memref<157x128xi32, #tpu.memory_space<vmem>>, vector<1x16xi32>,
    %broadcast_in_dim3A_32 = arith.constant 0 : i32
    %broadcast_in_dim3A_33 = vector.broadcast %broadcast_in_dim3A_32 : i32 to vector<16xi32>
    %swap3A_34 = arith.constant 156 : i32
    %swap3A_35 = arith.index_cast %swap3A_34 : i32 to index
    %swap3A_36 = arith.constant 32 : index
    %swap3A_37 = tpu.vector_load %arg6[%swap3A_35, %swap3A_36] {strides = array<i32>} : memref<157x128xi32, #tpu.memory_space<vmem>>, vector<1x16xi32>,
    %swap3A_38 = vector.shape_cast %swap3A_37 : vector<1x16xi32> to vector<16xi32>
    %swap3A_39 = vector.shape_cast %broadcast_in_dim3A_33 : vector<16xi32> to vector<1x16xi32>
    tpu.vector_store %arg6[%swap3A_35, %swap3A_36], %swap3A_39 {strides = array<i32>} : memref<157x128xi32, #tpu.memory_space<vmem>>, vector<1x16xi32>,
    %broadcast_in_dim3A_40 = arith.constant 10000 : i32
    %broadcast_in_dim3A_41 = vector.broadcast %broadcast_in_dim3A_40 : i32 to vector<16xi32>
    %swap3A_42 = arith.constant 156 : i32
    %swap3A_43 = arith.index_cast %swap3A_42 : i32 to index
    %swap3A_44 = arith.constant 32 : index
    %swap3A_45 = tpu.vector_load %arg7[%swap3A_43, %swap3A_44] {strides = array<i32>} : memref<157x128xi32, #tpu.memory_space<vmem>>, vector<1x16xi32>,
    %swap3A_46 = vector.shape_cast %swap3A_45 : vector<1x16xi32> to vector<16xi32>
    %swap3A_47 = vector.shape_cast %broadcast_in_dim3A_41 : vector<16xi32> to vector<1x16xi32>
    tpu.vector_store %arg7[%swap3A_43, %swap3A_44], %swap3A_47 {strides = array<i32>} : memref<157x128xi32, #tpu.memory_space<vmem>>, vector<1x16xi32>,
    %broadcast_in_dim3A_48 = arith.constant 0 : i32
    %broadcast_in_dim3A_49 = vector.broadcast %broadcast_in_dim3A_48 : i32 to vector<16xi32>
    %swap3A_50 = arith.constant 156 : i32
    %swap3A_51 = arith.index_cast %swap3A_50 : i32 to index
    %swap3A_52 = arith.constant 48 : index
    %swap3A_53 = tpu.vector_load %arg6[%swap3A_51, %swap3A_52] {strides = array<i32>} : memref<157x128xi32, #tpu.memory_space<vmem>>, vector<1x16xi32>,
    %swap3A_54 = vector.shape_cast %swap3A_53 : vector<1x16xi32> to vector<16xi32>
    %swap3A_55 = vector.shape_cast %broadcast_in_dim3A_49 : vector<16xi32> to vector<1x16xi32>
    tpu.vector_store %arg6[%swap3A_51, %swap3A_52], %swap3A_55 {strides = array<i32>} : memref<157x128xi32, #tpu.memory_space<vmem>>, vector<1x16xi32>,
    %broadcast_in_dim3A_56 = arith.constant 10000 : i32
    %broadcast_in_dim3A_57 = vector.broadcast %broadcast_in_dim3A_56 : i32 to vector<16xi32>
    %swap3A_58 = arith.constant 156 : i32
    %swap3A_59 = arith.index_cast %swap3A_58 : i32 to index
    %swap3A_60 = arith.constant 48 : index
    %swap3A_61 = tpu.vector_load %arg7[%swap3A_59, %swap3A_60] {strides = array<i32>} : memref<157x128xi32, #tpu.memory_space<vmem>>, vector<1x16xi32>,
    %swap3A_62 = vector.shape_cast %swap3A_61 : vector<1x16xi32> to vector<16xi32>
    %swap3A_63 = vector.shape_cast %broadcast_in_dim3A_57 : vector<16xi32> to vector<1x16xi32>
    tpu.vector_store %arg7[%swap3A_59, %swap3A_60], %swap3A_63 {strides = array<i32>} : memref<157x128xi32, #tpu.memory_space<vmem>>, vector<1x16xi32>,
    %broadcast_in_dim3A_64 = arith.constant 0 : i32
    %broadcast_in_dim3A_65 = vector.broadcast %broadcast_in_dim3A_64 : i32 to vector<16xi32>
    %swap3A_66 = arith.constant 156 : i32
    %swap3A_67 = arith.index_cast %swap3A_66 : i32 to index
    %swap3A_68 = arith.constant 64 : index
    %swap3A_69 = tpu.vector_load %arg6[%swap3A_67, %swap3A_68] {strides = array<i32>} : memref<157x128xi32, #tpu.memory_space<vmem>>, vector<1x16xi32>,
    %swap3A_70 = vector.shape_cast %swap3A_69 : vector<1x16xi32> to vector<16xi32>
    %swap3A_71 = vector.shape_cast %broadcast_in_dim3A_65 : vector<16xi32> to vector<1x16xi32>
    tpu.vector_store %arg6[%swap3A_67, %swap3A_68], %swap3A_71 {strides = array<i32>} : memref<157x128xi32, #tpu.memory_space<vmem>>, vector<1x16xi32>,
    %broadcast_in_dim3A_72 = arith.constant 10000 : i32
    %broadcast_in_dim3A_73 = vector.broadcast %broadcast_in_dim3A_72 : i32 to vector<16xi32>
    %swap3A_74 = arith.constant 156 : i32
    %swap3A_75 = arith.index_cast %swap3A_74 : i32 to index
    %swap3A_76 = arith.constant 64 : index
    %swap3A_77 = tpu.vector_load %arg7[%swap3A_75, %swap3A_76] {strides = array<i32>} : memref<157x128xi32, #tpu.memory_space<vmem>>, vector<1x16xi32>,
    %swap3A_78 = vector.shape_cast %swap3A_77 : vector<1x16xi32> to vector<16xi32>
    %swap3A_79 = vector.shape_cast %broadcast_in_dim3A_73 : vector<16xi32> to vector<1x16xi32>
    tpu.vector_store %arg7[%swap3A_75, %swap3A_76], %swap3A_79 {strides = array<i32>} : memref<157x128xi32, #tpu.memory_space<vmem>>, vector<1x16xi32>,
    %broadcast_in_dim3A_80 = arith.constant 0 : i32
    %broadcast_in_dim3A_81 = vector.broadcast %broadcast_in_dim3A_80 : i32 to vector<16xi32>
    %swap3A_82 = arith.constant 156 : i32
    %swap3A_83 = arith.index_cast %swap3A_82 : i32 to index
    %swap3A_84 = arith.constant 80 : index
    %swap3A_85 = tpu.vector_load %arg6[%swap3A_83, %swap3A_84] {strides = array<i32>} : memref<157x128xi32, #tpu.memory_space<vmem>>, vector<1x16xi32>,
    %swap3A_86 = vector.shape_cast %swap3A_85 : vector<1x16xi32> to vector<16xi32>
    %swap3A_87 = vector.shape_cast %broadcast_in_dim3A_81 : vector<16xi32> to vector<1x16xi32>
    tpu.vector_store %arg6[%swap3A_83, %swap3A_84], %swap3A_87 {strides = array<i32>} : memref<157x128xi32, #tpu.memory_space<vmem>>, vector<1x16xi32>,
    %broadcast_in_dim3A_88 = arith.constant 10000 : i32
    %broadcast_in_dim3A_89 = vector.broadcast %broadcast_in_dim3A_88 : i32 to vector<16xi32>
    %swap3A_90 = arith.constant 156 : i32
    %swap3A_91 = arith.index_cast %swap3A_90 : i32 to index
    %swap3A_92 = arith.constant 80 : index
    %swap3A_93 = tpu.vector_load %arg7[%swap3A_91, %swap3A_92] {strides = array<i32>} : memref<157x128xi32, #tpu.memory_space<vmem>>, vector<1x16xi32>,
    %swap3A_94 = vector.shape_cast %swap3A_93 : vector<1x16xi32> to vector<16xi32>
    %swap3A_95 = vector.shape_cast %broadcast_in_dim3A_89 : vector<16xi32> to vector<1x16xi32>
    tpu.vector_store %arg7[%swap3A_91, %swap3A_92], %swap3A_95 {strides = array<i32>} : memref<157x128xi32, #tpu.memory_space<vmem>>, vector<1x16xi32>,
    %broadcast_in_dim3A_96 = arith.constant 0 : i32
    %broadcast_in_dim3A_97 = vector.broadcast %broadcast_in_dim3A_96 : i32 to vector<16xi32>
    %swap3A_98 = arith.constant 156 : i32
    %swap3A_99 = arith.index_cast %swap3A_98 : i32 to index
    %swap3A_100 = arith.constant 96 : index
    %swap3A_101 = tpu.vector_load %arg6[%swap3A_99, %swap3A_100] {strides = array<i32>} : memref<157x128xi32, #tpu.memory_space<vmem>>, vector<1x16xi32>,
    %swap3A_102 = vector.shape_cast %swap3A_101 : vector<1x16xi32> to vector<16xi32>
    %swap3A_103 = vector.shape_cast %broadcast_in_dim3A_97 : vector<16xi32> to vector<1x16xi32>
    tpu.vector_store %arg6[%swap3A_99, %swap3A_100], %swap3A_103 {strides = array<i32>} : memref<157x128xi32, #tpu.memory_space<vmem>>, vector<1x16xi32>,
    %broadcast_in_dim3A_104 = arith.constant 10000 : i32
    %broadcast_in_dim3A_105 = vector.broadcast %broadcast_in_dim3A_104 : i32 to vector<16xi32>
    %swap3A_106 = arith.constant 156 : i32
    %swap3A_107 = arith.index_cast %swap3A_106 : i32 to index
    %swap3A_108 = arith.constant 96 : index
    %swap3A_109 = tpu.vector_load %arg7[%swap3A_107, %swap3A_108] {strides = array<i32>} : memref<157x128xi32, #tpu.memory_space<vmem>>, vector<1x16xi32>,
    %swap3A_110 = vector.shape_cast %swap3A_109 : vector<1x16xi32> to vector<16xi32>
    %swap3A_111 = vector.shape_cast %broadcast_in_dim3A_105 : vector<16xi32> to vector<1x16xi32>
    tpu.vector_store %arg7[%swap3A_107, %swap3A_108], %swap3A_111 {strides = array<i32>} : memref<157x128xi32, #tpu.memory_space<vmem>>, vector<1x16xi32>,
    %broadcast_in_dim3A_112 = arith.constant 0 : i32
    %broadcast_in_dim3A_113 = vector.broadcast %broadcast_in_dim3A_112 : i32 to vector<16xi32>
    %swap3A_114 = arith.constant 156 : i32
    %swap3A_115 = arith.index_cast %swap3A_114 : i32 to index
    %swap3A_116 = arith.constant 112 : index
    %swap3A_117 = tpu.vector_load %arg6[%swap3A_115, %swap3A_116] {strides = array<i32>} : memref<157x128xi32, #tpu.memory_space<vmem>>, vector<1x16xi32>,
    %swap3A_118 = vector.shape_cast %swap3A_117 : vector<1x16xi32> to vector<16xi32>
    %swap3A_119 = vector.shape_cast %broadcast_in_dim3A_113 : vector<16xi32> to vector<1x16xi32>
    tpu.vector_store %arg6[%swap3A_115, %swap3A_116], %swap3A_119 {strides = array<i32>} : memref<157x128xi32, #tpu.memory_space<vmem>>, vector<1x16xi32>,
    %broadcast_in_dim3A_120 = arith.constant 10000 : i32
    %broadcast_in_dim3A_121 = vector.broadcast %broadcast_in_dim3A_120 : i32 to vector<16xi32>
    %swap3A_122 = arith.constant 156 : i32
    %swap3A_123 = arith.index_cast %swap3A_122 : i32 to index
    %swap3A_124 = arith.constant 112 : index
    %swap3A_125 = tpu.vector_load %arg7[%swap3A_123, %swap3A_124] {strides = array<i32>} : memref<157x128xi32, #tpu.memory_space<vmem>>, vector<1x16xi32>,
    %swap3A_126 = vector.shape_cast %swap3A_125 : vector<1x16xi32> to vector<16xi32>
    %swap3A_127 = vector.shape_cast %broadcast_in_dim3A_121 : vector<16xi32> to vector<1x16xi32>
    tpu.vector_store %arg7[%swap3A_123, %swap3A_124], %swap3A_127 {strides = array<i32>} : memref<157x128xi32, #tpu.memory_space<vmem>>, vector<1x16xi32>,
    %run_scoped3A = arith.constant 0 : i32
    "tpu.region"() ({
      %run_scoped3A_164 = tpu.sem_alloc : memref<!tpu.dma_semaphore, #tpu.memory_space<semaphore_mem>>
      %dma_start3A_165 = arith.constant 0 : i32
      %dma_start3A_166 = arith.constant 0 : i32
      %dma_start3A_167 = tpu.memref_slice %arg6[%dma_start3A_165, %dma_start3A_166] : memref<157x128xi32, #tpu.memory_space<vmem>> -> memref<156x128xi32, #tpu.memory_space<vmem>>
      %dma_start3A_168 = arith.constant 0 : i32
      %dma_start3A_169 = tpu.memref_slice %arg3[%run_scoped3A, %add3A, %dma_start3A_168] : memref<2x2500x128xi32, #tpu.memory_space<hbm>> -> memref<1x156x128xi32, #tpu.memory_space<hbm>>
      %dma_start3A_170 = tpu.memref_squeeze %dma_start3A_169 : memref<1x156x128xi32, #tpu.memory_space<hbm>> -> memref<156x128xi32, #tpu.memory_space<hbm>>
      %dma_start3A_171 = arith.constant 0 : i32
      %dma_start3A_172 = arith.constant 0 : i32
      %dma_start3A_173 = tpu.memref_slice %arg6[%dma_start3A_171, %dma_start3A_172] : memref<157x128xi32, #tpu.memory_space<vmem>> -> memref<156x128xi32, #tpu.memory_space<vmem>>
      %dma_start3A_174 = arith.constant 0 : i32
      %dma_start3A_175 = tpu.memref_slice %arg3[%run_scoped3A, %add3A, %dma_start3A_174] : memref<2x2500x128xi32, #tpu.memory_space<hbm>> -> memref<1x156x128xi32, #tpu.memory_space<hbm>>
      %dma_start3A_176 = tpu.memref_squeeze %dma_start3A_175 : memref<1x156x128xi32, #tpu.memory_space<hbm>> -> memref<156x128xi32, #tpu.memory_space<hbm>>
      tpu.enqueue_dma source(%dma_start3A_176 : memref<156x128xi32, #tpu.memory_space<hbm>>) target(%dma_start3A_173 : memref<156x128xi32, #tpu.memory_space<vmem>>) target_semaphore(%run_scoped3A_164 : memref<!tpu.dma_semaphore, #tpu.memory_space<semaphore_mem>>)
      %dma_wait3A_177 = arith.constant 0 : i32
      %dma_wait3A_178 = arith.constant 0 : i32
      %dma_wait3A_179 = tpu.memref_slice %arg6[%dma_wait3A_177, %dma_wait3A_178] : memref<157x128xi32, #tpu.memory_space<vmem>> -> memref<156x128xi32, #tpu.memory_space<vmem>>
      %dma_wait3A_180 = arith.constant 0 : i32
      %dma_wait3A_181 = tpu.memref_slice %arg3[%run_scoped3A, %add3A, %dma_wait3A_180] : memref<2x2500x128xi32, #tpu.memory_space<hbm>> -> memref<1x156x128xi32, #tpu.memory_space<hbm>>
      %dma_wait3A_182 = tpu.memref_squeeze %dma_wait3A_181 : memref<1x156x128xi32, #tpu.memory_space<hbm>> -> memref<156x128xi32, #tpu.memory_space<hbm>>
      %dma_wait3A_183 = arith.constant 0 : i32
      %dma_wait3A_184 = arith.constant 0 : i32
      %dma_wait3A_185 = tpu.memref_slice %arg6[%dma_wait3A_183, %dma_wait3A_184] : memref<157x128xi32, #tpu.memory_space<vmem>> -> memref<156x128xi32, #tpu.memory_space<vmem>>
      %dma_wait3A_186 = arith.constant 0 : i32
      %dma_wait3A_187 = tpu.memref_slice %arg3[%run_scoped3A, %add3A, %dma_wait3A_186] : memref<2x2500x128xi32, #tpu.memory_space<hbm>> -> memref<1x156x128xi32, #tpu.memory_space<hbm>>
      %dma_wait3A_188 = tpu.memref_squeeze %dma_wait3A_187 : memref<1x156x128xi32, #tpu.memory_space<hbm>> -> memref<156x128xi32, #tpu.memory_space<hbm>>
      tpu.wait_dma2 semaphore(%run_scoped3A_164 : memref<!tpu.dma_semaphore, #tpu.memory_space<semaphore_mem>>) src(%dma_wait3A_188 : memref<156x128xi32, #tpu.memory_space<hbm>>) dst(%dma_wait3A_185 : memref<156x128xi32, #tpu.memory_space<vmem>>)
      tpu.yield
    }) : () -> ()
    %run_scoped3A_128 = arith.constant 1 : i32
    "tpu.region"() ({
      %run_scoped3A_164 = tpu.sem_alloc : memref<!tpu.dma_semaphore, #tpu.memory_space<semaphore_mem>>
      %dma_start3A_165 = arith.constant 0 : i32
      %dma_start3A_166 = arith.constant 0 : i32
      %dma_start3A_167 = tpu.memref_slice %arg7[%dma_start3A_165, %dma_start3A_166] : memref<157x128xi32, #tpu.memory_space<vmem>> -> memref<156x128xi32, #tpu.memory_space<vmem>>
      %dma_start3A_168 = arith.constant 0 : i32
      %dma_start3A_169 = tpu.memref_slice %arg3[%run_scoped3A_128, %add3A, %dma_start3A_168] : memref<2x2500x128xi32, #tpu.memory_space<hbm>> -> memref<1x156x128xi32, #tpu.memory_space<hbm>>
      %dma_start3A_170 = tpu.memref_squeeze %dma_start3A_169 : memref<1x156x128xi32, #tpu.memory_space<hbm>> -> memref<156x128xi32, #tpu.memory_space<hbm>>
      %dma_start3A_171 = arith.constant 0 : i32
      %dma_start3A_172 = arith.constant 0 : i32
      %dma_start3A_173 = tpu.memref_slice %arg7[%dma_start3A_171, %dma_start3A_172] : memref<157x128xi32, #tpu.memory_space<vmem>> -> memref<156x128xi32, #tpu.memory_space<vmem>>
      %dma_start3A_174 = arith.constant 0 : i32
      %dma_start3A_175 = tpu.memref_slice %arg3[%run_scoped3A_128, %add3A, %dma_start3A_174] : memref<2x2500x128xi32, #tpu.memory_space<hbm>> -> memref<1x156x128xi32, #tpu.memory_space<hbm>>
      %dma_start3A_176 = tpu.memref_squeeze %dma_start3A_175 : memref<1x156x128xi32, #tpu.memory_space<hbm>> -> memref<156x128xi32, #tpu.memory_space<hbm>>
      tpu.enqueue_dma source(%dma_start3A_176 : memref<156x128xi32, #tpu.memory_space<hbm>>) target(%dma_start3A_173 : memref<156x128xi32, #tpu.memory_space<vmem>>) target_semaphore(%run_scoped3A_164 : memref<!tpu.dma_semaphore, #tpu.memory_space<semaphore_mem>>)
      %dma_wait3A_177 = arith.constant 0 : i32
      %dma_wait3A_178 = arith.constant 0 : i32
      %dma_wait3A_179 = tpu.memref_slice %arg7[%dma_wait3A_177, %dma_wait3A_178] : memref<157x128xi32, #tpu.memory_space<vmem>> -> memref<156x128xi32, #tpu.memory_space<vmem>>
      %dma_wait3A_180 = arith.constant 0 : i32
      %dma_wait3A_181 = tpu.memref_slice %arg3[%run_scoped3A_128, %add3A, %dma_wait3A_180] : memref<2x2500x128xi32, #tpu.memory_space<hbm>> -> memref<1x156x128xi32, #tpu.memory_space<hbm>>
      %dma_wait3A_182 = tpu.memref_squeeze %dma_wait3A_181 : memref<1x156x128xi32, #tpu.memory_space<hbm>> -> memref<156x128xi32, #tpu.memory_space<hbm>>
      %dma_wait3A_183 = arith.constant 0 : i32
      %dma_wait3A_184 = arith.constant 0 : i32
      %dma_wait3A_185 = tpu.memref_slice %arg7[%dma_wait3A_183, %dma_wait3A_184] : memref<157x128xi32, #tpu.memory_space<vmem>> -> memref<156x128xi32, #tpu.memory_space<vmem>>
      %dma_wait3A_186 = arith.constant 0 : i32
      %dma_wait3A_187 = tpu.memref_slice %arg3[%run_scoped3A_128, %add3A, %dma_wait3A_186] : memref<2x2500x128xi32, #tpu.memory_space<hbm>> -> memref<1x156x128xi32, #tpu.memory_space<hbm>>
      %dma_wait3A_188 = tpu.memref_squeeze %dma_wait3A_187 : memref<1x156x128xi32, #tpu.memory_space<hbm>> -> memref<156x128xi32, #tpu.memory_space<hbm>>
      tpu.wait_dma2 semaphore(%run_scoped3A_164 : memref<!tpu.dma_semaphore, #tpu.memory_space<semaphore_mem>>) src(%dma_wait3A_188 : memref<156x128xi32, #tpu.memory_space<hbm>>) dst(%dma_wait3A_185 : memref<156x128xi32, #tpu.memory_space<vmem>>)
      tpu.yield
    }) : () -> ()
    %lt3A = arith.constant 4 : i32
    %lt3A_129 = arith.cmpi slt, %arg1, %lt3A : i32
    %convert_element_type3A = arith.extui %lt3A_129 : i1 to i32
    %cond3A = arith.constant 0 : i32
    %cond3A_130 = arith.cmpi ne, %convert_element_type3A, %cond3A : i32
    scf.if %cond3A_130 {
      %add3A_164 = arith.constant 156 : i32
      %add3A_165 = arith.addi %add3A, %add3A_164 : i32
      %run_scoped3A_166 = arith.constant 0 : i32
      "tpu.region"() ({
        %run_scoped3A_170 = tpu.sem_alloc : memref<!tpu.dma_semaphore, #tpu.memory_space<semaphore_mem>>
        %dma_start3A_171 = arith.constant 156 : i32
        %dma_start3A_172 = arith.constant 0 : i32
        %dma_start3A_173 = tpu.memref_slice %arg6[%dma_start3A_171, %dma_start3A_172] : memref<157x128xi32, #tpu.memory_space<vmem>> -> memref<1x128xi32, #tpu.memory_space<vmem>>
        %dma_start3A_174 = arith.constant 0 : i32
        %dma_start3A_175 = tpu.memref_slice %arg3[%run_scoped3A_166, %add3A_165, %dma_start3A_174] : memref<2x2500x128xi32, #tpu.memory_space<hbm>> -> memref<1x1x128xi32, #tpu.memory_space<hbm>>
        %dma_start3A_176 = tpu.memref_squeeze %dma_start3A_175 : memref<1x1x128xi32, #tpu.memory_space<hbm>> -> memref<1x128xi32, #tpu.memory_space<hbm>>
        %dma_start3A_177 = arith.constant 156 : i32
        %dma_start3A_178 = arith.constant 0 : i32
        %dma_start3A_179 = tpu.memref_slice %arg6[%dma_start3A_177, %dma_start3A_178] : memref<157x128xi32, #tpu.memory_space<vmem>> -> memref<1x128xi32, #tpu.memory_space<vmem>>
        %dma_start3A_180 = arith.constant 0 : i32
        %dma_start3A_181 = tpu.memref_slice %arg3[%run_scoped3A_166, %add3A_165, %dma_start3A_180] : memref<2x2500x128xi32, #tpu.memory_space<hbm>> -> memref<1x1x128xi32, #tpu.memory_space<hbm>>
        %dma_start3A_182 = tpu.memref_squeeze %dma_start3A_181 : memref<1x1x128xi32, #tpu.memory_space<hbm>> -> memref<1x128xi32, #tpu.memory_space<hbm>>
        tpu.enqueue_dma source(%dma_start3A_182 : memref<1x128xi32, #tpu.memory_space<hbm>>) target(%dma_start3A_179 : memref<1x128xi32, #tpu.memory_space<vmem>>) target_semaphore(%run_scoped3A_170 : memref<!tpu.dma_semaphore, #tpu.memory_space<semaphore_mem>>)
        %dma_wait3A_183 = arith.constant 156 : i32
        %dma_wait3A_184 = arith.constant 0 : i32
        %dma_wait3A_185 = tpu.memref_slice %arg6[%dma_wait3A_183, %dma_wait3A_184] : memref<157x128xi32, #tpu.memory_space<vmem>> -> memref<1x128xi32, #tpu.memory_space<vmem>>
        %dma_wait3A_186 = arith.constant 0 : i32
        %dma_wait3A_187 = tpu.memref_slice %arg3[%run_scoped3A_166, %add3A_165, %dma_wait3A_186] : memref<2x2500x128xi32, #tpu.memory_space<hbm>> -> memref<1x1x128xi32, #tpu.memory_space<hbm>>
        %dma_wait3A_188 = tpu.memref_squeeze %dma_wait3A_187 : memref<1x1x128xi32, #tpu.memory_space<hbm>> -> memref<1x128xi32, #tpu.memory_space<hbm>>
        %dma_wait3A_189 = arith.constant 156 : i32
        %dma_wait3A_190 = arith.constant 0 : i32
        %dma_wait3A_191 = tpu.memref_slice %arg6[%dma_wait3A_189, %dma_wait3A_190] : memref<157x128xi32, #tpu.memory_space<vmem>> -> memref<1x128xi32, #tpu.memory_space<vmem>>
        %dma_wait3A_192 = arith.constant 0 : i32
        %dma_wait3A_193 = tpu.memref_slice %arg3[%run_scoped3A_166, %add3A_165, %dma_wait3A_192] : memref<2x2500x128xi32, #tpu.memory_space<hbm>> -> memref<1x1x128xi32, #tpu.memory_space<hbm>>
        %dma_wait3A_194 = tpu.memref_squeeze %dma_wait3A_193 : memref<1x1x128xi32, #tpu.memory_space<hbm>> -> memref<1x128xi32, #tpu.memory_space<hbm>>
        tpu.wait_dma2 semaphore(%run_scoped3A_170 : memref<!tpu.dma_semaphore, #tpu.memory_space<semaphore_mem>>) src(%dma_wait3A_194 : memref<1x128xi32, #tpu.memory_space<hbm>>) dst(%dma_wait3A_191 : memref<1x128xi32, #tpu.memory_space<vmem>>)
        tpu.yield
      }) : () -> ()
      %add3A_167 = arith.constant 156 : i32
      %add3A_168 = arith.addi %add3A, %add3A_167 : i32
      %run_scoped3A_169 = arith.constant 1 : i32
      "tpu.region"() ({
        %run_scoped3A_170 = tpu.sem_alloc : memref<!tpu.dma_semaphore, #tpu.memory_space<semaphore_mem>>
        %dma_start3A_171 = arith.constant 156 : i32
        %dma_start3A_172 = arith.constant 0 : i32
        %dma_start3A_173 = tpu.memref_slice %arg7[%dma_start3A_171, %dma_start3A_172] : memref<157x128xi32, #tpu.memory_space<vmem>> -> memref<1x128xi32, #tpu.memory_space<vmem>>
        %dma_start3A_174 = arith.constant 0 : i32
        %dma_start3A_175 = tpu.memref_slice %arg3[%run_scoped3A_169, %add3A_168, %dma_start3A_174] : memref<2x2500x128xi32, #tpu.memory_space<hbm>> -> memref<1x1x128xi32, #tpu.memory_space<hbm>>
        %dma_start3A_176 = tpu.memref_squeeze %dma_start3A_175 : memref<1x1x128xi32, #tpu.memory_space<hbm>> -> memref<1x128xi32, #tpu.memory_space<hbm>>
        %dma_start3A_177 = arith.constant 156 : i32
        %dma_start3A_178 = arith.constant 0 : i32
        %dma_start3A_179 = tpu.memref_slice %arg7[%dma_start3A_177, %dma_start3A_178] : memref<157x128xi32, #tpu.memory_space<vmem>> -> memref<1x128xi32, #tpu.memory_space<vmem>>
        %dma_start3A_180 = arith.constant 0 : i32
        %dma_start3A_181 = tpu.memref_slice %arg3[%run_scoped3A_169, %add3A_168, %dma_start3A_180] : memref<2x2500x128xi32, #tpu.memory_space<hbm>> -> memref<1x1x128xi32, #tpu.memory_space<hbm>>
        %dma_start3A_182 = tpu.memref_squeeze %dma_start3A_181 : memref<1x1x128xi32, #tpu.memory_space<hbm>> -> memref<1x128xi32, #tpu.memory_space<hbm>>
        tpu.enqueue_dma source(%dma_start3A_182 : memref<1x128xi32, #tpu.memory_space<hbm>>) target(%dma_start3A_179 : memref<1x128xi32, #tpu.memory_space<vmem>>) target_semaphore(%run_scoped3A_170 : memref<!tpu.dma_semaphore, #tpu.memory_space<semaphore_mem>>)
        %dma_wait3A_183 = arith.constant 156 : i32
        %dma_wait3A_184 = arith.constant 0 : i32
        %dma_wait3A_185 = tpu.memref_slice %arg7[%dma_wait3A_183, %dma_wait3A_184] : memref<157x128xi32, #tpu.memory_space<vmem>> -> memref<1x128xi32, #tpu.memory_space<vmem>>
        %dma_wait3A_186 = arith.constant 0 : i32
        %dma_wait3A_187 = tpu.memref_slice %arg3[%run_scoped3A_169, %add3A_168, %dma_wait3A_186] : memref<2x2500x128xi32, #tpu.memory_space<hbm>> -> memref<1x1x128xi32, #tpu.memory_space<hbm>>
        %dma_wait3A_188 = tpu.memref_squeeze %dma_wait3A_187 : memref<1x1x128xi32, #tpu.memory_space<hbm>> -> memref<1x128xi32, #tpu.memory_space<hbm>>
        %dma_wait3A_189 = arith.constant 156 : i32
        %dma_wait3A_190 = arith.constant 0 : i32
        %dma_wait3A_191 = tpu.memref_slice %arg7[%dma_wait3A_189, %dma_wait3A_190] : memref<157x128xi32, #tpu.memory_space<vmem>> -> memref<1x128xi32, #tpu.memory_space<vmem>>
        %dma_wait3A_192 = arith.constant 0 : i32
        %dma_wait3A_193 = tpu.memref_slice %arg3[%run_scoped3A_169, %add3A_168, %dma_wait3A_192] : memref<2x2500x128xi32, #tpu.memory_space<hbm>> -> memref<1x1x128xi32, #tpu.memory_space<hbm>>
        %dma_wait3A_194 = tpu.memref_squeeze %dma_wait3A_193 : memref<1x1x128xi32, #tpu.memory_space<hbm>> -> memref<1x128xi32, #tpu.memory_space<hbm>>
        tpu.wait_dma2 semaphore(%run_scoped3A_170 : memref<!tpu.dma_semaphore, #tpu.memory_space<semaphore_mem>>) src(%dma_wait3A_194 : memref<1x128xi32, #tpu.memory_space<hbm>>) dst(%dma_wait3A_191 : memref<1x128xi32, #tpu.memory_space<vmem>>)
        tpu.yield
      }) : () -> ()
    } else {
    }
    %mul3A_131 = arith.constant 640 : i32
    %mul3A_132 = arith.muli %arg1, %mul3A_131 : i32
    "tpu.region"() ({
      %run_scoped3A_164 = tpu.sem_alloc : memref<!tpu.dma_semaphore, #tpu.memory_space<semaphore_mem>>
      %dma_start3A_165 = arith.constant 0 : i32
      %dma_start3A_166 = tpu.memref_slice %arg10[%mul3A_132, %dma_start3A_165] : memref<10240x16xf32, #tpu.memory_space<vmem_shared>> -> memref<640x16xf32, #tpu.memory_space<vmem_shared>>
      tpu.enqueue_dma source(%arg4 : memref<640x16xf32, #tpu.memory_space<hbm>>) target(%dma_start3A_166 : memref<640x16xf32, #tpu.memory_space<vmem_shared>>) target_semaphore(%run_scoped3A_164 : memref<!tpu.dma_semaphore, #tpu.memory_space<semaphore_mem>>)
      %dma_wait3A_167 = arith.constant 0 : i32
      %dma_wait3A_168 = tpu.memref_slice %arg10[%mul3A_132, %dma_wait3A_167] : memref<10240x16xf32, #tpu.memory_space<vmem_shared>> -> memref<640x16xf32, #tpu.memory_space<vmem_shared>>
      tpu.wait_dma2 semaphore(%run_scoped3A_164 : memref<!tpu.dma_semaphore, #tpu.memory_space<semaphore_mem>>) src(%arg4 : memref<640x16xf32, #tpu.memory_space<hbm>>) dst(%dma_wait3A_168 : memref<640x16xf32, #tpu.memory_space<vmem_shared>>)
      tpu.yield
    }) : () -> ()
    %mul3A_133 = arith.constant 640 : i32
    %mul3A_134 = arith.muli %arg1, %mul3A_133 : i32
    %mul3A_135 = arith.constant 16 : i32
    %mul3A_136 = arith.muli %arg0, %mul3A_135 : i32
    %mul3A_137 = arith.constant 640 : i32
    %mul3A_138 = arith.muli %arg1, %mul3A_137 : i32
    "tpu.region"() ({
      %run_scoped3A_164 = tpu.sem_alloc : memref<!tpu.dma_semaphore, #tpu.memory_space<semaphore_mem>>
      %dma_start3A_165 = arith.constant 0 : i32
      %dma_start3A_166 = tpu.memref_slice %arg11[%mul3A_138, %dma_start3A_165] : memref<10240x16xf32, #tpu.memory_space<vmem_shared>> -> memref<640x16xf32, #tpu.memory_space<vmem_shared>>
      %dma_start3A_167 = tpu.memref_slice %arg2[%mul3A_134, %mul3A_136] : memref<10240x32xf32, #tpu.memory_space<hbm>> -> memref<640x16xf32, #tpu.memory_space<hbm>>
      tpu.enqueue_dma source(%dma_start3A_167 : memref<640x16xf32, #tpu.memory_space<hbm>>) target(%dma_start3A_166 : memref<640x16xf32, #tpu.memory_space<vmem_shared>>) target_semaphore(%run_scoped3A_164 : memref<!tpu.dma_semaphore, #tpu.memory_space<semaphore_mem>>)
      %dma_wait3A_168 = arith.constant 0 : i32
      %dma_wait3A_169 = tpu.memref_slice %arg11[%mul3A_138, %dma_wait3A_168] : memref<10240x16xf32, #tpu.memory_space<vmem_shared>> -> memref<640x16xf32, #tpu.memory_space<vmem_shared>>
      %dma_wait3A_170 = tpu.memref_slice %arg2[%mul3A_134, %mul3A_136] : memref<10240x32xf32, #tpu.memory_space<hbm>> -> memref<640x16xf32, #tpu.memory_space<hbm>>
      tpu.wait_dma2 semaphore(%run_scoped3A_164 : memref<!tpu.dma_semaphore, #tpu.memory_space<semaphore_mem>>) src(%dma_wait3A_170 : memref<640x16xf32, #tpu.memory_space<hbm>>) dst(%dma_wait3A_169 : memref<640x16xf32, #tpu.memory_space<vmem_shared>>)
      tpu.yield
    }) : () -> ()
    %barrier3A = arith.constant 0 : index
    tpu.barrier barrier_id(%barrier3A)
    %dma_start3A = arith.constant 0 : i32
    %dma_start3A_139 = arith.constant 0 : i32
    %dma_start3A_140 = tpu.memref_slice %arg6[%dma_start3A, %dma_start3A_139] : memref<157x128xi32, #tpu.memory_space<vmem>> -> memref<1x128xi32, #tpu.memory_space<vmem>>
    %dma_start3A_141 = tpu.memref_squeeze %dma_start3A_140 : memref<1x128xi32, #tpu.memory_space<vmem>> -> memref<128xi32, #tpu.memory_space<vmem>>
    %dma_start3A_142 = arith.constant 0 : i32
    %dma_start3A_143 = arith.constant 0 : i32
    %dma_start3A_144 = tpu.memref_slice %arg11[%dma_start3A_142, %dma_start3A_143] : memref<10240x16xf32, #tpu.memory_space<vmem_shared>> -> memref<10240x16xf32, #tpu.memory_space<vmem_shared>>
    tpu.enqueue_indirect_dma source(%dma_start3A_144 : memref<10240x16xf32, #tpu.memory_space<vmem_shared>>) target(%arg8 : memref<128x16xf32, #tpu.memory_space<vmem>>) offsets(%dma_start3A_141 : memref<128xi32, #tpu.memory_space<vmem>>) semaphore(%arg12 : memref<!tpu.dma_semaphore, #tpu.memory_space<semaphore_mem>>)
    %scan3A = arith.constant 0 : i32
    %scan3A_145 = arith.constant 0 : i32
    %scan3A_146 = arith.constant 78 : i32
    %scan3A_147 = arith.addi %scan3A_145, %scan3A_146 : i32
    %scan3A_148 = arith.constant 1 : i32
    scf.for %scan3A_164 = %scan3A_145 to %scan3A_147 step %scan3A_148  : i32 {
      %mul3A_165 = arith.constant 2 : i32
      %mul3A_166 = arith.muli %mul3A_165, %scan3A_164 : i32
      %mul3A_167 = arith.constant 2 : i32
      %mul3A_168 = arith.muli %mul3A_167, %scan3A_164 : i32
      %add3A_169 = arith.constant 1 : i32
      %add3A_170 = arith.addi %mul3A_168, %add3A_169 : i32
      %dma_wait3A_171 = arith.constant 0 : i32
      %dma_wait3A_172 = tpu.memref_slice %arg6[%mul3A_166, %dma_wait3A_171] : memref<157x128xi32, #tpu.memory_space<vmem>> -> memref<1x128xi32, #tpu.memory_space<vmem>>
      %dma_wait3A_173 = tpu.memref_squeeze %dma_wait3A_172 : memref<1x128xi32, #tpu.memory_space<vmem>> -> memref<128xi32, #tpu.memory_space<vmem>>
      %dma_wait3A_174 = arith.constant 0 : i32
      %dma_wait3A_175 = arith.constant 0 : i32
      %dma_wait3A_176 = tpu.memref_slice %arg11[%dma_wait3A_174, %dma_wait3A_175] : memref<10240x16xf32, #tpu.memory_space<vmem_shared>> -> memref<10240x16xf32, #tpu.memory_space<vmem_shared>>
      tpu.wait_indirect_dma semaphore(%arg12 : memref<!tpu.dma_semaphore, #tpu.memory_space<semaphore_mem>>) src(%dma_wait3A_176 : memref<10240x16xf32, #tpu.memory_space<vmem_shared>>) dst(%arg8 : memref<128x16xf32, #tpu.memory_space<vmem>>)
      %dma_start3A_177 = arith.constant 0 : i32
      %dma_start3A_178 = tpu.memref_slice %arg6[%add3A_170, %dma_start3A_177] : memref<157x128xi32, #tpu.memory_space<vmem>> -> memref<1x128xi32, #tpu.memory_space<vmem>>
      %dma_start3A_179 = tpu.memref_squeeze %dma_start3A_178 : memref<1x128xi32, #tpu.memory_space<vmem>> -> memref<128xi32, #tpu.memory_space<vmem>>
      %dma_start3A_180 = arith.constant 0 : i32
      %dma_start3A_181 = arith.constant 0 : i32
      %dma_start3A_182 = tpu.memref_slice %arg11[%dma_start3A_180, %dma_start3A_181] : memref<10240x16xf32, #tpu.memory_space<vmem_shared>> -> memref<10240x16xf32, #tpu.memory_space<vmem_shared>>
      tpu.enqueue_indirect_dma source(%dma_start3A_182 : memref<10240x16xf32, #tpu.memory_space<vmem_shared>>) target(%arg9 : memref<128x16xf32, #tpu.memory_space<vmem>>) offsets(%dma_start3A_179 : memref<128xi32, #tpu.memory_space<vmem>>) semaphore(%arg13 : memref<!tpu.dma_semaphore, #tpu.memory_space<semaphore_mem>>)
      "tpu.region"() ({
        %run_scoped3A_197 = tpu.sem_alloc : memref<!tpu.dma_semaphore, #tpu.memory_space<semaphore_mem>>
        %dma_start3A_198 = arith.constant 0 : i32
        %dma_start3A_199 = tpu.memref_slice %arg7[%mul3A_166, %dma_start3A_198] : memref<157x128xi32, #tpu.memory_space<vmem>> -> memref<1x128xi32, #tpu.memory_space<vmem>>
        %dma_start3A_200 = tpu.memref_squeeze %dma_start3A_199 : memref<1x128xi32, #tpu.memory_space<vmem>> -> memref<128xi32, #tpu.memory_space<vmem>>
        %dma_start3A_201 = arith.constant 0 : i32
        %dma_start3A_202 = arith.constant 0 : i32
        %dma_start3A_203 = tpu.memref_slice %arg10[%dma_start3A_201, %dma_start3A_202] : memref<10240x16xf32, #tpu.memory_space<vmem_shared>> -> memref<10240x16xf32, #tpu.memory_space<vmem_shared>>
        tpu.enqueue_indirect_dma source(%arg8 : memref<128x16xf32, #tpu.memory_space<vmem>>) target(%dma_start3A_203 : memref<10240x16xf32, #tpu.memory_space<vmem_shared>>) offsets(%dma_start3A_200 : memref<128xi32, #tpu.memory_space<vmem>>) semaphore(%run_scoped3A_197 : memref<!tpu.dma_semaphore, #tpu.memory_space<semaphore_mem>>) {add = true}
        %dma_wait3A_204 = arith.constant 0 : i32
        %dma_wait3A_205 = tpu.memref_slice %arg7[%mul3A_166, %dma_wait3A_204] : memref<157x128xi32, #tpu.memory_space<vmem>> -> memref<1x128xi32, #tpu.memory_space<vmem>>
        %dma_wait3A_206 = tpu.memref_squeeze %dma_wait3A_205 : memref<1x128xi32, #tpu.memory_space<vmem>> -> memref<128xi32, #tpu.memory_space<vmem>>
        %dma_wait3A_207 = arith.constant 0 : i32
        %dma_wait3A_208 = arith.constant 0 : i32
        %dma_wait3A_209 = tpu.memref_slice %arg10[%dma_wait3A_207, %dma_wait3A_208] : memref<10240x16xf32, #tpu.memory_space<vmem_shared>> -> memref<10240x16xf32, #tpu.memory_space<vmem_shared>>
        tpu.wait_indirect_dma semaphore(%run_scoped3A_197 : memref<!tpu.dma_semaphore, #tpu.memory_space<semaphore_mem>>) src(%arg8 : memref<128x16xf32, #tpu.memory_space<vmem>>) dst(%dma_wait3A_209 : memref<10240x16xf32, #tpu.memory_space<vmem_shared>>)
        tpu.yield
      }) : () -> ()
      %dma_wait3A_183 = arith.constant 0 : i32
      %dma_wait3A_184 = tpu.memref_slice %arg6[%add3A_170, %dma_wait3A_183] : memref<157x128xi32, #tpu.memory_space<vmem>> -> memref<1x128xi32, #tpu.memory_space<vmem>>
      %dma_wait3A_185 = tpu.memref_squeeze %dma_wait3A_184 : memref<1x128xi32, #tpu.memory_space<vmem>> -> memref<128xi32, #tpu.memory_space<vmem>>
      %dma_wait3A_186 = arith.constant 0 : i32
      %dma_wait3A_187 = arith.constant 0 : i32
      %dma_wait3A_188 = tpu.memref_slice %arg11[%dma_wait3A_186, %dma_wait3A_187] : memref<10240x16xf32, #tpu.memory_space<vmem_shared>> -> memref<10240x16xf32, #tpu.memory_space<vmem_shared>>
      tpu.wait_indirect_dma semaphore(%arg13 : memref<!tpu.dma_semaphore, #tpu.memory_space<semaphore_mem>>) src(%dma_wait3A_188 : memref<10240x16xf32, #tpu.memory_space<vmem_shared>>) dst(%arg9 : memref<128x16xf32, #tpu.memory_space<vmem>>)
      %add3A_189 = arith.constant 2 : i32
      %add3A_190 = arith.addi %mul3A_166, %add3A_189 : i32
      %dma_start3A_191 = arith.constant 0 : i32
      %dma_start3A_192 = tpu.memref_slice %arg6[%add3A_190, %dma_start3A_191] : memref<157x128xi32, #tpu.memory_space<vmem>> -> memref<1x128xi32, #tpu.memory_space<vmem>>
      %dma_start3A_193 = tpu.memref_squeeze %dma_start3A_192 : memref<1x128xi32, #tpu.memory_space<vmem>> -> memref<128xi32, #tpu.memory_space<vmem>>
      %dma_start3A_194 = arith.constant 0 : i32
      %dma_start3A_195 = arith.constant 0 : i32
      %dma_start3A_196 = tpu.memref_slice %arg11[%dma_start3A_194, %dma_start3A_195] : memref<10240x16xf32, #tpu.memory_space<vmem_shared>> -> memref<10240x16xf32, #tpu.memory_space<vmem_shared>>
      tpu.enqueue_indirect_dma source(%dma_start3A_196 : memref<10240x16xf32, #tpu.memory_space<vmem_shared>>) target(%arg8 : memref<128x16xf32, #tpu.memory_space<vmem>>) offsets(%dma_start3A_193 : memref<128xi32, #tpu.memory_space<vmem>>) semaphore(%arg12 : memref<!tpu.dma_semaphore, #tpu.memory_space<semaphore_mem>>)
      "tpu.region"() ({
        %run_scoped3A_197 = tpu.sem_alloc : memref<!tpu.dma_semaphore, #tpu.memory_space<semaphore_mem>>
        %dma_start3A_198 = arith.constant 0 : i32
        %dma_start3A_199 = tpu.memref_slice %arg7[%add3A_170, %dma_start3A_198] : memref<157x128xi32, #tpu.memory_space<vmem>> -> memref<1x128xi32, #tpu.memory_space<vmem>>
        %dma_start3A_200 = tpu.memref_squeeze %dma_start3A_199 : memref<1x128xi32, #tpu.memory_space<vmem>> -> memref<128xi32, #tpu.memory_space<vmem>>
        %dma_start3A_201 = arith.constant 0 : i32
        %dma_start3A_202 = arith.constant 0 : i32
        %dma_start3A_203 = tpu.memref_slice %arg10[%dma_start3A_201, %dma_start3A_202] : memref<10240x16xf32, #tpu.memory_space<vmem_shared>> -> memref<10240x16xf32, #tpu.memory_space<vmem_shared>>
        tpu.enqueue_indirect_dma source(%arg9 : memref<128x16xf32, #tpu.memory_space<vmem>>) target(%dma_start3A_203 : memref<10240x16xf32, #tpu.memory_space<vmem_shared>>) offsets(%dma_start3A_200 : memref<128xi32, #tpu.memory_space<vmem>>) semaphore(%run_scoped3A_197 : memref<!tpu.dma_semaphore, #tpu.memory_space<semaphore_mem>>) {add = true}
        %dma_wait3A_204 = arith.constant 0 : i32
        %dma_wait3A_205 = tpu.memref_slice %arg7[%add3A_170, %dma_wait3A_204] : memref<157x128xi32, #tpu.memory_space<vmem>> -> memref<1x128xi32, #tpu.memory_space<vmem>>
        %dma_wait3A_206 = tpu.memref_squeeze %dma_wait3A_205 : memref<1x128xi32, #tpu.memory_space<vmem>> -> memref<128xi32, #tpu.memory_space<vmem>>
        %dma_wait3A_207 = arith.constant 0 : i32
        %dma_wait3A_208 = arith.constant 0 : i32
        %dma_wait3A_209 = tpu.memref_slice %arg10[%dma_wait3A_207, %dma_wait3A_208] : memref<10240x16xf32, #tpu.memory_space<vmem_shared>> -> memref<10240x16xf32, #tpu.memory_space<vmem_shared>>
        tpu.wait_indirect_dma semaphore(%run_scoped3A_197 : memref<!tpu.dma_semaphore, #tpu.memory_space<semaphore_mem>>) src(%arg9 : memref<128x16xf32, #tpu.memory_space<vmem>>) dst(%dma_wait3A_209 : memref<10240x16xf32, #tpu.memory_space<vmem_shared>>)
        tpu.yield
      }) : () -> ()
    }
    %scan3A_149 = arith.constant 78 : i32
    %dma_wait3A = arith.constant 156 : i32
    %dma_wait3A_150 = arith.constant 0 : i32
    %dma_wait3A_151 = tpu.memref_slice %arg6[%dma_wait3A, %dma_wait3A_150] : memref<157x128xi32, #tpu.memory_space<vmem>> -> memref<1x128xi32, #tpu.memory_space<vmem>>
    %dma_wait3A_152 = tpu.memref_squeeze %dma_wait3A_151 : memref<1x128xi32, #tpu.memory_space<vmem>> -> memref<128xi32, #tpu.memory_space<vmem>>
    %dma_wait3A_153 = arith.constant 0 : i32
    %dma_wait3A_154 = arith.constant 0 : i32
    %dma_wait3A_155 = tpu.memref_slice %arg11[%dma_wait3A_153, %dma_wait3A_154] : memref<10240x16xf32, #tpu.memory_space<vmem_shared>> -> memref<10240x16xf32, #tpu.memory_space<vmem_shared>>
    tpu.wait_indirect_dma semaphore(%arg12 : memref<!tpu.dma_semaphore, #tpu.memory_space<semaphore_mem>>) src(%dma_wait3A_155 : memref<10240x16xf32, #tpu.memory_space<vmem_shared>>) dst(%arg8 : memref<128x16xf32, #tpu.memory_space<vmem>>)
    %run_scoped3A_156 = arith.constant 156 : i32
    "tpu.region"() ({
      %run_scoped3A_164 = tpu.sem_alloc : memref<!tpu.dma_semaphore, #tpu.memory_space<semaphore_mem>>
      %dma_start3A_165 = arith.constant 0 : i32
      %dma_start3A_166 = tpu.memref_slice %arg7[%run_scoped3A_156, %dma_start3A_165] : memref<157x128xi32, #tpu.memory_space<vmem>> -> memref<1x128xi32, #tpu.memory_space<vmem>>
      %dma_start3A_167 = tpu.memref_squeeze %dma_start3A_166 : memref<1x128xi32, #tpu.memory_space<vmem>> -> memref<128xi32, #tpu.memory_space<vmem>>
      %dma_start3A_168 = arith.constant 0 : i32
      %dma_start3A_169 = arith.constant 0 : i32
      %dma_start3A_170 = tpu.memref_slice %arg10[%dma_start3A_168, %dma_start3A_169] : memref<10240x16xf32, #tpu.memory_space<vmem_shared>> -> memref<10240x16xf32, #tpu.memory_space<vmem_shared>>
      tpu.enqueue_indirect_dma source(%arg8 : memref<128x16xf32, #tpu.memory_space<vmem>>) target(%dma_start3A_170 : memref<10240x16xf32, #tpu.memory_space<vmem_shared>>) offsets(%dma_start3A_167 : memref<128xi32, #tpu.memory_space<vmem>>) semaphore(%run_scoped3A_164 : memref<!tpu.dma_semaphore, #tpu.memory_space<semaphore_mem>>) {add = true}
      %dma_wait3A_171 = arith.constant 0 : i32
      %dma_wait3A_172 = tpu.memref_slice %arg7[%run_scoped3A_156, %dma_wait3A_171] : memref<157x128xi32, #tpu.memory_space<vmem>> -> memref<1x128xi32, #tpu.memory_space<vmem>>
      %dma_wait3A_173 = tpu.memref_squeeze %dma_wait3A_172 : memref<1x128xi32, #tpu.memory_space<vmem>> -> memref<128xi32, #tpu.memory_space<vmem>>
      %dma_wait3A_174 = arith.constant 0 : i32
      %dma_wait3A_175 = arith.constant 0 : i32
      %dma_wait3A_176 = tpu.memref_slice %arg10[%dma_wait3A_174, %dma_wait3A_175] : memref<10240x16xf32, #tpu.memory_space<vmem_shared>> -> memref<10240x16xf32, #tpu.memory_space<vmem_shared>>
      tpu.wait_indirect_dma semaphore(%run_scoped3A_164 : memref<!tpu.dma_semaphore, #tpu.memory_space<semaphore_mem>>) src(%arg8 : memref<128x16xf32, #tpu.memory_space<vmem>>) dst(%dma_wait3A_176 : memref<10240x16xf32, #tpu.memory_space<vmem_shared>>)
      tpu.yield
    }) : () -> ()
    %barrier3A_157 = arith.constant 0 : index
    tpu.barrier barrier_id(%barrier3A_157)
    %mul3A_158 = arith.constant 640 : i32
    %mul3A_159 = arith.muli %arg1, %mul3A_158 : i32
    %mul3A_160 = arith.constant 640 : i32
    %mul3A_161 = arith.muli %arg1, %mul3A_160 : i32
    %mul3A_162 = arith.constant 16 : i32
    %mul3A_163 = arith.muli %arg0, %mul3A_162 : i32
    "tpu.region"() ({
      %run_scoped3A_164 = tpu.sem_alloc : memref<!tpu.dma_semaphore, #tpu.memory_space<semaphore_mem>>
      %dma_start3A_165 = tpu.memref_slice %arg5[%mul3A_161, %mul3A_163] : memref<10240x32xf32, #tpu.memory_space<hbm>> -> memref<640x16xf32, #tpu.memory_space<hbm>>
      %dma_start3A_166 = arith.constant 0 : i32
      %dma_start3A_167 = tpu.memref_slice %arg10[%mul3A_159, %dma_start3A_166] : memref<10240x16xf32, #tpu.memory_space<vmem_shared>> -> memref<640x16xf32, #tpu.memory_space<vmem_shared>>
      tpu.enqueue_dma source(%dma_start3A_167 : memref<640x16xf32, #tpu.memory_space<vmem_shared>>) target(%dma_start3A_165 : memref<640x16xf32, #tpu.memory_space<hbm>>) target_semaphore(%run_scoped3A_164 : memref<!tpu.dma_semaphore, #tpu.memory_space<semaphore_mem>>)
      %dma_wait3A_168 = tpu.memref_slice %arg5[%mul3A_161, %mul3A_163] : memref<10240x32xf32, #tpu.memory_space<hbm>> -> memref<640x16xf32, #tpu.memory_space<hbm>>
      %dma_wait3A_169 = arith.constant 0 : i32
      %dma_wait3A_170 = tpu.memref_slice %arg10[%mul3A_159, %dma_wait3A_169] : memref<10240x16xf32, #tpu.memory_space<vmem_shared>> -> memref<640x16xf32, #tpu.memory_space<vmem_shared>>
      tpu.wait_dma2 semaphore(%run_scoped3A_164 : memref<!tpu.dma_semaphore, #tpu.memory_space<semaphore_mem>>) src(%dma_wait3A_170 : memref<640x16xf32, #tpu.memory_space<vmem_shared>>) dst(%dma_wait3A_168 : memref<640x16xf32, #tpu.memory_space<hbm>>)
      tpu.yield
    }) : () -> ()
    return
  }
}

module attributes {stable_mosaic.version = 14 : i64} {
  func.func @_scale_body(%arg0: i32, %arg1: memref<2048x64xf32, #tpu.memory_space<vmem>>, %arg2: memref<2048x32xf32, #tpu.memory_space<vmem>>, %arg3: memref<2048x64xf32, #tpu.memory_space<vmem>>, %arg4: memref<2048x8xf32, #tpu.memory_space<vmem>>) attributes {dimension_semantics = [#tpu.dimension_semantics<arbitrary>], iteration_bounds = array<i64: 5>, scalar_prefetch = 0 : i64, scratch_operands = 0 : i64, tpu.core_type = #tpu.core_type<tc>, window_params = [{transform_indices = @transform_0, window_bounds = array<i64: 2048, 64>}, {transform_indices = @transform_1, window_bounds = array<i64: 2048, 32>}, {transform_indices = @transform_2, window_bounds = array<i64: 2048, 64>}, {transform_indices = @transform_3, window_bounds = array<i64: 2048, 8>}]} {
    %get3A = arith.constant 0 : index
    %get3A_0 = arith.constant 0 : index
    %get3A_1 = vector.load %arg2[%get3A, %get3A_0] : memref<2048x32xf32, #tpu.memory_space<vmem>>, vector<2048x1xf32>
    %add3A = arith.constant 1.000000e+00 : f32
    %add3A_2 = vector.broadcast %add3A : f32 to vector<2048x1xf32>
    %add3A_3 = arith.addf %add3A_2, %get3A_1 : vector<2048x1xf32>
    %get3A_4 = arith.constant 0 : index
    %get3A_5 = arith.constant 16 : index
    %get3A_6 = vector.load %arg2[%get3A_4, %get3A_5] : memref<2048x32xf32, #tpu.memory_space<vmem>>, vector<2048x1xf32>
    %add3A_7 = arith.addf %add3A_3, %get3A_6 : vector<2048x1xf32>
    %rsqrt3A = math.rsqrt %add3A_7 : vector<2048x1xf32>
    %get3A_8 = arith.constant 0 : index
    %get3A_9 = arith.constant 0 : index
    %get3A_10 = vector.load %arg1[%get3A_8, %get3A_9] : memref<2048x64xf32, #tpu.memory_space<vmem>>, vector<2048x64xf32>
    %mul3A = vector.broadcast %rsqrt3A : vector<2048x1xf32> to vector<2048x64xf32>
    %mul3A_11 = arith.mulf %mul3A, %get3A_10 : vector<2048x64xf32>
    %swap3A = arith.constant 0 : index
    %swap3A_12 = arith.constant 0 : index
    %swap3A_13 = vector.load %arg3[%swap3A, %swap3A_12] : memref<2048x64xf32, #tpu.memory_space<vmem>>, vector<2048x64xf32>
    tpu.vector_store %arg3[%swap3A, %swap3A_12], %mul3A_11 {strides = array<i32>} : memref<2048x64xf32, #tpu.memory_space<vmem>>, vector<2048x64xf32>,
    %broadcast_in_dim3A = vector.shape_cast %rsqrt3A : vector<2048x1xf32> to vector<2048x1xf32>
    %broadcast_in_dim3A_14 = vector.broadcast %broadcast_in_dim3A : vector<2048x1xf32> to vector<2048x8xf32>
    %swap3A_15 = arith.constant 0 : index
    %swap3A_16 = arith.constant 0 : index
    %swap3A_17 = vector.load %arg4[%swap3A_15, %swap3A_16] : memref<2048x8xf32, #tpu.memory_space<vmem>>, vector<2048x8xf32>
    tpu.vector_store %arg4[%swap3A_15, %swap3A_16], %broadcast_in_dim3A_14 {strides = array<i32>} : memref<2048x8xf32, #tpu.memory_space<vmem>>, vector<2048x8xf32>,
    return
  }
  func.func @transform_0(%arg0: i32) -> (i32, i32) {
    %c0_i32 = arith.constant 0 : i32
    %c0_i32_0 = arith.constant 0 : i32
    return %arg0, %c0_i32 : i32, i32
  }
  func.func @transform_1(%arg0: i32) -> (i32, i32) {
    %c0_i32 = arith.constant 0 : i32
    %c0_i32_0 = arith.constant 0 : i32
    return %arg0, %c0_i32 : i32, i32
  }
  func.func @transform_2(%arg0: i32) -> (i32, i32) {
    %c0_i32 = arith.constant 0 : i32
    %c0_i32_0 = arith.constant 0 : i32
    return %arg0, %c0_i32 : i32, i32
  }
  func.func @transform_3(%arg0: i32) -> (i32, i32) {
    %c0_i32 = arith.constant 0 : i32
    %c0_i32_0 = arith.constant 0 : i32
    return %arg0, %c0_i32 : i32, i32
  }
}

module attributes {stable_mosaic.version = 14 : i64} {
  func.func @_mm_body(%arg0: i32, %arg1: memref<2048x128xf32, #tpu.memory_space<vmem>>, %arg2: memref<128x64xf32, #tpu.memory_space<vmem>>, %arg3: memref<2048x64xf32, #tpu.memory_space<vmem>>) attributes {dimension_semantics = [#tpu.dimension_semantics<arbitrary>], iteration_bounds = array<i64: 5>, scalar_prefetch = 0 : i64, scratch_operands = 0 : i64, tpu.core_type = #tpu.core_type<tc>, window_params = [{transform_indices = @transform_0, window_bounds = array<i64: 2048, 128>}, {pipeline_mode = #tpu.pipeline_mode<synchronous>, transform_indices = @transform_1, window_bounds = array<i64: 128, 64>}, {transform_indices = @transform_2, window_bounds = array<i64: 2048, 64>}]} {
    %get3A = arith.constant 0 : index
    %get3A_0 = arith.constant 0 : index
    %get3A_1 = vector.load %arg1[%get3A, %get3A_0] : memref<2048x128xf32, #tpu.memory_space<vmem>>, vector<2048x128xf32>
    %get3A_2 = arith.constant 0 : index
    %get3A_3 = arith.constant 0 : index
    %get3A_4 = vector.load %arg2[%get3A_2, %get3A_3] : memref<128x64xf32, #tpu.memory_space<vmem>>, vector<128x64xf32>
    %dot_general3A = arith.constant dense<0.000000e+00> : vector<2048x64xf32>
    %dot_general3A_5 = tpu.matmul %get3A_1, %get3A_4, %dot_general3A {dimension_numbers = #tpu.dot_dimension_numbers<[1], [0], [0], [1], [0, 0, 1, 1], [], []>, transpose_lhs_hint = false} : vector<2048x128xf32>, vector<128x64xf32>, vector<2048x64xf32> -> vector<2048x64xf32>
    %swap3A = arith.constant 0 : index
    %swap3A_6 = arith.constant 0 : index
    %swap3A_7 = vector.load %arg3[%swap3A, %swap3A_6] : memref<2048x64xf32, #tpu.memory_space<vmem>>, vector<2048x64xf32>
    tpu.vector_store %arg3[%swap3A, %swap3A_6], %dot_general3A_5 {strides = array<i32>} : memref<2048x64xf32, #tpu.memory_space<vmem>>, vector<2048x64xf32>,
    return
  }
  func.func @transform_0(%arg0: i32) -> (i32, i32) {
    %c0_i32 = arith.constant 0 : i32
    %c0_i32_0 = arith.constant 0 : i32
    return %arg0, %c0_i32 : i32, i32
  }
  func.func @transform_1(%arg0: i32) -> (i32, i32) {
    %c0_i32 = arith.constant 0 : i32
    %c0_i32_0 = arith.constant 0 : i32
    %c0_i32_1 = arith.constant 0 : i32
    return %c0_i32, %c0_i32_0 : i32, i32
  }
  func.func @transform_2(%arg0: i32) -> (i32, i32) {
    %c0_i32 = arith.constant 0 : i32
    %c0_i32_0 = arith.constant 0 : i32
    return %arg0, %c0_i32 : i32, i32
  }
}

module attributes {stable_mosaic.version = 14 : i64} {
  func.func @_mid_body(%arg0: i32, %arg1: memref<2048x64xf32, #tpu.memory_space<vmem>>, %arg2: memref<2048x64xf32, #tpu.memory_space<vmem>>, %arg3: memref<8x64xf32, #tpu.memory_space<vmem>>, %arg4: memref<64x32xf32, #tpu.memory_space<vmem>>, %arg5: memref<2048x8xf32, #tpu.memory_space<vmem>>, %arg6: memref<2048x32xf32, #tpu.memory_space<vmem>>) attributes {dimension_semantics = [#tpu.dimension_semantics<arbitrary>], iteration_bounds = array<i64: 5>, scalar_prefetch = 0 : i64, scratch_operands = 0 : i64, tpu.core_type = #tpu.core_type<tc>, window_params = [{transform_indices = @transform_0, window_bounds = array<i64: 2048, 64>}, {transform_indices = @transform_1, window_bounds = array<i64: 2048, 64>}, {pipeline_mode = #tpu.pipeline_mode<synchronous>, transform_indices = @transform_2, window_bounds = array<i64: 8, 64>}, {pipeline_mode = #tpu.pipeline_mode<synchronous>, transform_indices = @transform_3, window_bounds = array<i64: 64, 32>}, {transform_indices = @transform_4, window_bounds = array<i64: 2048, 8>}, {transform_indices = @transform_5, window_bounds = array<i64: 2048, 32>}]} {
    %get3A = arith.constant 0 : index
    %get3A_0 = arith.constant 0 : index
    %get3A_1 = vector.load %arg5[%get3A, %get3A_0] : memref<2048x8xf32, #tpu.memory_space<vmem>>, vector<2048x1xf32>
    %get3A_2 = arith.constant 0 : index
    %get3A_3 = arith.constant 0 : index
    %get3A_4 = vector.load %arg1[%get3A_2, %get3A_3] : memref<2048x64xf32, #tpu.memory_space<vmem>>, vector<2048x64xf32>
    %get3A_5 = arith.constant 0 : index
    %get3A_6 = arith.constant 0 : index
    %get3A_7 = vector.load %arg2[%get3A_5, %get3A_6] : memref<2048x64xf32, #tpu.memory_space<vmem>>, vector<2048x64xf32>
    %add3A = arith.addf %get3A_4, %get3A_7 : vector<2048x64xf32>
    %mul3A = vector.broadcast %get3A_1 : vector<2048x1xf32> to vector<2048x64xf32>
    %mul3A_8 = arith.mulf %mul3A, %add3A : vector<2048x64xf32>
    %get3A_9 = arith.constant 0 : index
    %get3A_10 = arith.constant 0 : index
    %get3A_11 = vector.load %arg3[%get3A_9, %get3A_10] : memref<8x64xf32, #tpu.memory_space<vmem>>, vector<1x64xf32>
    %add3A_12 = vector.broadcast %get3A_11 : vector<1x64xf32> to vector<2048x64xf32>
    %add3A_13 = arith.addf %mul3A_8, %add3A_12 : vector<2048x64xf32>
    %max3A = arith.constant 0.000000e+00 : f32
    %max3A_14 = vector.broadcast %max3A : f32 to vector<2048x64xf32>
    %max3A_15 = arith.maximumf %add3A_13, %max3A_14 : vector<2048x64xf32>
    %get3A_16 = arith.constant 0 : index
    %get3A_17 = arith.constant 0 : index
    %get3A_18 = vector.load %arg4[%get3A_16, %get3A_17] : memref<64x32xf32, #tpu.memory_space<vmem>>, vector<64x32xf32>
    %dot_general3A = arith.constant dense<0.000000e+00> : vector<2048x32xf32>
    %dot_general3A_19 = tpu.matmul %max3A_15, %get3A_18, %dot_general3A {dimension_numbers = #tpu.dot_dimension_numbers<[1], [0], [0], [1], [0, 0, 1, 1], [], []>, transpose_lhs_hint = false} : vector<2048x64xf32>, vector<64x32xf32>, vector<2048x32xf32> -> vector<2048x32xf32>
    %mul3A_20 = vector.broadcast %get3A_1 : vector<2048x1xf32> to vector<2048x32xf32>
    %mul3A_21 = arith.mulf %mul3A_20, %dot_general3A_19 : vector<2048x32xf32>
    %swap3A = arith.constant 0 : index
    %swap3A_22 = arith.constant 0 : index
    %swap3A_23 = vector.load %arg6[%swap3A, %swap3A_22] : memref<2048x32xf32, #tpu.memory_space<vmem>>, vector<2048x32xf32>
    tpu.vector_store %arg6[%swap3A, %swap3A_22], %mul3A_21 {strides = array<i32>} : memref<2048x32xf32, #tpu.memory_space<vmem>>, vector<2048x32xf32>,
    return
  }
  func.func @transform_0(%arg0: i32) -> (i32, i32) {
    %c0_i32 = arith.constant 0 : i32
    %c0_i32_0 = arith.constant 0 : i32
    return %arg0, %c0_i32 : i32, i32
  }
  func.func @transform_1(%arg0: i32) -> (i32, i32) {
    %c0_i32 = arith.constant 0 : i32
    %c0_i32_0 = arith.constant 0 : i32
    return %arg0, %c0_i32 : i32, i32
  }
  func.func @transform_2(%arg0: i32) -> (i32, i32) {
    %c0_i32 = arith.constant 0 : i32
    %c0_i32_0 = arith.constant 0 : i32
    %c0_i32_1 = arith.constant 0 : i32
    return %c0_i32, %c0_i32_0 : i32, i32
  }
  func.func @transform_3(%arg0: i32) -> (i32, i32) {
    %c0_i32 = arith.constant 0 : i32
    %c0_i32_0 = arith.constant 0 : i32
    %c0_i32_1 = arith.constant 0 : i32
    return %c0_i32, %c0_i32_0 : i32, i32
  }
  func.func @transform_4(%arg0: i32) -> (i32, i32) {
    %c0_i32 = arith.constant 0 : i32
    %c0_i32_0 = arith.constant 0 : i32
    return %arg0, %c0_i32 : i32, i32
  }
  func.func @transform_5(%arg0: i32) -> (i32, i32) {
    %c0_i32 = arith.constant 0 : i32
    %c0_i32_0 = arith.constant 0 : i32
    return %arg0, %c0_i32 : i32, i32
  }
}

module attributes {stable_mosaic.version = 14 : i64} {
  func.func @_mid_body(%arg0: i32, %arg1: memref<2048x32xf32, #tpu.memory_space<vmem>>, %arg2: memref<2048x32xf32, #tpu.memory_space<vmem>>, %arg3: memref<8x32xf32, #tpu.memory_space<vmem>>, %arg4: memref<32x16xf32, #tpu.memory_space<vmem>>, %arg5: memref<2048x8xf32, #tpu.memory_space<vmem>>, %arg6: memref<2048x16xf32, #tpu.memory_space<vmem>>) attributes {dimension_semantics = [#tpu.dimension_semantics<arbitrary>], iteration_bounds = array<i64: 5>, scalar_prefetch = 0 : i64, scratch_operands = 0 : i64, tpu.core_type = #tpu.core_type<tc>, window_params = [{transform_indices = @transform_0, window_bounds = array<i64: 2048, 32>}, {transform_indices = @transform_1, window_bounds = array<i64: 2048, 32>}, {pipeline_mode = #tpu.pipeline_mode<synchronous>, transform_indices = @transform_2, window_bounds = array<i64: 8, 32>}, {pipeline_mode = #tpu.pipeline_mode<synchronous>, transform_indices = @transform_3, window_bounds = array<i64: 32, 16>}, {transform_indices = @transform_4, window_bounds = array<i64: 2048, 8>}, {transform_indices = @transform_5, window_bounds = array<i64: 2048, 16>}]} {
    %get3A = arith.constant 0 : index
    %get3A_0 = arith.constant 0 : index
    %get3A_1 = vector.load %arg5[%get3A, %get3A_0] : memref<2048x8xf32, #tpu.memory_space<vmem>>, vector<2048x1xf32>
    %get3A_2 = arith.constant 0 : index
    %get3A_3 = arith.constant 0 : index
    %get3A_4 = vector.load %arg1[%get3A_2, %get3A_3] : memref<2048x32xf32, #tpu.memory_space<vmem>>, vector<2048x32xf32>
    %get3A_5 = arith.constant 0 : index
    %get3A_6 = arith.constant 0 : index
    %get3A_7 = vector.load %arg2[%get3A_5, %get3A_6] : memref<2048x32xf32, #tpu.memory_space<vmem>>, vector<2048x32xf32>
    %add3A = arith.addf %get3A_4, %get3A_7 : vector<2048x32xf32>
    %mul3A = vector.broadcast %get3A_1 : vector<2048x1xf32> to vector<2048x32xf32>
    %mul3A_8 = arith.mulf %mul3A, %add3A : vector<2048x32xf32>
    %get3A_9 = arith.constant 0 : index
    %get3A_10 = arith.constant 0 : index
    %get3A_11 = vector.load %arg3[%get3A_9, %get3A_10] : memref<8x32xf32, #tpu.memory_space<vmem>>, vector<1x32xf32>
    %add3A_12 = vector.broadcast %get3A_11 : vector<1x32xf32> to vector<2048x32xf32>
    %add3A_13 = arith.addf %mul3A_8, %add3A_12 : vector<2048x32xf32>
    %max3A = arith.constant 0.000000e+00 : f32
    %max3A_14 = vector.broadcast %max3A : f32 to vector<2048x32xf32>
    %max3A_15 = arith.maximumf %add3A_13, %max3A_14 : vector<2048x32xf32>
    %get3A_16 = arith.constant 0 : index
    %get3A_17 = arith.constant 0 : index
    %get3A_18 = vector.load %arg4[%get3A_16, %get3A_17] : memref<32x16xf32, #tpu.memory_space<vmem>>, vector<32x16xf32>
    %dot_general3A = arith.constant dense<0.000000e+00> : vector<2048x16xf32>
    %dot_general3A_19 = tpu.matmul %max3A_15, %get3A_18, %dot_general3A {dimension_numbers = #tpu.dot_dimension_numbers<[1], [0], [0], [1], [0, 0, 1, 1], [], []>, transpose_lhs_hint = false} : vector<2048x32xf32>, vector<32x16xf32>, vector<2048x16xf32> -> vector<2048x16xf32>
    %mul3A_20 = vector.broadcast %get3A_1 : vector<2048x1xf32> to vector<2048x16xf32>
    %mul3A_21 = arith.mulf %mul3A_20, %dot_general3A_19 : vector<2048x16xf32>
    %swap3A = arith.constant 0 : index
    %swap3A_22 = arith.constant 0 : index
    %swap3A_23 = vector.load %arg6[%swap3A, %swap3A_22] : memref<2048x16xf32, #tpu.memory_space<vmem>>, vector<2048x16xf32>
    tpu.vector_store %arg6[%swap3A, %swap3A_22], %mul3A_21 {strides = array<i32>} : memref<2048x16xf32, #tpu.memory_space<vmem>>, vector<2048x16xf32>,
    return
  }
  func.func @transform_0(%arg0: i32) -> (i32, i32) {
    %c0_i32 = arith.constant 0 : i32
    %c0_i32_0 = arith.constant 0 : i32
    return %arg0, %c0_i32 : i32, i32
  }
  func.func @transform_1(%arg0: i32) -> (i32, i32) {
    %c0_i32 = arith.constant 0 : i32
    %c0_i32_0 = arith.constant 0 : i32
    return %arg0, %c0_i32 : i32, i32
  }
  func.func @transform_2(%arg0: i32) -> (i32, i32) {
    %c0_i32 = arith.constant 0 : i32
    %c0_i32_0 = arith.constant 0 : i32
    %c0_i32_1 = arith.constant 0 : i32
    return %c0_i32, %c0_i32_0 : i32, i32
  }
  func.func @transform_3(%arg0: i32) -> (i32, i32) {
    %c0_i32 = arith.constant 0 : i32
    %c0_i32_0 = arith.constant 0 : i32
    %c0_i32_1 = arith.constant 0 : i32
    return %c0_i32, %c0_i32_0 : i32, i32
  }
  func.func @transform_4(%arg0: i32) -> (i32, i32) {
    %c0_i32 = arith.constant 0 : i32
    %c0_i32_0 = arith.constant 0 : i32
    return %arg0, %c0_i32 : i32, i32
  }
  func.func @transform_5(%arg0: i32) -> (i32, i32) {
    %c0_i32 = arith.constant 0 : i32
    %c0_i32_0 = arith.constant 0 : i32
    return %arg0, %c0_i32 : i32, i32
  }
}

module attributes {stable_mosaic.version = 14 : i64} {
  func.func @_last_body(%arg0: i32, %arg1: memref<2048x32xf32, #tpu.memory_space<vmem>>, %arg2: memref<2048x16xf32, #tpu.memory_space<vmem>>, %arg3: memref<8x16xf32, #tpu.memory_space<vmem>>, %arg4: memref<16x1xf32, #tpu.memory_space<vmem>>, %arg5: memref<8x8xf32, #tpu.memory_space<vmem>>, %arg6: memref<2048x8xf32, #tpu.memory_space<vmem>>, %arg7: memref<2048x1xf32, #tpu.memory_space<vmem>>) attributes {dimension_semantics = [#tpu.dimension_semantics<arbitrary>], iteration_bounds = array<i64: 5>, scalar_prefetch = 0 : i64, scratch_operands = 0 : i64, tpu.core_type = #tpu.core_type<tc>, window_params = [{transform_indices = @transform_0, window_bounds = array<i64: 2048, 32>}, {transform_indices = @transform_1, window_bounds = array<i64: 2048, 16>}, {pipeline_mode = #tpu.pipeline_mode<synchronous>, transform_indices = @transform_2, window_bounds = array<i64: 8, 16>}, {pipeline_mode = #tpu.pipeline_mode<synchronous>, transform_indices = @transform_3, window_bounds = array<i64: 16, 1>}, {pipeline_mode = #tpu.pipeline_mode<synchronous>, transform_indices = @transform_4, window_bounds = array<i64: 8, 8>}, {transform_indices = @transform_5, window_bounds = array<i64: 2048, 8>}, {transform_indices = @transform_6, window_bounds = array<i64: 2048, 1>}]} {
    %get3A = arith.constant 0 : index
    %get3A_0 = arith.constant 0 : index
    %get3A_1 = vector.load %arg6[%get3A, %get3A_0] : memref<2048x8xf32, #tpu.memory_space<vmem>>, vector<2048x1xf32>
    %get3A_2 = arith.constant 0 : index
    %get3A_3 = arith.constant 0 : index
    %get3A_4 = vector.load %arg1[%get3A_2, %get3A_3] : memref<2048x32xf32, #tpu.memory_space<vmem>>, vector<2048x16xf32>
    %get3A_5 = arith.constant 0 : index
    %get3A_6 = arith.constant 16 : index
    %get3A_7 = vector.load %arg1[%get3A_5, %get3A_6] : memref<2048x32xf32, #tpu.memory_space<vmem>>, vector<2048x16xf32>
    %add3A = arith.addf %get3A_4, %get3A_7 : vector<2048x16xf32>
    %get3A_8 = arith.constant 0 : index
    %get3A_9 = arith.constant 0 : index
    %get3A_10 = vector.load %arg2[%get3A_8, %get3A_9] : memref<2048x16xf32, #tpu.memory_space<vmem>>, vector<2048x16xf32>
    %add3A_11 = arith.addf %add3A, %get3A_10 : vector<2048x16xf32>
    %mul3A = vector.broadcast %get3A_1 : vector<2048x1xf32> to vector<2048x16xf32>
    %mul3A_12 = arith.mulf %mul3A, %add3A_11 : vector<2048x16xf32>
    %get3A_13 = arith.constant 0 : index
    %get3A_14 = arith.constant 0 : index
    %get3A_15 = vector.load %arg3[%get3A_13, %get3A_14] : memref<8x16xf32, #tpu.memory_space<vmem>>, vector<1x16xf32>
    %add3A_16 = vector.broadcast %get3A_15 : vector<1x16xf32> to vector<2048x16xf32>
    %add3A_17 = arith.addf %mul3A_12, %add3A_16 : vector<2048x16xf32>
    %max3A = arith.constant 0.000000e+00 : f32
    %max3A_18 = vector.broadcast %max3A : f32 to vector<2048x16xf32>
    %max3A_19 = arith.maximumf %add3A_17, %max3A_18 : vector<2048x16xf32>
    %get3A_20 = arith.constant 0 : index
    %get3A_21 = arith.constant 0 : index
    %get3A_22 = vector.load %arg4[%get3A_20, %get3A_21] : memref<16x1xf32, #tpu.memory_space<vmem>>, vector<16x1xf32>
    %dot_general3A = arith.constant dense<0.000000e+00> : vector<2048x1xf32>
    %dot_general3A_23 = tpu.matmul %max3A_19, %get3A_22, %dot_general3A {dimension_numbers = #tpu.dot_dimension_numbers<[1], [0], [0], [1], [0, 0, 1, 1], [], []>, transpose_lhs_hint = false} : vector<2048x16xf32>, vector<16x1xf32>, vector<2048x1xf32> -> vector<2048x1xf32>
    %get3A_24 = arith.constant 0 : index
    %get3A_25 = arith.constant 0 : index
    %get3A_26 = vector.load %arg5[%get3A_24, %get3A_25] : memref<8x8xf32, #tpu.memory_space<vmem>>, vector<1x1xf32>
    %add3A_27 = vector.broadcast %get3A_26 : vector<1x1xf32> to vector<2048x1xf32>
    %add3A_28 = arith.addf %dot_general3A_23, %add3A_27 : vector<2048x1xf32>
    %logistic3A = arith.negf %add3A_28 : vector<2048x1xf32>
    %logistic3A_29 = math.exp %logistic3A : vector<2048x1xf32>
    %logistic3A_30 = arith.constant 1.000000e+00 : f32
    %logistic3A_31 = vector.broadcast %logistic3A_30 : f32 to vector<2048x1xf32>
    %logistic3A_32 = arith.addf %logistic3A_31, %logistic3A_29 : vector<2048x1xf32>
    %logistic3A_33 = arith.divf %logistic3A_31, %logistic3A_32 : vector<2048x1xf32>
    %swap3A = arith.constant 0 : index
    %swap3A_34 = arith.constant 0 : index
    %swap3A_35 = vector.load %arg7[%swap3A, %swap3A_34] : memref<2048x1xf32, #tpu.memory_space<vmem>>, vector<2048x1xf32>
    tpu.vector_store %arg7[%swap3A, %swap3A_34], %logistic3A_33 {strides = array<i32>} : memref<2048x1xf32, #tpu.memory_space<vmem>>, vector<2048x1xf32>,
    return
  }
  func.func @transform_0(%arg0: i32) -> (i32, i32) {
    %c0_i32 = arith.constant 0 : i32
    %c0_i32_0 = arith.constant 0 : i32
    return %arg0, %c0_i32 : i32, i32
  }
  func.func @transform_1(%arg0: i32) -> (i32, i32) {
    %c0_i32 = arith.constant 0 : i32
    %c0_i32_0 = arith.constant 0 : i32
    return %arg0, %c0_i32 : i32, i32
  }
  func.func @transform_2(%arg0: i32) -> (i32, i32) {
    %c0_i32 = arith.constant 0 : i32
    %c0_i32_0 = arith.constant 0 : i32
    %c0_i32_1 = arith.constant 0 : i32
    return %c0_i32, %c0_i32_0 : i32, i32
  }
  func.func @transform_3(%arg0: i32) -> (i32, i32) {
    %c0_i32 = arith.constant 0 : i32
    %c0_i32_0 = arith.constant 0 : i32
    %c0_i32_1 = arith.constant 0 : i32
    return %c0_i32, %c0_i32_0 : i32, i32
  }
  func.func @transform_4(%arg0: i32) -> (i32, i32) {
    %c0_i32 = arith.constant 0 : i32
    %c0_i32_0 = arith.constant 0 : i32
    %c0_i32_1 = arith.constant 0 : i32
    return %c0_i32, %c0_i32_0 : i32, i32
  }
  func.func @transform_5(%arg0: i32) -> (i32, i32) {
    %c0_i32 = arith.constant 0 : i32
    %c0_i32_0 = arith.constant 0 : i32
    return %arg0, %c0_i32 : i32, i32
  }
  func.func @transform_6(%arg0: i32) -> (i32, i32) {
    %c0_i32 = arith.constant 0 : i32
    %c0_i32_0 = arith.constant 0 : i32
    return %arg0, %c0_i32 : i32, i32
  }
}

</mosaic_0001>

<sc_bundles>
// kernel: kernel.11.cloned.1.call-start
scs
__scs_entry_jumppad:
0x0: {  	(pc) =	sbr.rel $0x88, $3  }
0x1: {  	(tag) =	ssettag $0x0;
	lr =	simm.s32 $0x1  }
0x2: {  	[smem:$0x3F97] =	sst lr;
	_ =	strace $0xD0000000  }
0x3: {  	_ = 	snop  }
0x4: {  	_ = 	snop  }
0x5: {  	_ = 	snop  }
0x6: {  	_ = 	snop  }
0x7: {  	_ = 	snop  }
__scs_overlays_trampoline_lowered:
0x8: {  	[smem:$0x3FA6] =	sst s0  }
0x9: {  	[smem:$0x3FA7] =	sst s1  }
0xa: {  	[smem:$0x3FA8] =	sst s2  }
0xb: {  	[smem:$0x3FA9] =	sst s3  }
0xc: {  	[smem:$0x3FAA] =	sst s4  }
0xd: {  	[smem:$0x3FAB] =	sst s5  }
0xe: {  	[smem:$0x3FAC] =	sst s6  }
0xf: {  	[smem:$0x3FAD] =	sst s7  }
0x10: {  	[smem:$0x3FAE] =	sst s8  }
0x11: {  	[smem:$0x3FAF] =	sst s9;
	s0 =	simm.s32 @!p0 $0x0  }
0x12: {  	s1 =	sld [smem:$0x3F95];
	s0 =	simm.s32 @p0 $0x1  }
0x13: {  	[smem:$0x3FB0] =	sst s0;
	s0 =	simm.s32 @!p1 $0x0  }
0x14: {  	s2 =	sld [smem:$0x3F94];
	s0 =	simm.s32 @p1 $0x1  }
0x15: {  	[smem:$0x3FB1] =	sst s0;
	s0 =	simm.s32 @!p2 $0x0  }
0x16: {  	s3 =	sld [smem:$0x3FDB];
	s0 =	simm.s32 @p2 $0x1  }
0x17: {  	s4 =	simm.s32 $0x1BF5;
	[smem:$0x3FB3] =	sst s0  }
0x18: {  	s0 =	sld [smem:$0x3F96];
	_ =	swait.ge [sflag:s4], $0x0  }
0x19: {  	s7 =	sld [smem:$0x3F97]  }
0x1a: {  	s8 =	sadd.s32 $0xFFFFE003, lr  }
0x1b: {  	s9 =	sadd.s32 $0xFFFFFEF7, lr;
	s5 =	simm.s32 $0xFFFFFFFF;
	p2 =	slt.u32 s8, $0xFFFFF086  }
0x1c: {  	p1 =	slt.u32 s9, $0xF7A;
	s5 =	simm.s32 @!p2 $0x0  }
0x1d: {  	s5 =	simm.s32 @p1 $0x1;
	p0 =	seq.s32 s7, s2  }
0x1e: {  	s7 =	smul.u32 @!p0 $0xF7A, s2;
	p2 =	seq.s32 @!p0 s5, $0x0  }
0x1f: {  	s9 =	smul.u32 $0xF7A, s1;
	s8 =	simm.s32 @!p0 $0x1BF5;
	p2 =	por !p2, p0  }
0x20: {  	[sflag:s8] =	ssyncset.s32 @!p0 $0xFFFFF086;
	s6 =	sadd.s32 @!p0 s3, s7;
	s7 =	simm.s32 @!p0 $0x108  }
0x21: {  	s3 =	sadd.s32 s3, s9;
	s6 =	sadd.s32 @!p0 $0x88, s6;
	s7 =	simm.s32 @p2 $0x1082  }
0x22: {  	[simem:s7], [sflag:s8] =	dma.local @!p0 [hbm:s6], $0xF7A  }
0x23: {  	s9 =	sor.u32 $0xD0000000, s2;
	s6 =	simm.s32 $0x108;
	_ =	swait.ge @!p0 [sflag:s8], $0x0  }
0x24: {  	s3 =	sadd.s32 $0x88, s3;
	s6 =	simm.s32 @!p1 $0x1082;
	[sflag:s4] =	ssyncset.s32 $0xFFFFF086  }
0x25: {  	[simem:s6], [sflag:s4] =	dma.local [hbm:s3], $0xF7A  }
0x26: {  	[smem:$0x3F97] =	sst s1;
	(tag) =	ssettag s2;
	_ =	strace s9  }
0x27: {  	s1 =	sld [smem:$0x3FA7]  }
0x28: {  	s2 =	sld [smem:$0x3FA8]  }
0x29: {  	s4 =	sld [smem:$0x3FAA]  }
0x2a: {  	p0 =	seq.s32 s5, $0x0;
	s5 =	sld [smem:$0x3FAB]  }
0x2b: {  	s6 =	sld [smem:$0x3FAC]  }
0x2c: {  	s7 =	sld [smem:$0x3FAD]  }
0x2d: {  	s3 =	simm.s32 $0x108;
	s8 =	sld [smem:$0x3FAE]  }
0x2e: {  	s3 =	simm.s32 @!p0 $0x1082;
	s9 =	sld [smem:$0x3FAF]  }
0x2f: {  	lr =	sadd.s32 s0, s3;
	s0 =	sld [smem:$0x3FA6]  }
0x30: {  	s3 =	sld [smem:$0x3FA9]  }
0x31: {  	[smem:$0x3FB2] =	sst s10  }
0x32: {  	s10 =	sld [smem:$0x3FB0];
	_ =	sdelay $0x3  }
0x33: {  	p0 =	seq.s32 s10, $0x1;
	s10 =	sld [smem:$0x3FB2];
	_ =	sdelay $0x3  }
0x34: {  	[smem:$0x3FB2] =	sst s10  }
0x35: {  	s10 =	sld [smem:$0x3FB1];
	_ =	sdelay $0x3  }
0x36: {  	p1 =	seq.s32 s10, $0x1;
	s10 =	sld [smem:$0x3FB2];
	_ =	sdelay $0x3  }
0x37: {  	[smem:$0x3FB2] =	sst s10  }
0x38: {  	s10 =	sld [smem:$0x3FB3]  }
0x39: {  	_ = 	snop;
	(pc) =	sbr.ind lr, $3  }
0x3a: {  	_ = 	snop  }
0x3b: {  	_ = 	snop  }
0x3c: {  	p2 =	seq.s32 s10, $0x1;
	s10 =	sld [smem:$0x3FB2]  }
0x3d: {  	_ =	shalt  }
0x3e: {  	_ =	shalt  }
0x3f: {  	_ =	shalt  }
0x40: {  	_ =	shalt  }
0x41: {  	_ =	shalt  }
0x42: {  	_ =	shalt  }
0x43: {  	_ =	shalt  }
0x44: {  	_ =	shalt  }
0x45: {  	_ =	shalt  }
0x46: {  	_ =	shalt  }
0x47: {  	_ =	shalt  }
0x48: {  	_ =	shalt  }
0x49: {  	_ =	shalt  }
0x4a: {  	_ =	shalt  }
0x4b: {  	_ =	shalt  }
0x4c: {  	_ =	shalt  }
0x4d: {  	_ =	shalt  }
0x4e: {  	_ =	shalt  }
0x4f: {  	_ =	shalt  }
0x50: {  	_ =	shalt  }
0x51: {  	_ =	shalt  }
0x52: {  	_ =	shalt  }
0x53: {  	_ =	shalt  }
0x54: {  	_ =	shalt  }
0x55: {  	_ =	shalt  }
0x56: {  	_ =	shalt  }
0x57: {  	_ =	shalt  }
0x58: {  	_ =	shalt  }
0x59: {  	_ =	shalt  }
0x5a: {  	_ =	shalt  }
0x5b: {  	_ =	shalt  }
0x5c: {  	_ =	shalt  }
0x5d: {  	_ =	shalt  }
0x5e: {  	_ =	shalt  }
0x5f: {  	_ =	shalt  }
0x60: {  	_ =	shalt  }
0x61: {  	_ =	shalt  }
0x62: {  	_ =	shalt  }
0x63: {  	_ =	shalt  }
0x64: {  	_ =	shalt  }
0x65: {  	_ =	shalt  }
0x66: {  	_ =	shalt  }
0x67: {  	_ =	shalt  }
0x68: {  	_ =	shalt  }
0x69: {  	_ =	shalt  }
0x6a: {  	_ =	shalt  }
0x6b: {  	_ =	shalt  }
0x6c: {  	_ =	shalt  }
0x6d: {  	_ =	shalt  }
0x6e: {  	_ =	shalt  }
0x6f: {  	_ =	shalt  }
0x70: {  	_ =	shalt  }
0x71: {  	_ =	shalt  }
0x72: {  	_ =	shalt  }
0x73: {  	_ =	shalt  }
0x74: {  	_ =	shalt  }
0x75: {  	_ =	shalt  }
0x76: {  	_ =	shalt  }
0x77: {  	_ =	shalt  }
0x78: {  	_ =	shalt  }
0x79: {  	_ =	shalt  }
0x7a: {  	_ =	shalt  }
0x7b: {  	_ =	shalt  }
0x7c: {  	_ =	shalt  }
0x7d: {  	_ =	shalt  }
0x7e: {  	_ =	shalt  }
0x7f: {  	_ =	shalt  }
0x80: {  	_ =	shalt  }
0x81: {  	_ =	shalt  }
0x82: {  	_ =	shalt  }
0x83: {  	_ =	shalt  }
0x84: {  	_ =	shalt  }
0x85: {  	_ =	shalt  }
0x86: {  	_ =	shalt  }
0x87: {  	_ =	shalt  }
.Lfunc_end0:
.L_simem_size_0:
called_computation_lowered:
.L_overlay_start_0:
0x88: {  	s2 =	sld [smem:$0x3FD9]  }
0x89: {  	s3 =	sld [smem:$0x3FFE];
	_ =	sdelay $0x1  }
0x8a: {  	s1 =	srdreg.scid  }
0x8b: {  	s0 =	sand.u32 $0x1, s1  }
0x8c: {  	s17 =	sshll.u32 s0, $0xA;
	s2 =	sadd.s32 s3, s2  }
0x8d: {  	s2 =	sadd.s32 s2, s17  }
0x8e: {  	[smem:$0x3FBE] =	sst s2  }
0x8f: {  	_ = 	snop  }
0x90: {  	s2 =	sld [smem:$0x3FD0];
	(tm) =	ssettm $0x1  }
0x91: {  	s18 =	sld [smem:$0x3FFB];
	_ =	sdelay $0x3  }
0x92: {  	_ =	strace s18  }
0x93: {  	s3 =	sld [smem:$0x3FFC];
	_ =	sdelay $0x3  }
0x94: {  	_ =	strace s3  }
0x95: {  	s3 =	sld [smem:$0x3FFD];
	_ =	sdelay $0x3  }
0x96: {  	_ =	strace s3  }
0x97: {  	_ =	strace $0x8FFFFFFF  }
0x98: {  	s19 =	sld [smem:$0x3FDB];
	_ =	sdelay $0x1  }
0x99: {  	s4 =	simm.s32 $_scs_section_size  }
0x9a: {  	s5 =	simm.s32 $_size__tile_overlayer_lowered;
	s6 =	simm.s32 $_tile_overlayer_lowered  }
0x9b: {  	s22 =	simm.s32 $0x1BFF;
	s21 =	sshll.u32 s6, $0x1;
	s3 =	sadd.s32 s4, s19  }
0x9c: {  	s7 =	simm.s32 $0x0;
	s20 =	sshll.u32 s5, $0x1;
	s5 =	sadd.s32 s21, s3  }
0x9d: {  	[timem:s7], [sflag:s22] =	dma.local [hbm:s5], s20  }
0x9e: {  	_ =	swait.ge [sflag:s22], s20  }
0x9f: {  	s4 =	ssub.s32 $0x0, s20;
	[sflag:s22] =	ssyncset.done $0x0  }
0xa0: {  	[sflag:s22] =	ssyncadd.s32 s4;
	_ =	sdelay $0x1  }
0xa1: {  	s23 =	simm.s32 $0x1B8B  }
0xa2: {  	_ =	swait.ge [sflag:s23], $0x1  }
0xa3: {  	[sflag:s23] =	ssyncset.done $0x0  }
0xa4: {  	s25 =	simm.s32 $0x1B8E;
	s24 =	sld [smem:$0x3FFE];
	[sflag:s23] =	ssyncadd.s32 $0xFFFFFFFF  }
0xa5: {  	s26 =	simm.s32 $execute0_lowered;
	[smem:$0x3FD2] =	sst s25  }
0xa6: {  	s5 =	sshll.u32 s26, $0x1;
	_ =	strace $0x80000046;
	[dreg:$0x1] =	wrdreg $0xFFFFFFFF  }
0xa7: {  	s28 =	simm.s32 $_size_execute0_lowered;
	s3 =	sadd.s32 s3, s5;
	[dreg:$0x0] =	wrdreg $0x0  }
0xa8: {  	s5 =	sshll.u32 s28, $0x1;
	[dreg:$0x2] =	wrdreg s3  }
0xa9: {  	[dreg:$0x3] =	wrdreg s5  }
0xaa: {  	[dreg:$0x4] =	wrdreg $0xC0  }
0xab: {  	_ =	task [dreg:s7], $0x5FFFF  }
0xac: {  	[dreg:$0x1] =	wrdreg $0xFFFFFFFF  }
0xad: {  	[dreg:$0x0] =	wrdreg $0x60  }
0xae: {  	[dreg:$0x2] =	wrdreg s2  }
0xaf: {  	[dreg:$0x3] =	wrdreg s24  }
0xb0: {  	[dreg:$0x4] =	wrdreg $0x57000  }
0xb1: {  	[dreg:$0x5] =	wrdreg $0x9  }
0xb2: {  	_ =	task.clear_ibuf [dreg:s7], $0x6FFFF;
	_ =	strace $0x90000046  }
0xb3: {  	s29 =	simm.s32 $0x9;
	_ =	strace $0x80000048  }
0xb4: {  	_ =	swait.ge [sflag:s29], $0x1  }
0xb5: {  	[sflag:s29] =	ssyncadd.s32 $0xFFFFFFFF  }
0xb6: {  	_ =	strace $0x90000048  }
0xb7: {  	_ =	sfence  }
0xb8: {  	s30 =	sld [smem:$0x0];
	_ =	sdelay $0x2  }
0xb9: {  	s31 =	sshll.u32 s1, $0xD;
	s1 =	sshrl.u32 s1, $0x2  }
0xba: {  	s3 =	sand.u32 $0x4000, s31;
	s1 =	sadd.s32 s1, s30  }
0xbb: {  	s0 =	sor.u32 s3, s0;
	s1 =	sshll.u32 s1, $0x11  }
0xbc: {  	s0 =	sor.u32 s1, s0  }
0xbd: {  	s0 =	sadd.s32 $0x8F2B, s0  }
0xbe: {  	[sflag:s0] =	ssyncadd.remote.s32 $0x1  }
0xbf: {  	_ =	sfence.sel $0xFFFF  }
0xc0: {  	[dreg:$0x0] =	wrdreg $0xFFFFFFFF;
	(pc) =	sbr.abs _section_cstart, $3  }
0xc1: {  	[dreg:$0x1] =	wrdreg $0xFFFFFFFF  }
0xc2: {  	_ =	task.clear_ibuf [dreg:s7], $0x2FFFF;
	_ =	strace $0x9FFFFFFF  }
0xc3: {  	(tm) =	ssettm $0x7FFFFFFF  }
tec
execute0_lowered:
.L_overlay_start_1:
0x0: {  	(tag) =	ssettag $0x1  }
0x1: {  	s2 =	rddreg [dreg:$0x0]  }
0x2: {  	s7 =	rddreg [dreg:$0x1]  }
0x3: {  	s3 =	rddreg [dreg:$0x2]  }
0x4: {  	s0 =	srdreg.scid;
	s1 =	rddreg [dreg:$0x3];
	s4 =	simm.s32 $0x0  }
0x5: {  	s15 =	simm.s32 $0x80;
	s16 =	simm.s32 $0x1;
	s17 =	simm.s32 $0x2  }
0x6: {  	s18 =	simm.s32 $0x4E80;
	s19 =	simm.s32 $0x4;
	s20 =	simm.s32 $0x0  }
0x7: {  	s5 =	sand.u32 $0x1, s0;
	s0 =	stileid.u32;
	[smem:$0x7FF] =	sst s4  }
0x8: {  	s6 =	sshll.u32 s5, $0x4;
	s29 =	smul.u32 $0x5000, s0;
	_ =	strace $0x80000047  }
0x9: {  	s30 =	ssub.s32 $0x2, s5;
	s11 =	smul.u32 $0xA000, s0;
	s5 =	sadd.s32 $0x16C00, s7  }
0xa: {  	s31 =	sshll.u32 s0, $0x6;
	s10 =	sor.u32 s0, s6;
	s12 =	sshrl.u32 s30, $0x1  }
0xb: {  	s8 =	smul.u32 $0x4E, s10;
	s9 =	smin.u32 s10, $0x4;
	s6 =	sor.u32 s6, s29  }
0xc: {  	s11 =	sshrl.u32 s11, $0x2;
	p0 =	sgt.u32 s10, $0x3;
	s10 =	simm.s32 $0x2780  }
0xd: {  	s6 =	sshrl.u32 s6, $0x3;
	s14 =	sadd.s32 s11, s3;
	s8 =	sadd.s32 s9, s8  }
0xe: {  	s11 =	simm.s32 $0x3;
	s13 =	sadd.s32 s6, s7;
	s8 =	sshll.u32 s8, $0x4  }
0xf: {  	s9 =	ssub.s32 s30, s12;
	s12 =	sor.u32 $0x1C03, s31;
	s8 =	sadd.s32 s8, s7  }
0x10: {  	s9 =	smax.u32 s9, $0x1;
	s6 =	sadd.s32 $0xCE40, s8;
	s7 =	sadd.s32 $0xD320, s8  }
0x11: {  	v0 =	vimm.s32 $0x0;
	v1 =	vimm.s32 $0x2710;
	s8 =	sadd.s32 $0x17200, s13;
	s13 =	sshrl.u32 s14, $0x3;
	s14 =	simm.s32 $0x4F00  }
.LBB2_1:
0x12: {  	[tilespmem:$0x2700] =	vst v0  }
0x13: {  	[tilespmem:$0x4E80] =	vst v1  }
0x14: {  	[tilespmem:$0x2710] =	vst v0  }
0x15: {  	[tilespmem:$0x4E90] =	vst v1  }
0x16: {  	[tilespmem:$0x2720] =	vst v0  }
0x17: {  	[tilespmem:$0x4EA0] =	vst v1  }
0x18: {  	[tilespmem:$0x2730] =	vst v0  }
0x19: {  	[tilespmem:$0x4EB0] =	vst v1  }
0x1a: {  	[tilespmem:$0x2740] =	vst v0  }
0x1b: {  	[tilespmem:$0x4EC0] =	vst v1  }
0x1c: {  	[tilespmem:$0x2750] =	vst v0  }
0x1d: {  	[tilespmem:$0x4ED0] =	vst v1  }
0x1e: {  	[tilespmem:$0x2760] =	vst v0  }
0x1f: {  	[tilespmem:$0x4EE0] =	vst v1  }
0x20: {  	[tilespmem:$0x2770] =	vst v0  }
0x21: {  	[tilespmem:$0x4EF0] =	vst v1  }
0x22: {  	[tilespmem:s10], [sflag:$0x3] =	stream.linear.gather [hbm4b:s6+s4], $0x2700, $0x38;
	[tilespmem:$0x7F00] =	vst v63  }
0x23: {  	_ =	swait.ge [sflag:s11], $0x2700  }
0x24: {  	[sflag:s11] =	ssyncset.done $0x0  }
0x25: {  	s21 =	simm.s32 @!p0 $0x0;
	s22 =	simm.s32 @!p0 $0x4E80;
	[sflag:s11] =	ssyncadd.s32 $0xFFFFD900  }
0x26: {  	[tilespmem:s22], [sflag:$0x3] =	stream.linear.gather @!p0 [hbm4b:s7+s21], $0x80, $0x38;
	[tilespmem:$0x7F00] =	vst v63  }
0x27: {  	s21 =	simm.s32 @!p0 $0x3  }
0x28: {  	_ =	swait.ge @!p0 [sflag:s21], $0x80  }
0x29: {  	[sflag:s21] =	ssyncset.done @!p0 $0x0  }
0x2a: {  	[sflag:s21] =	ssyncadd.s32 @!p0 $0xFFFFFF80  }
0x2b: {  	[spmem:s13], [sflag:s12] =	dma.local [hbm:s5], $0x500  }
0x2c: {  	_ =	swait.ge [sflag:s11], $0x500  }
0x2d: {  	[sflag:s11] =	ssyncset.done $0x0  }
0x2e: {  	[sflag:s11] =	ssyncadd.s32 $0xFFFFFB00  }
0x2f: {  	[bflag:$0x0] =	sbarrier.arrive $0xFFFF  }
0x30: {  	[tilespmem:s14], [sflag:$0x3] =	stream.linear.gather [hbm4b:s2+s4], $0x800, $0x38;
	[tilespmem:$0x7F00] =	vst v63  }
0x31: {  	_ =	swait.ge [sflag:s11], $0x800  }
0x32: {  	[sflag:s11] =	ssyncset.done $0x0  }
0x33: {  	s30 =	simm.s32 $0x2780;
	[sflag:s11] =	ssyncadd.s32 $0xFFFFF800  }
0x34: {  	[spmem:s3] =	stream.indirect.scatter.add.f32 [tilespmem:s14], [sflag:$0x1], $0x10, s30, s15, $0xb8;
	[tilespmem:$0x7F00] =	vst v63  }
0x35: {  	s31 =	simm.s32 $0x2800  }
0x36: {  	[spmem:s3] =	stream.indirect.scatter.add.f32 [tilespmem:s14], [sflag:$0x2], $0x10, s31, s15, $0xb8;
	[tilespmem:$0x7F00] =	vst v63  }
0x37: {  	_ =	swait.ge [sflag:s16], $0x800  }
0x38: {  	[sflag:s16] =	ssyncset.done $0x0  }
0x39: {  	[sflag:s16] =	ssyncadd.s32 $0xFFFFF800  }
0x3a: {  	_ =	swait.ge [sflag:s17], $0x800  }
0x3b: {  	s22 =	simm.s32 $0x800;
	s21 =	simm.s32 $0x100;
	[sflag:s17] =	ssyncset.done $0x0  }
.LBB2_2:
0x3c: {  	s23 =	sadd.s32 $0x2780, s21  }
0x3d: {  	[sflag:s17] =	ssyncadd.s32 $0xFFFFF800;
	s24 =	smov.u32 s22;
	s25 =	sadd.s32 $0x400, s22  }
0x3e: {  	[spmem:s3] =	stream.indirect.scatter.add.f32 [tilespmem:s14], [sflag:$0x1], $0x10, s23, s15, $0xb8;
	[tilespmem:$0x7F00] =	vst v63  }
0x3f: {  	p1 =	sne.s32 s22, $0x9800;
	s21 =	sadd.s32 $0x2800, s21  }
0x40: {  	[spmem:s3] =	stream.indirect.scatter.add.f32 [tilespmem:s14], [sflag:$0x2], $0x10, s21, s15, $0xb8;
	[tilespmem:$0x7F00] =	vst v63  }
.Ltmp0:
0x41: {  	_ =	swait.ge [sflag:s16], $0x800;
	(pc) =	sbr.rel @p1 .LBB2_2-.Ltmp0, $4  }
0x42: {  	[sflag:s16] =	ssyncset.done $0x0  }
0x43: {  	[sflag:s16] =	ssyncadd.s32 $0xFFFFF800  }
0x44: {  	_ =	swait.ge [sflag:s17], $0x800  }
0x45: {  	s22 =	smov.u32 s25;
	s21 =	sshra.s32 s24, $0x2;
	[sflag:s17] =	ssyncset.done $0x0  }
0x46: {  	s22 =	sadd.s32 $0x2780, s21;
	[sflag:s17] =	ssyncadd.s32 $0xFFFFF800  }
0x47: {  	[spmem:s3] =	stream.indirect.scatter.add.f32 [tilespmem:s14], [sflag:$0x1], $0x10, s22, s15, $0xb8;
	[tilespmem:$0x7F00] =	vst v63  }
0x48: {  	s31 =	sadd.s32 $0x2800, s21  }
0x49: {  	[spmem:s3] =	stream.indirect.scatter.add.f32 [tilespmem:s14], [sflag:$0x2], $0x10, s31, s15, $0xb8;
	[tilespmem:$0x7F00] =	vst v63  }
0x4a: {  	_ =	swait.ge [sflag:s16], $0x800  }
0x4b: {  	[sflag:s16] =	ssyncset.done $0x0  }
0x4c: {  	[sflag:s16] =	ssyncadd.s32 $0xFFFFF800  }
0x4d: {  	_ =	swait.ge [sflag:s17], $0x800  }
0x4e: {  	[sflag:s17] =	ssyncset.done $0x0  }
0x4f: {  	[sflag:s17] =	ssyncadd.s32 $0xFFFFF800  }
0x50: {  	[spmem:s3] =	stream.indirect.scatter.add.f32 [tilespmem:s14], [sflag:$0x3], $0x10, s18, s15, $0xb8;
	[tilespmem:$0x7F00] =	vst v63  }
0x51: {  	_ =	swait.ge [sflag:s11], $0x800  }
0x52: {  	s20 =	sadd.s32 $0x1, s20;
	[sflag:s11] =	ssyncset.done $0x0  }
0x53: {  	p1 =	sne.s32 s20, s9;
	[sflag:s11] =	ssyncadd.s32 $0xFFFFF800  }
.Ltmp1:
0x54: {  	[bflag:$0x0] =	sbarrier.arrive $0xFFFF;
	(pc) =	sbr.rel @p1 .LBB2_1-.Ltmp1, $4  }
0x55: {  	[hbm:s8@s19], [sflag:s12] =	dma.strided [spmem:s13@s17], $0x500, s16, $0x2   }
0x56: {  	_ =	swait.ge [sflag:s11], $0x500  }
0x57: {  	[sflag:s11] =	ssyncset.done $0x0  }
0x58: {  	[sflag:s11] =	ssyncadd.s32 $0xFFFFFB00  }
0x59: {  	_ =	sfence.sel $0x180000  }
0x5a: {  	[bflag:$0x0] =	sbarrier.arrive $0xFFFF  }
0x5b: {  	p0 =	sne.s32 s0, $0x0;
	_ =	strace $0x90000047  }
0x5c: {  	s0 =	sadd.s32 @!p0 $0x100000, s1;
	[bflag:$0x2] =	sbarrier.arrive $0xFFFF  }
0x5d: {  	[sflag:s0] =	ssyncadd.tile.s32 @!p0 $0x1;
	_ =	shalt  }
.Lfunc_end2:
_tile_overlayer_lowered:
.L_overlay_start_2:
0x5e: {  	(tag) =	ssettag $0x2  }
0x5f: {  	s0 =	rddreg [dreg:$0x0];
	s2 =	stileid.u32  }
0x60: {  	s1 =	rddreg [dreg:$0x1];
	p0 =	sne.s32 s2, $0x0  }
0x61: {  	s3 =	rddreg [dreg:$0x2];
	[bflag:$0x3] =	sbarrier.arrive $0xFFFF;
	s2 =	simm.s32 @!p0 $0x1C03  }
0x62: {  	[timem:s3], [sflag:s2] =	dma.local @!p0 [hbm:s0], s1  }
0x63: {  	s0 =	simm.s32 @!p0 $0x3  }
0x64: {  	_ =	swait.ge @!p0 [sflag:s0], s1  }
0x65: {  	s1 =	ssub.s32 @!p0 $0x0, s1;
	[sflag:s0] =	ssyncset.done @!p0 $0x0  }
0x66: {  	[sflag:s0] =	ssyncadd.s32 @!p0 s1  }
0x67: {  	[bflag:$0x3] =	sbarrier.arrive $0xFFFF  }
0x68: {  	_ =	shalt  }

// kernel: kernel.14.cloned.1.call-start
scs
__scs_entry_jumppad:
0x0: {  	(pc) =	sbr.rel $0x88, $3  }
0x1: {  	(tag) =	ssettag $0x0;
	lr =	simm.s32 $0x1  }
0x2: {  	[smem:$0x3F97] =	sst lr;
	_ =	strace $0xD0000000  }
0x3: {  	_ = 	snop  }
0x4: {  	_ = 	snop  }
0x5: {  	_ = 	snop  }
0x6: {  	_ = 	snop  }
0x7: {  	_ = 	snop  }
__scs_overlays_trampoline_lowered:
0x8: {  	[smem:$0x3FA6] =	sst s0  }
0x9: {  	[smem:$0x3FA7] =	sst s1  }
0xa: {  	[smem:$0x3FA8] =	sst s2  }
0xb: {  	[smem:$0x3FA9] =	sst s3  }
0xc: {  	[smem:$0x3FAA] =	sst s4  }
0xd: {  	[smem:$0x3FAB] =	sst s5  }
0xe: {  	[smem:$0x3FAC] =	sst s6  }
0xf: {  	[smem:$0x3FAD] =	sst s7  }
0x10: {  	[smem:$0x3FAE] =	sst s8  }
0x11: {  	[smem:$0x3FAF] =	sst s9;
	s0 =	simm.s32 @!p0 $0x0  }
0x12: {  	s1 =	sld [smem:$0x3F95];
	s0 =	simm.s32 @p0 $0x1  }
0x13: {  	[smem:$0x3FB0] =	sst s0;
	s0 =	simm.s32 @!p1 $0x0  }
0x14: {  	s2 =	sld [smem:$0x3F94];
	s0 =	simm.s32 @p1 $0x1  }
0x15: {  	[smem:$0x3FB1] =	sst s0;
	s0 =	simm.s32 @!p2 $0x0  }
0x16: {  	s3 =	sld [smem:$0x3FDB];
	s0 =	simm.s32 @p2 $0x1  }
0x17: {  	s4 =	simm.s32 $0x1BF5;
	[smem:$0x3FB3] =	sst s0  }
0x18: {  	s0 =	sld [smem:$0x3F96];
	_ =	swait.ge [sflag:s4], $0x0  }
0x19: {  	s7 =	sld [smem:$0x3F97]  }
0x1a: {  	s8 =	sadd.s32 $0xFFFFE003, lr  }
0x1b: {  	s9 =	sadd.s32 $0xFFFFFEF7, lr;
	s5 =	simm.s32 $0xFFFFFFFF;
	p2 =	slt.u32 s8, $0xFFFFF086  }
0x1c: {  	p1 =	slt.u32 s9, $0xF7A;
	s5 =	simm.s32 @!p2 $0x0  }
0x1d: {  	s5 =	simm.s32 @p1 $0x1;
	p0 =	seq.s32 s7, s2  }
0x1e: {  	s7 =	smul.u32 @!p0 $0xF7A, s2;
	p2 =	seq.s32 @!p0 s5, $0x0  }
0x1f: {  	s9 =	smul.u32 $0xF7A, s1;
	s8 =	simm.s32 @!p0 $0x1BF5;
	p2 =	por !p2, p0  }
0x20: {  	[sflag:s8] =	ssyncset.s32 @!p0 $0xFFFFF086;
	s6 =	sadd.s32 @!p0 s3, s7;
	s7 =	simm.s32 @!p0 $0x108  }
0x21: {  	s3 =	sadd.s32 s3, s9;
	s6 =	sadd.s32 @!p0 $0x88, s6;
	s7 =	simm.s32 @p2 $0x1082  }
0x22: {  	[simem:s7], [sflag:s8] =	dma.local @!p0 [hbm:s6], $0xF7A  }
0x23: {  	s9 =	sor.u32 $0xD0000000, s2;
	s6 =	simm.s32 $0x108;
	_ =	swait.ge @!p0 [sflag:s8], $0x0  }
0x24: {  	s3 =	sadd.s32 $0x88, s3;
	s6 =	simm.s32 @!p1 $0x1082;
	[sflag:s4] =	ssyncset.s32 $0xFFFFF086  }
0x25: {  	[simem:s6], [sflag:s4] =	dma.local [hbm:s3], $0xF7A  }
0x26: {  	[smem:$0x3F97] =	sst s1;
	(tag) =	ssettag s2;
	_ =	strace s9  }
0x27: {  	s1 =	sld [smem:$0x3FA7]  }
0x28: {  	s2 =	sld [smem:$0x3FA8]  }
0x29: {  	s4 =	sld [smem:$0x3FAA]  }
0x2a: {  	p0 =	seq.s32 s5, $0x0;
	s5 =	sld [smem:$0x3FAB]  }
0x2b: {  	s6 =	sld [smem:$0x3FAC]  }
0x2c: {  	s7 =	sld [smem:$0x3FAD]  }
0x2d: {  	s3 =	simm.s32 $0x108;
	s8 =	sld [smem:$0x3FAE]  }
0x2e: {  	s3 =	simm.s32 @!p0 $0x1082;
	s9 =	sld [smem:$0x3FAF]  }
0x2f: {  	lr =	sadd.s32 s0, s3;
	s0 =	sld [smem:$0x3FA6]  }
0x30: {  	s3 =	sld [smem:$0x3FA9]  }
0x31: {  	[smem:$0x3FB2] =	sst s10  }
0x32: {  	s10 =	sld [smem:$0x3FB0];
	_ =	sdelay $0x3  }
0x33: {  	p0 =	seq.s32 s10, $0x1;
	s10 =	sld [smem:$0x3FB2];
	_ =	sdelay $0x3  }
0x34: {  	[smem:$0x3FB2] =	sst s10  }
0x35: {  	s10 =	sld [smem:$0x3FB1];
	_ =	sdelay $0x3  }
0x36: {  	p1 =	seq.s32 s10, $0x1;
	s10 =	sld [smem:$0x3FB2];
	_ =	sdelay $0x3  }
0x37: {  	[smem:$0x3FB2] =	sst s10  }
0x38: {  	s10 =	sld [smem:$0x3FB3]  }
0x39: {  	_ = 	snop;
	(pc) =	sbr.ind lr, $3  }
0x3a: {  	_ = 	snop  }
0x3b: {  	_ = 	snop  }
0x3c: {  	p2 =	seq.s32 s10, $0x1;
	s10 =	sld [smem:$0x3FB2]  }
0x3d: {  	_ =	shalt  }
0x3e: {  	_ =	shalt  }
0x3f: {  	_ =	shalt  }
0x40: {  	_ =	shalt  }
0x41: {  	_ =	shalt  }
0x42: {  	_ =	shalt  }
0x43: {  	_ =	shalt  }
0x44: {  	_ =	shalt  }
0x45: {  	_ =	shalt  }
0x46: {  	_ =	shalt  }
0x47: {  	_ =	shalt  }
0x48: {  	_ =	shalt  }
0x49: {  	_ =	shalt  }
0x4a: {  	_ =	shalt  }
0x4b: {  	_ =	shalt  }
0x4c: {  	_ =	shalt  }
0x4d: {  	_ =	shalt  }
0x4e: {  	_ =	shalt  }
0x4f: {  	_ =	shalt  }
0x50: {  	_ =	shalt  }
0x51: {  	_ =	shalt  }
0x52: {  	_ =	shalt  }
0x53: {  	_ =	shalt  }
0x54: {  	_ =	shalt  }
0x55: {  	_ =	shalt  }
0x56: {  	_ =	shalt  }
0x57: {  	_ =	shalt  }
0x58: {  	_ =	shalt  }
0x59: {  	_ =	shalt  }
0x5a: {  	_ =	shalt  }
0x5b: {  	_ =	shalt  }
0x5c: {  	_ =	shalt  }
0x5d: {  	_ =	shalt  }
0x5e: {  	_ =	shalt  }
0x5f: {  	_ =	shalt  }
0x60: {  	_ =	shalt  }
0x61: {  	_ =	shalt  }
0x62: {  	_ =	shalt  }
0x63: {  	_ =	shalt  }
0x64: {  	_ =	shalt  }
0x65: {  	_ =	shalt  }
0x66: {  	_ =	shalt  }
0x67: {  	_ =	shalt  }
0x68: {  	_ =	shalt  }
0x69: {  	_ =	shalt  }
0x6a: {  	_ =	shalt  }
0x6b: {  	_ =	shalt  }
0x6c: {  	_ =	shalt  }
0x6d: {  	_ =	shalt  }
0x6e: {  	_ =	shalt  }
0x6f: {  	_ =	shalt  }
0x70: {  	_ =	shalt  }
0x71: {  	_ =	shalt  }
0x72: {  	_ =	shalt  }
0x73: {  	_ =	shalt  }
0x74: {  	_ =	shalt  }
0x75: {  	_ =	shalt  }
0x76: {  	_ =	shalt  }
0x77: {  	_ =	shalt  }
0x78: {  	_ =	shalt  }
0x79: {  	_ =	shalt  }
0x7a: {  	_ =	shalt  }
0x7b: {  	_ =	shalt  }
0x7c: {  	_ =	shalt  }
0x7d: {  	_ =	shalt  }
0x7e: {  	_ =	shalt  }
0x7f: {  	_ =	shalt  }
0x80: {  	_ =	shalt  }
0x81: {  	_ =	shalt  }
0x82: {  	_ =	shalt  }
0x83: {  	_ =	shalt  }
0x84: {  	_ =	shalt  }
0x85: {  	_ =	shalt  }
0x86: {  	_ =	shalt  }
0x87: {  	_ =	shalt  }
.Lfunc_end0:
.L_simem_size_0:
called_computation.1_lowered:
.L_overlay_start_0:
0x88: {  	s2 =	sld [smem:$0x3FD9]  }
0x89: {  	s3 =	sld [smem:$0x3FFE];
	_ =	sdelay $0x1  }
0x8a: {  	s1 =	srdreg.scid  }
0x8b: {  	s0 =	sand.u32 $0x1, s1  }
0x8c: {  	s16 =	sshll.u32 s0, $0xA;
	s2 =	sadd.s32 s3, s2  }
0x8d: {  	s2 =	sadd.s32 s2, s16  }
0x8e: {  	[smem:$0x3FBE] =	sst s2  }
0x8f: {  	_ = 	snop  }
0x90: {  	(tm) =	ssettm $0x1  }
0x91: {  	s17 =	sld [smem:$0x3FFB];
	_ =	sdelay $0x3  }
0x92: {  	_ =	strace s17  }
0x93: {  	s2 =	sld [smem:$0x3FFC];
	_ =	sdelay $0x3  }
0x94: {  	_ =	strace s2  }
0x95: {  	s2 =	sld [smem:$0x3FFD];
	_ =	sdelay $0x3  }
0x96: {  	_ =	strace s2  }
0x97: {  	_ =	strace $0x8FFFFFFF  }
0x98: {  	s18 =	sld [smem:$0x3FDB];
	_ =	sdelay $0x1  }
0x99: {  	s19 =	simm.s32 $_scs_section_size  }
0x9a: {  	s4 =	simm.s32 $_size__tile_overlayer_lowered;
	s5 =	simm.s32 $_tile_overlayer_lowered  }
0x9b: {  	s22 =	simm.s32 $0x1BFF;
	s21 =	sshll.u32 s5, $0x1;
	s2 =	sadd.s32 s19, s18  }
0x9c: {  	s6 =	simm.s32 $0x0;
	s20 =	sshll.u32 s4, $0x1;
	s4 =	sadd.s32 s21, s2  }
0x9d: {  	[timem:s6], [sflag:s22] =	dma.local [hbm:s4], s20  }
0x9e: {  	_ =	swait.ge [sflag:s22], s20  }
0x9f: {  	s3 =	ssub.s32 $0x0, s20;
	[sflag:s22] =	ssyncset.done $0x0  }
0xa0: {  	[sflag:s22] =	ssyncadd.s32 s3;
	_ =	sdelay $0x1  }
0xa1: {  	s23 =	simm.s32 $0x1B8B  }
0xa2: {  	_ =	swait.ge [sflag:s23], $0x1  }
0xa3: {  	[sflag:s23] =	ssyncset.done $0x0  }
0xa4: {  	s25 =	simm.s32 $0x1B8E;
	s24 =	sld [smem:$0x3FFE];
	[sflag:s23] =	ssyncadd.s32 $0xFFFFFFFF  }
0xa5: {  	s26 =	simm.s32 $execute0_lowered;
	[smem:$0x3FD2] =	sst s25  }
0xa6: {  	s4 =	sshll.u32 s26, $0x1;
	_ =	strace $0x80000049;
	[dreg:$0x1] =	wrdreg $0xFFFFFFFF  }
0xa7: {  	s28 =	simm.s32 $_size_execute0_lowered;
	s2 =	sadd.s32 s2, s4;
	[dreg:$0x0] =	wrdreg $0x0  }
0xa8: {  	s4 =	sshll.u32 s28, $0x1;
	[dreg:$0x2] =	wrdreg s2  }
0xa9: {  	[dreg:$0x3] =	wrdreg s4  }
0xaa: {  	[dreg:$0x4] =	wrdreg $0xC0  }
0xab: {  	_ =	task [dreg:s6], $0x5FFFF  }
0xac: {  	[dreg:$0x1] =	wrdreg $0xFFFFFFFF  }
0xad: {  	[dreg:$0x0] =	wrdreg $0x60  }
0xae: {  	[dreg:$0x2] =	wrdreg s24  }
0xaf: {  	[dreg:$0x3] =	wrdreg $0xBD000  }
0xb0: {  	[dreg:$0x4] =	wrdreg $0x10D000  }
0xb1: {  	[dreg:$0x5] =	wrdreg $0x9  }
0xb2: {  	_ =	task.clear_ibuf [dreg:s6], $0x6FFFF;
	_ =	strace $0x90000049  }
0xb3: {  	s29 =	simm.s32 $0x9;
	_ =	strace $0x8000004B  }
0xb4: {  	_ =	swait.ge [sflag:s29], $0x1  }
0xb5: {  	[sflag:s29] =	ssyncadd.s32 $0xFFFFFFFF  }
0xb6: {  	_ =	strace $0x9000004B  }
0xb7: {  	_ =	sfence  }
0xb8: {  	s30 =	sld [smem:$0x0];
	_ =	sdelay $0x2  }
0xb9: {  	s31 =	sshll.u32 s1, $0xD;
	s1 =	sshrl.u32 s1, $0x2  }
0xba: {  	s3 =	sand.u32 $0x4000, s31;
	s1 =	sadd.s32 s1, s30  }
0xbb: {  	s0 =	sor.u32 s3, s0;
	s1 =	sshll.u32 s1, $0x11  }
0xbc: {  	s0 =	sor.u32 s1, s0  }
0xbd: {  	s0 =	sadd.s32 $0x8F2B, s0  }
0xbe: {  	[sflag:s0] =	ssyncadd.remote.s32 $0x1  }
0xbf: {  	_ =	sfence.sel $0xFFFF  }
0xc0: {  	[dreg:$0x0] =	wrdreg $0xFFFFFFFF;
	(pc) =	sbr.abs _section_cstart, $3  }
0xc1: {  	[dreg:$0x1] =	wrdreg $0xFFFFFFFF  }
0xc2: {  	_ =	task.clear_ibuf [dreg:s6], $0x2FFFF;
	_ =	strace $0x9FFFFFFF  }
0xc3: {  	(tm) =	ssettm $0x7FFFFFFF  }
tec
execute0_lowered:
.L_overlay_start_1:
0x0: {  	(tag) =	ssettag $0x1  }
0x1: {  	s6 =	rddreg [dreg:$0x0]  }
0x2: {  	s2 =	rddreg [dreg:$0x1]  }
0x3: {  	s3 =	rddreg [dreg:$0x2]  }
0x4: {  	s0 =	rddreg [dreg:$0x3];
	s1 =	stileid.u32  }
0x5: {  	s4 =	simm.s32 $0x0;
	s7 =	srdreg.scid;
	s13 =	simm.s32 $0x3  }
0x6: {  	s14 =	simm.s32 $0x4E80;
	s18 =	simm.s32 $0x1;
	s19 =	simm.s32 $0x4  }
0x7: {  	s20 =	simm.s32 $0x8;
	s21 =	simm.s32 $0x80;
	s22 =	simm.s32 $0x9D00  }
0x8: {  	s23 =	simm.s32 $0xAD00;
	s24 =	simm.s32 $0x2;
	s25 =	simm.s32 $0x9C80  }
0x9: {  	s26 =	simm.s32 $0x0;
	s5 =	smul.u32 $0x9C, s1;
	s8 =	smin.u32 s1, $0x4  }
0xa: {  	s7 =	sand.u32 $0x1, s7;
	s9 =	smul.u32 $0xA000, s1;
	[smem:$0x7FF] =	sst s4  }
0xb: {  	s10 =	smul.u32 $0x5000, s1;
	p0 =	sgt.u32 s1, $0x3;
	s15 =	sshll.u32 s1, $0x6  }
0xc: {  	s29 =	sshll.u32 s7, $0x5;
	_ =	strace $0x8000004A;
	s7 =	ssub.s32 $0x2, s7  }
0xd: {  	s15 =	sor.u32 $0x1C03, s15;
	s5 =	sadd.s32 s8, s5;
	s8 =	sor.u32 s29, s9  }
0xe: {  	s31 =	sshrl.u32 s7, $0x1;
	s16 =	sadd.s32 s10, s2;
	s17 =	sadd.s32 s10, s3  }
0xf: {  	s5 =	sshll.u32 s5, $0x4;
	s8 =	sshrl.u32 s8, $0x3;
	s12 =	ssub.s32 s7, s31  }
0x10: {  	s16 =	sshrl.u32 s16, $0x3;
	s17 =	sshrl.u32 s17, $0x3;
	s30 =	sadd.s32 s5, s6  }
0x11: {  	s5 =	sadd.s32 $0x53200, s6;
	s11 =	sadd.s32 s8, s6;
	s12 =	smax.u32 s12, $0x1  }
0x12: {  	s6 =	sadd.s32 $0x3200, s30;
	s7 =	sadd.s32 $0xCE40, s30;
	s8 =	sadd.s32 $0x3BC0, s30  }
0x13: {  	v0 =	vimm.s32 $0x0;
	v1 =	vimm.s32 $0x2710;
	s9 =	sadd.s32 $0xD800, s30;
	s10 =	sadd.s32 $0x3F200, s11;
	s11 =	sadd.s32 $0x53C00, s11  }
.LBB2_1:
0x14: {  	[tilespmem:$0x4E00] =	vst v0  }
0x15: {  	[tilespmem:$0x9C80] =	vst v1  }
0x16: {  	[tilespmem:$0x4E10] =	vst v0  }
0x17: {  	[tilespmem:$0x9C90] =	vst v1  }
0x18: {  	[tilespmem:$0x4E20] =	vst v0  }
0x19: {  	[tilespmem:$0x9CA0] =	vst v1  }
0x1a: {  	[tilespmem:$0x4E30] =	vst v0  }
0x1b: {  	[tilespmem:$0x9CB0] =	vst v1  }
0x1c: {  	[tilespmem:$0x4E40] =	vst v0  }
0x1d: {  	[tilespmem:$0x9CC0] =	vst v1  }
0x1e: {  	[tilespmem:$0x4E50] =	vst v0  }
0x1f: {  	[tilespmem:$0x9CD0] =	vst v1  }
0x20: {  	[tilespmem:$0x4E60] =	vst v0  }
0x21: {  	[tilespmem:$0x9CE0] =	vst v1  }
0x22: {  	[tilespmem:$0x4E70] =	vst v0  }
0x23: {  	[tilespmem:$0x9CF0] =	vst v1  }
0x24: {  	[tilespmem:s4], [sflag:$0x3] =	stream.linear.gather [hbm4b:s6+s4], $0x4E00, $0x38;
	[tilespmem:$0x15D00] =	vst v63  }
0x25: {  	_ =	swait.ge [sflag:s13], $0x4E00  }
0x26: {  	[sflag:s13] =	ssyncset.done $0x0  }
0x27: {  	[sflag:s13] =	ssyncadd.s32 $0xFFFFB200  }
0x28: {  	[tilespmem:s14], [sflag:$0x3] =	stream.linear.gather [hbm4b:s7+s4], $0x4E00, $0x38;
	[tilespmem:$0x15D00] =	vst v63  }
0x29: {  	_ =	swait.ge [sflag:s13], $0x4E00  }
0x2a: {  	[sflag:s13] =	ssyncset.done $0x0  }
0x2b: {  	s28 =	simm.s32 @!p0 $0x0;
	s29 =	simm.s32 @!p0 $0x4E00;
	[sflag:s13] =	ssyncadd.s32 $0xFFFFB200  }
0x2c: {  	[tilespmem:s29], [sflag:$0x3] =	stream.linear.gather @!p0 [hbm4b:s8+s28], $0x80, $0x38;
	[tilespmem:$0x15D00] =	vst v63  }
0x2d: {  	s29 =	simm.s32 @!p0 $0x3  }
0x2e: {  	_ =	swait.ge @!p0 [sflag:s29], $0x80  }
0x2f: {  	[sflag:s29] =	ssyncset.done @!p0 $0x0  }
0x30: {  	s30 =	simm.s32 @!p0 $0x9C80;
	[sflag:s29] =	ssyncadd.s32 @!p0 $0xFFFFFF80  }
0x31: {  	[tilespmem:s30], [sflag:$0x3] =	stream.linear.gather @!p0 [hbm4b:s9+s28], $0x80, $0x38;
	[tilespmem:$0x15D00] =	vst v63  }
0x32: {  	_ =	swait.ge @!p0 [sflag:s29], $0x80  }
0x33: {  	[sflag:s29] =	ssyncset.done @!p0 $0x0  }
0x34: {  	[sflag:s29] =	ssyncadd.s32 @!p0 $0xFFFFFF80  }
0x35: {  	[spmem:s16], [sflag:s15] =	dma.local [hbm:s5], $0xA00  }
0x36: {  	_ =	swait.ge [sflag:s13], $0xA00  }
0x37: {  	[sflag:s13] =	ssyncset.done $0x0  }
0x38: {  	[sflag:s13] =	ssyncadd.s32 $0xFFFFF600  }
0x39: {  	[spmem:s17@s19], [sflag:s15] =	dma.strided [hbm:s10@s20], $0xA00, s18, $0x4   }
0x3a: {  	_ =	swait.ge [sflag:s13], $0xA00  }
0x3b: {  	[sflag:s13] =	ssyncset.done $0x0  }
0x3c: {  	[sflag:s13] =	ssyncadd.s32 $0xFFFFF600  }
0x3d: {  	[bflag:$0x0] =	sbarrier.arrive $0xFFFF  }
0x3e: {  	[tilespmem:s22], [sflag:$0x1] =	stream.indirect.gather [spmem:s3], $0x20, s4, s21, $0xb8;
	[tilespmem:$0x15D00] =	vst v63  }
0x3f: {  	_ =	swait.ge [sflag:s18], $0x1000  }
0x40: {  	[sflag:s18] =	ssyncset.done $0x0  }
0x41: {  	s28 =	simm.s32 $0x80;
	[sflag:s18] =	ssyncadd.s32 $0xFFFFF000  }
0x42: {  	[tilespmem:s23], [sflag:$0x2] =	stream.indirect.gather [spmem:s3], $0x20, s28, s21, $0xb8;
	[tilespmem:$0x15D00] =	vst v63  }
0x43: {  	s28 =	simm.s32 $0x4E80  }
0x44: {  	[spmem:s2] =	stream.indirect.scatter.add.f32 [tilespmem:s22], [sflag:$0x3], $0x20, s28, s21, $0xb8;
	[tilespmem:$0x15D00] =	vst v63  }
0x45: {  	_ =	swait.ge [sflag:s13], $0x1000  }
0x46: {  	[sflag:s13] =	ssyncset.done $0x0  }
0x47: {  	[sflag:s13] =	ssyncadd.s32 $0xFFFFF000  }
0x48: {  	_ =	swait.ge [sflag:s24], $0x1000  }
0x49: {  	[sflag:s24] =	ssyncset.done $0x0  }
0x4a: {  	s28 =	simm.s32 $0x100;
	[sflag:s24] =	ssyncadd.s32 $0xFFFFF000  }
0x4b: {  	[tilespmem:s22], [sflag:$0x1] =	stream.indirect.gather [spmem:s3], $0x20, s28, s21, $0xb8;
	[tilespmem:$0x15D00] =	vst v63  }
0x4c: {  	s28 =	simm.s32 $0x4F00  }
0x4d: {  	[spmem:s2] =	stream.indirect.scatter.add.f32 [tilespmem:s23], [sflag:$0x3], $0x20, s28, s21, $0xb8;
	[tilespmem:$0x15D00] =	vst v63  }
0x4e: {  	_ =	swait.ge [sflag:s13], $0x1000  }
0x4f: {  	s28 =	simm.s32 $0x400;
	[sflag:s13] =	ssyncset.done $0x0  }
.LBB2_2:
0x50: {  	p1 =	sne.s32 s28, $0x13400  }
0x51: {  	[sflag:s13] =	ssyncadd.s32 $0xFFFFF000;
	s29 =	smov.u32 s28;
	s28 =	sadd.s32 $0x400, s28  }
0x52: {  	_ = 	snop  }
0x53: {  	_ =	swait.ge [sflag:s18], $0x1000  }
0x54: {  	s29 =	sshra.s32 s29, $0x2;
	[sflag:s18] =	ssyncset.done $0x0  }
0x55: {  	s30 =	sadd.s32 $0x80, s29;
	[sflag:s18] =	ssyncadd.s32 $0xFFFFF000  }
0x56: {  	[tilespmem:s23], [sflag:$0x2] =	stream.indirect.gather [spmem:s3], $0x20, s30, s21, $0xb8;
	[tilespmem:$0x15D00] =	vst v63  }
0x57: {  	s30 =	sadd.s32 $0x4E80, s29  }
0x58: {  	[spmem:s2] =	stream.indirect.scatter.add.f32 [tilespmem:s22], [sflag:$0x3], $0x20, s30, s21, $0xb8;
	[tilespmem:$0x15D00] =	vst v63  }
0x59: {  	_ =	swait.ge [sflag:s13], $0x1000  }
0x5a: {  	[sflag:s13] =	ssyncset.done $0x0  }
0x5b: {  	[sflag:s13] =	ssyncadd.s32 $0xFFFFF000  }
0x5c: {  	_ =	swait.ge [sflag:s24], $0x1000  }
0x5d: {  	[sflag:s24] =	ssyncset.done $0x0  }
0x5e: {  	s30 =	sadd.s32 $0x100, s29;
	[sflag:s24] =	ssyncadd.s32 $0xFFFFF000  }
0x5f: {  	[tilespmem:s22], [sflag:$0x1] =	stream.indirect.gather [spmem:s3], $0x20, s30, s21, $0xb8;
	[tilespmem:$0x15D00] =	vst v63  }
.Ltmp0:
0x60: {  	_ = 	snop;
	(pc) =	sbr.rel @p1 .LBB2_2-.Ltmp0, $4  }
0x61: {  	s29 =	sadd.s32 $0x4F00, s29  }
0x62: {  	[spmem:s2] =	stream.indirect.scatter.add.f32 [tilespmem:s23], [sflag:$0x3], $0x20, s29, s21, $0xb8;
	[tilespmem:$0x15D00] =	vst v63  }
0x63: {  	_ =	swait.ge [sflag:s13], $0x1000  }
0x64: {  	[sflag:s13] =	ssyncset.done $0x0  }
0x65: {  	[sflag:s13] =	ssyncadd.s32 $0xFFFFF000  }
0x66: {  	_ =	swait.ge [sflag:s18], $0x1000  }
0x67: {  	[sflag:s18] =	ssyncset.done $0x0  }
0x68: {  	[sflag:s18] =	ssyncadd.s32 $0xFFFFF000  }
0x69: {  	[spmem:s2] =	stream.indirect.scatter.add.f32 [tilespmem:s22], [sflag:$0x3], $0x20, s25, s21, $0xb8;
	[tilespmem:$0x15D00] =	vst v63  }
0x6a: {  	_ =	swait.ge [sflag:s13], $0x1000  }
0x6b: {  	s26 =	sadd.s32 $0x1, s26;
	[sflag:s13] =	ssyncset.done $0x0  }
0x6c: {  	p1 =	sne.s32 s26, s12;
	[sflag:s13] =	ssyncadd.s32 $0xFFFFF000  }
.Ltmp1:
0x6d: {  	[bflag:$0x0] =	sbarrier.arrive $0xFFFF;
	(pc) =	sbr.rel @p1 .LBB2_1-.Ltmp1, $4  }
0x6e: {  	[hbm:s11@s20], [sflag:s15] =	dma.strided [spmem:s16@s19], $0xA00, s18, $0x4   }
0x6f: {  	_ =	swait.ge [sflag:s13], $0xA00  }
0x70: {  	[sflag:s13] =	ssyncset.done $0x0  }
0x71: {  	[sflag:s13] =	ssyncadd.s32 $0xFFFFF600  }
0x72: {  	_ =	sfence.sel $0x180000  }
0x73: {  	[bflag:$0x0] =	sbarrier.arrive $0xFFFF  }
0x74: {  	p0 =	sne.s32 s1, $0x0;
	_ =	strace $0x9000004A  }
0x75: {  	s0 =	sadd.s32 @!p0 $0x100000, s0;
	[bflag:$0x2] =	sbarrier.arrive $0xFFFF  }
0x76: {  	[sflag:s0] =	ssyncadd.tile.s32 @!p0 $0x1;
	_ =	shalt  }
.Lfunc_end2:
_tile_overlayer_lowered:
.L_overlay_start_2:
0x77: {  	(tag) =	ssettag $0x2  }
0x78: {  	s0 =	rddreg [dreg:$0x0];
	s2 =	stileid.u32  }
0x79: {  	s1 =	rddreg [dreg:$0x1];
	p0 =	sne.s32 s2, $0x0  }
0x7a: {  	s3 =	rddreg [dreg:$0x2];
	[bflag:$0x3] =	sbarrier.arrive $0xFFFF;
	s2 =	simm.s32 @!p0 $0x1C03  }
0x7b: {  	[timem:s3], [sflag:s2] =	dma.local @!p0 [hbm:s0], s1  }
0x7c: {  	s0 =	simm.s32 @!p0 $0x3  }
0x7d: {  	_ =	swait.ge @!p0 [sflag:s0], s1  }
0x7e: {  	s1 =	ssub.s32 @!p0 $0x0, s1;
	[sflag:s0] =	ssyncset.done @!p0 $0x0  }
0x7f: {  	[sflag:s0] =	ssyncadd.s32 @!p0 s1  }
0x80: {  	[bflag:$0x3] =	sbarrier.arrive $0xFFFF  }
0x81: {  	_ =	shalt  }

// kernel: kernel.17.cloned.1.call-start
scs
__scs_entry_jumppad:
0x0: {  	(pc) =	sbr.rel $0x88, $3  }
0x1: {  	(tag) =	ssettag $0x0;
	lr =	simm.s32 $0x1  }
0x2: {  	[smem:$0x3F97] =	sst lr;
	_ =	strace $0xD0000000  }
0x3: {  	_ = 	snop  }
0x4: {  	_ = 	snop  }
0x5: {  	_ = 	snop  }
0x6: {  	_ = 	snop  }
0x7: {  	_ = 	snop  }
__scs_overlays_trampoline_lowered:
0x8: {  	[smem:$0x3FA6] =	sst s0  }
0x9: {  	[smem:$0x3FA7] =	sst s1  }
0xa: {  	[smem:$0x3FA8] =	sst s2  }
0xb: {  	[smem:$0x3FA9] =	sst s3  }
0xc: {  	[smem:$0x3FAA] =	sst s4  }
0xd: {  	[smem:$0x3FAB] =	sst s5  }
0xe: {  	[smem:$0x3FAC] =	sst s6  }
0xf: {  	[smem:$0x3FAD] =	sst s7  }
0x10: {  	[smem:$0x3FAE] =	sst s8  }
0x11: {  	[smem:$0x3FAF] =	sst s9;
	s0 =	simm.s32 @!p0 $0x0  }
0x12: {  	s1 =	sld [smem:$0x3F95];
	s0 =	simm.s32 @p0 $0x1  }
0x13: {  	[smem:$0x3FB0] =	sst s0;
	s0 =	simm.s32 @!p1 $0x0  }
0x14: {  	s2 =	sld [smem:$0x3F94];
	s0 =	simm.s32 @p1 $0x1  }
0x15: {  	[smem:$0x3FB1] =	sst s0;
	s0 =	simm.s32 @!p2 $0x0  }
0x16: {  	s3 =	sld [smem:$0x3FDB];
	s0 =	simm.s32 @p2 $0x1  }
0x17: {  	s4 =	simm.s32 $0x1BF5;
	[smem:$0x3FB3] =	sst s0  }
0x18: {  	s0 =	sld [smem:$0x3F96];
	_ =	swait.ge [sflag:s4], $0x0  }
0x19: {  	s7 =	sld [smem:$0x3F97]  }
0x1a: {  	s8 =	sadd.s32 $0xFFFFE003, lr  }
0x1b: {  	s9 =	sadd.s32 $0xFFFFFEF7, lr;
	s5 =	simm.s32 $0xFFFFFFFF;
	p2 =	slt.u32 s8, $0xFFFFF086  }
0x1c: {  	p1 =	slt.u32 s9, $0xF7A;
	s5 =	simm.s32 @!p2 $0x0  }
0x1d: {  	s5 =	simm.s32 @p1 $0x1;
	p0 =	seq.s32 s7, s2  }
0x1e: {  	s7 =	smul.u32 @!p0 $0xF7A, s2;
	p2 =	seq.s32 @!p0 s5, $0x0  }
0x1f: {  	s9 =	smul.u32 $0xF7A, s1;
	s8 =	simm.s32 @!p0 $0x1BF5;
	p2 =	por !p2, p0  }
0x20: {  	[sflag:s8] =	ssyncset.s32 @!p0 $0xFFFFF086;
	s6 =	sadd.s32 @!p0 s3, s7;
	s7 =	simm.s32 @!p0 $0x108  }
0x21: {  	s3 =	sadd.s32 s3, s9;
	s6 =	sadd.s32 @!p0 $0x88, s6;
	s7 =	simm.s32 @p2 $0x1082  }
0x22: {  	[simem:s7], [sflag:s8] =	dma.local @!p0 [hbm:s6], $0xF7A  }
0x23: {  	s9 =	sor.u32 $0xD0000000, s2;
	s6 =	simm.s32 $0x108;
	_ =	swait.ge @!p0 [sflag:s8], $0x0  }
0x24: {  	s3 =	sadd.s32 $0x88, s3;
	s6 =	simm.s32 @!p1 $0x1082;
	[sflag:s4] =	ssyncset.s32 $0xFFFFF086  }
0x25: {  	[simem:s6], [sflag:s4] =	dma.local [hbm:s3], $0xF7A  }
0x26: {  	[smem:$0x3F97] =	sst s1;
	(tag) =	ssettag s2;
	_ =	strace s9  }
0x27: {  	s1 =	sld [smem:$0x3FA7]  }
0x28: {  	s2 =	sld [smem:$0x3FA8]  }
0x29: {  	s4 =	sld [smem:$0x3FAA]  }
0x2a: {  	p0 =	seq.s32 s5, $0x0;
	s5 =	sld [smem:$0x3FAB]  }
0x2b: {  	s6 =	sld [smem:$0x3FAC]  }
0x2c: {  	s7 =	sld [smem:$0x3FAD]  }
0x2d: {  	s3 =	simm.s32 $0x108;
	s8 =	sld [smem:$0x3FAE]  }
0x2e: {  	s3 =	simm.s32 @!p0 $0x1082;
	s9 =	sld [smem:$0x3FAF]  }
0x2f: {  	lr =	sadd.s32 s0, s3;
	s0 =	sld [smem:$0x3FA6]  }
0x30: {  	s3 =	sld [smem:$0x3FA9]  }
0x31: {  	[smem:$0x3FB2] =	sst s10  }
0x32: {  	s10 =	sld [smem:$0x3FB0];
	_ =	sdelay $0x3  }
0x33: {  	p0 =	seq.s32 s10, $0x1;
	s10 =	sld [smem:$0x3FB2];
	_ =	sdelay $0x3  }
0x34: {  	[smem:$0x3FB2] =	sst s10  }
0x35: {  	s10 =	sld [smem:$0x3FB1];
	_ =	sdelay $0x3  }
0x36: {  	p1 =	seq.s32 s10, $0x1;
	s10 =	sld [smem:$0x3FB2];
	_ =	sdelay $0x3  }
0x37: {  	[smem:$0x3FB2] =	sst s10  }
0x38: {  	s10 =	sld [smem:$0x3FB3]  }
0x39: {  	_ = 	snop;
	(pc) =	sbr.ind lr, $3  }
0x3a: {  	_ = 	snop  }
0x3b: {  	_ = 	snop  }
0x3c: {  	p2 =	seq.s32 s10, $0x1;
	s10 =	sld [smem:$0x3FB2]  }
0x3d: {  	_ =	shalt  }
0x3e: {  	_ =	shalt  }
0x3f: {  	_ =	shalt  }
0x40: {  	_ =	shalt  }
0x41: {  	_ =	shalt  }
0x42: {  	_ =	shalt  }
0x43: {  	_ =	shalt  }
0x44: {  	_ =	shalt  }
0x45: {  	_ =	shalt  }
0x46: {  	_ =	shalt  }
0x47: {  	_ =	shalt  }
0x48: {  	_ =	shalt  }
0x49: {  	_ =	shalt  }
0x4a: {  	_ =	shalt  }
0x4b: {  	_ =	shalt  }
0x4c: {  	_ =	shalt  }
0x4d: {  	_ =	shalt  }
0x4e: {  	_ =	shalt  }
0x4f: {  	_ =	shalt  }
0x50: {  	_ =	shalt  }
0x51: {  	_ =	shalt  }
0x52: {  	_ =	shalt  }
0x53: {  	_ =	shalt  }
0x54: {  	_ =	shalt  }
0x55: {  	_ =	shalt  }
0x56: {  	_ =	shalt  }
0x57: {  	_ =	shalt  }
0x58: {  	_ =	shalt  }
0x59: {  	_ =	shalt  }
0x5a: {  	_ =	shalt  }
0x5b: {  	_ =	shalt  }
0x5c: {  	_ =	shalt  }
0x5d: {  	_ =	shalt  }
0x5e: {  	_ =	shalt  }
0x5f: {  	_ =	shalt  }
0x60: {  	_ =	shalt  }
0x61: {  	_ =	shalt  }
0x62: {  	_ =	shalt  }
0x63: {  	_ =	shalt  }
0x64: {  	_ =	shalt  }
0x65: {  	_ =	shalt  }
0x66: {  	_ =	shalt  }
0x67: {  	_ =	shalt  }
0x68: {  	_ =	shalt  }
0x69: {  	_ =	shalt  }
0x6a: {  	_ =	shalt  }
0x6b: {  	_ =	shalt  }
0x6c: {  	_ =	shalt  }
0x6d: {  	_ =	shalt  }
0x6e: {  	_ =	shalt  }
0x6f: {  	_ =	shalt  }
0x70: {  	_ =	shalt  }
0x71: {  	_ =	shalt  }
0x72: {  	_ =	shalt  }
0x73: {  	_ =	shalt  }
0x74: {  	_ =	shalt  }
0x75: {  	_ =	shalt  }
0x76: {  	_ =	shalt  }
0x77: {  	_ =	shalt  }
0x78: {  	_ =	shalt  }
0x79: {  	_ =	shalt  }
0x7a: {  	_ =	shalt  }
0x7b: {  	_ =	shalt  }
0x7c: {  	_ =	shalt  }
0x7d: {  	_ =	shalt  }
0x7e: {  	_ =	shalt  }
0x7f: {  	_ =	shalt  }
0x80: {  	_ =	shalt  }
0x81: {  	_ =	shalt  }
0x82: {  	_ =	shalt  }
0x83: {  	_ =	shalt  }
0x84: {  	_ =	shalt  }
0x85: {  	_ =	shalt  }
0x86: {  	_ =	shalt  }
0x87: {  	_ =	shalt  }
.Lfunc_end0:
.L_simem_size_0:
called_computation.2_lowered:
.L_overlay_start_0:
0x88: {  	s2 =	sld [smem:$0x3FD9]  }
0x89: {  	s3 =	sld [smem:$0x3FFE];
	_ =	sdelay $0x1  }
0x8a: {  	s1 =	srdreg.scid  }
0x8b: {  	s0 =	sand.u32 $0x1, s1  }
0x8c: {  	s16 =	sshll.u32 s0, $0xA;
	s2 =	sadd.s32 s3, s2  }
0x8d: {  	s2 =	sadd.s32 s2, s16  }
0x8e: {  	[smem:$0x3FBE] =	sst s2  }
0x8f: {  	_ = 	snop  }
0x90: {  	(tm) =	ssettm $0x1  }
0x91: {  	s17 =	sld [smem:$0x3FFB];
	_ =	sdelay $0x3  }
0x92: {  	_ =	strace s17  }
0x93: {  	s2 =	sld [smem:$0x3FFC];
	_ =	sdelay $0x3  }
0x94: {  	_ =	strace s2  }
0x95: {  	s2 =	sld [smem:$0x3FFD];
	_ =	sdelay $0x3  }
0x96: {  	_ =	strace s2  }
0x97: {  	_ =	strace $0x8FFFFFFF  }
0x98: {  	s18 =	sld [smem:$0x3FDB];
	_ =	sdelay $0x1  }
0x99: {  	s19 =	simm.s32 $_scs_section_size  }
0x9a: {  	s4 =	simm.s32 $_size__tile_overlayer_lowered;
	s5 =	simm.s32 $_tile_overlayer_lowered  }
0x9b: {  	s22 =	simm.s32 $0x1BFF;
	s21 =	sshll.u32 s5, $0x1;
	s2 =	sadd.s32 s19, s18  }
0x9c: {  	s6 =	simm.s32 $0x0;
	s20 =	sshll.u32 s4, $0x1;
	s4 =	sadd.s32 s21, s2  }
0x9d: {  	[timem:s6], [sflag:s22] =	dma.local [hbm:s4], s20  }
0x9e: {  	_ =	swait.ge [sflag:s22], s20  }
0x9f: {  	s3 =	ssub.s32 $0x0, s20;
	[sflag:s22] =	ssyncset.done $0x0  }
0xa0: {  	[sflag:s22] =	ssyncadd.s32 s3;
	_ =	sdelay $0x1  }
0xa1: {  	s23 =	simm.s32 $0x1B8B  }
0xa2: {  	_ =	swait.ge [sflag:s23], $0x1  }
0xa3: {  	[sflag:s23] =	ssyncset.done $0x0  }
0xa4: {  	s25 =	simm.s32 $0x1B8E;
	s24 =	sld [smem:$0x3FFE];
	[sflag:s23] =	ssyncadd.s32 $0xFFFFFFFF  }
0xa5: {  	s26 =	simm.s32 $execute0_lowered;
	[smem:$0x3FD2] =	sst s25  }
0xa6: {  	s4 =	sshll.u32 s26, $0x1;
	_ =	strace $0x8000004C;
	[dreg:$0x1] =	wrdreg $0xFFFFFFFF  }
0xa7: {  	s28 =	simm.s32 $_size_execute0_lowered;
	s2 =	sadd.s32 s2, s4;
	[dreg:$0x0] =	wrdreg $0x0  }
0xa8: {  	s4 =	sshll.u32 s28, $0x1;
	[dreg:$0x2] =	wrdreg s2  }
0xa9: {  	[dreg:$0x3] =	wrdreg s4  }
0xaa: {  	[dreg:$0x4] =	wrdreg $0xC0  }
0xab: {  	_ =	task [dreg:s6], $0x5FFFF  }
0xac: {  	[dreg:$0x1] =	wrdreg $0xFFFFFFFF  }
0xad: {  	[dreg:$0x0] =	wrdreg $0x60  }
0xae: {  	[dreg:$0x2] =	wrdreg s24  }
0xaf: {  	[dreg:$0x3] =	wrdreg $0xAD000  }
0xb0: {  	[dreg:$0x4] =	wrdreg $0xD5000  }
0xb1: {  	[dreg:$0x5] =	wrdreg $0x9  }
0xb2: {  	_ =	task.clear_ibuf [dreg:s6], $0x6FFFF;
	_ =	strace $0x9000004C  }
0xb3: {  	s29 =	simm.s32 $0x9;
	_ =	strace $0x8000004E  }
0xb4: {  	_ =	swait.ge [sflag:s29], $0x1  }
0xb5: {  	[sflag:s29] =	ssyncadd.s32 $0xFFFFFFFF  }
0xb6: {  	_ =	strace $0x9000004E  }
0xb7: {  	_ =	sfence  }
0xb8: {  	s30 =	sld [smem:$0x0];
	_ =	sdelay $0x2  }
0xb9: {  	s31 =	sshll.u32 s1, $0xD;
	s1 =	sshrl.u32 s1, $0x2  }
0xba: {  	s3 =	sand.u32 $0x4000, s31;
	s1 =	sadd.s32 s1, s30  }
0xbb: {  	s0 =	sor.u32 s3, s0;
	s1 =	sshll.u32 s1, $0x11  }
0xbc: {  	s0 =	sor.u32 s1, s0  }
0xbd: {  	s0 =	sadd.s32 $0x8F2B, s0  }
0xbe: {  	[sflag:s0] =	ssyncadd.remote.s32 $0x1  }
0xbf: {  	_ =	sfence.sel $0xFFFF  }
0xc0: {  	[dreg:$0x0] =	wrdreg $0xFFFFFFFF;
	(pc) =	sbr.abs _section_cstart, $3  }
0xc1: {  	[dreg:$0x1] =	wrdreg $0xFFFFFFFF  }
0xc2: {  	_ =	task.clear_ibuf [dreg:s6], $0x2FFFF;
	_ =	strace $0x9FFFFFFF  }
0xc3: {  	(tm) =	ssettm $0x7FFFFFFF  }
tec
execute0_lowered:
.L_overlay_start_1:
0x0: {  	(tag) =	ssettag $0x1  }
0x1: {  	s6 =	rddreg [dreg:$0x0]  }
0x2: {  	s2 =	rddreg [dreg:$0x1]  }
0x3: {  	s3 =	rddreg [dreg:$0x2];
	s1 =	stileid.u32  }
0x4: {  	s0 =	rddreg [dreg:$0x3];
	s4 =	simm.s32 $0x0;
	s8 =	srdreg.scid  }
0x5: {  	s14 =	simm.s32 $0x4E80;
	s18 =	simm.s32 $0x1;
	s19 =	simm.s32 $0x2  }
0x6: {  	s20 =	simm.s32 $0x4;
	s21 =	simm.s32 $0x80;
	s22 =	simm.s32 $0x9D00  }
0x7: {  	s23 =	simm.s32 $0xA500;
	s24 =	simm.s32 $0x9C80;
	s5 =	smul.u32 $0x9C, s1  }
0x8: {  	s25 =	simm.s32 $0x0;
	[smem:$0x7FF] =	sst s4;
	s30 =	smul.u32 $0x5000, s1  }
0x9: {  	s7 =	smin.u32 s1, $0x4;
	s29 =	sand.u32 $0x1, s8;
	s13 =	smul.u32 $0x2800, s1  }
0xa: {  	p0 =	sgt.u32 s1, $0x3;
	s15 =	sshll.u32 s1, $0x6;
	_ =	strace $0x8000004D  }
0xb: {  	s9 =	sshll.u32 s29, $0x4;
	s15 =	sor.u32 $0x1C03, s15;
	s5 =	sadd.s32 s7, s5  }
0xc: {  	s8 =	sor.u32 s9, s30;
	s7 =	ssub.s32 $0x2, s29;
	s16 =	sadd.s32 s13, s2  }
0xd: {  	s17 =	sadd.s32 s13, s3;
	s13 =	simm.s32 $0x3;
	s5 =	sshll.u32 s5, $0x4  }
0xe: {  	s8 =	sshrl.u32 s8, $0x3;
	s31 =	sshrl.u32 s7, $0x1;
	s16 =	sshrl.u32 s16, $0x3  }
0xf: {  	s17 =	sshrl.u32 s17, $0x3;
	s10 =	sadd.s32 s5, s6;
	s5 =	sadd.s32 $0x16C00, s6  }
0x10: {  	s11 =	sadd.s32 s8, s6;
	s12 =	ssub.s32 s7, s31;
	s6 =	sadd.s32 $0x3200, s10  }
0x11: {  	s7 =	sadd.s32 $0xCE40, s10;
	s8 =	sadd.s32 $0x3BC0, s10;
	s9 =	sadd.s32 $0xD800, s10  }
0x12: {  	v0 =	vimm.s32 $0x0;
	v1 =	vimm.s32 $0x2710;
	s10 =	sadd.s32 $0x3F200, s11;
	s11 =	sadd.s32 $0x49200, s11;
	s12 =	smax.u32 s12, $0x1  }
.LBB2_1:
0x13: {  	[tilespmem:$0x4E00] =	vst v0  }
0x14: {  	[tilespmem:$0x9C80] =	vst v1  }
0x15: {  	[tilespmem:$0x4E10] =	vst v0  }
0x16: {  	[tilespmem:$0x9C90] =	vst v1  }
0x17: {  	[tilespmem:$0x4E20] =	vst v0  }
0x18: {  	[tilespmem:$0x9CA0] =	vst v1  }
0x19: {  	[tilespmem:$0x4E30] =	vst v0  }
0x1a: {  	[tilespmem:$0x9CB0] =	vst v1  }
0x1b: {  	[tilespmem:$0x4E40] =	vst v0  }
0x1c: {  	[tilespmem:$0x9CC0] =	vst v1  }
0x1d: {  	[tilespmem:$0x4E50] =	vst v0  }
0x1e: {  	[tilespmem:$0x9CD0] =	vst v1  }
0x1f: {  	[tilespmem:$0x4E60] =	vst v0  }
0x20: {  	[tilespmem:$0x9CE0] =	vst v1  }
0x21: {  	[tilespmem:$0x4E70] =	vst v0  }
0x22: {  	[tilespmem:$0x9CF0] =	vst v1  }
0x23: {  	[tilespmem:s4], [sflag:$0x3] =	stream.linear.gather [hbm4b:s6+s4], $0x4E00, $0x38;
	[tilespmem:$0xFD00] =	vst v63  }
0x24: {  	_ =	swait.ge [sflag:s13], $0x4E00  }
0x25: {  	[sflag:s13] =	ssyncset.done $0x0  }
0x26: {  	[sflag:s13] =	ssyncadd.s32 $0xFFFFB200  }
0x27: {  	[tilespmem:s14], [sflag:$0x3] =	stream.linear.gather [hbm4b:s7+s4], $0x4E00, $0x38;
	[tilespmem:$0xFD00] =	vst v63  }
0x28: {  	_ =	swait.ge [sflag:s13], $0x4E00  }
0x29: {  	[sflag:s13] =	ssyncset.done $0x0  }
0x2a: {  	s26 =	simm.s32 @!p0 $0x0;
	s28 =	simm.s32 @!p0 $0x4E00;
	[sflag:s13] =	ssyncadd.s32 $0xFFFFB200  }
0x2b: {  	[tilespmem:s28], [sflag:$0x3] =	stream.linear.gather @!p0 [hbm4b:s8+s26], $0x80, $0x38;
	[tilespmem:$0xFD00] =	vst v63  }
0x2c: {  	s28 =	simm.s32 @!p0 $0x3  }
0x2d: {  	_ =	swait.ge @!p0 [sflag:s28], $0x80  }
0x2e: {  	[sflag:s28] =	ssyncset.done @!p0 $0x0  }
0x2f: {  	s29 =	simm.s32 @!p0 $0x9C80;
	[sflag:s28] =	ssyncadd.s32 @!p0 $0xFFFFFF80  }
0x30: {  	[tilespmem:s29], [sflag:$0x3] =	stream.linear.gather @!p0 [hbm4b:s9+s26], $0x80, $0x38;
	[tilespmem:$0xFD00] =	vst v63  }
0x31: {  	_ =	swait.ge @!p0 [sflag:s28], $0x80  }
0x32: {  	[sflag:s28] =	ssyncset.done @!p0 $0x0  }
0x33: {  	[sflag:s28] =	ssyncadd.s32 @!p0 $0xFFFFFF80  }
0x34: {  	[spmem:s16], [sflag:s15] =	dma.local [hbm:s5], $0x500  }
0x35: {  	_ =	swait.ge [sflag:s13], $0x500  }
0x36: {  	[sflag:s13] =	ssyncset.done $0x0  }
0x37: {  	[sflag:s13] =	ssyncadd.s32 $0xFFFFFB00  }
0x38: {  	[spmem:s17@s19], [sflag:s15] =	dma.strided [hbm:s10@s20], $0x500, s18, $0x2   }
0x39: {  	_ =	swait.ge [sflag:s13], $0x500  }
0x3a: {  	[sflag:s13] =	ssyncset.done $0x0  }
0x3b: {  	[sflag:s13] =	ssyncadd.s32 $0xFFFFFB00  }
0x3c: {  	[bflag:$0x0] =	sbarrier.arrive $0xFFFF  }
0x3d: {  	[tilespmem:s22], [sflag:$0x1] =	stream.indirect.gather [spmem:s3], $0x10, s4, s21, $0xb8;
	[tilespmem:$0xFD00] =	vst v63  }
0x3e: {  	_ =	swait.ge [sflag:s18], $0x800  }
0x3f: {  	[sflag:s18] =	ssyncset.done $0x0  }
0x40: {  	s28 =	simm.s32 $0x80;
	[sflag:s18] =	ssyncadd.s32 $0xFFFFF800  }
0x41: {  	[tilespmem:s23], [sflag:$0x2] =	stream.indirect.gather [spmem:s3], $0x10, s28, s21, $0xb8;
	[tilespmem:$0xFD00] =	vst v63  }
0x42: {  	s29 =	simm.s32 $0x4E80  }
0x43: {  	[spmem:s2] =	stream.indirect.scatter.add.f32 [tilespmem:s22], [sflag:$0x3], $0x10, s29, s21, $0xb8;
	[tilespmem:$0xFD00] =	vst v63  }
0x44: {  	_ =	swait.ge [sflag:s13], $0x800  }
0x45: {  	[sflag:s13] =	ssyncset.done $0x0  }
0x46: {  	[sflag:s13] =	ssyncadd.s32 $0xFFFFF800  }
0x47: {  	_ =	swait.ge [sflag:s19], $0x800  }
0x48: {  	[sflag:s19] =	ssyncset.done $0x0  }
0x49: {  	s30 =	simm.s32 $0x100;
	[sflag:s19] =	ssyncadd.s32 $0xFFFFF800  }
0x4a: {  	[tilespmem:s22], [sflag:$0x1] =	stream.indirect.gather [spmem:s3], $0x10, s30, s21, $0xb8;
	[tilespmem:$0xFD00] =	vst v63  }
0x4b: {  	s31 =	simm.s32 $0x4F00  }
0x4c: {  	[spmem:s2] =	stream.indirect.scatter.add.f32 [tilespmem:s23], [sflag:$0x3], $0x10, s31, s21, $0xb8;
	[tilespmem:$0xFD00] =	vst v63  }
0x4d: {  	_ =	swait.ge [sflag:s13], $0x800  }
0x4e: {  	s26 =	simm.s32 $0x400;
	[sflag:s13] =	ssyncset.done $0x0  }
.LBB2_2:
0x4f: {  	p1 =	sne.s32 s26, $0x13400  }
0x50: {  	[sflag:s13] =	ssyncadd.s32 $0xFFFFF800;
	s28 =	smov.u32 s26;
	s26 =	sadd.s32 $0x400, s26  }
0x51: {  	_ = 	snop  }
0x52: {  	_ =	swait.ge [sflag:s18], $0x800  }
0x53: {  	s28 =	sshra.s32 s28, $0x2;
	[sflag:s18] =	ssyncset.done $0x0  }
0x54: {  	s29 =	sadd.s32 $0x80, s28;
	[sflag:s18] =	ssyncadd.s32 $0xFFFFF800  }
0x55: {  	[tilespmem:s23], [sflag:$0x2] =	stream.indirect.gather [spmem:s3], $0x10, s29, s21, $0xb8;
	[tilespmem:$0xFD00] =	vst v63  }
0x56: {  	s29 =	sadd.s32 $0x4E80, s28  }
0x57: {  	[spmem:s2] =	stream.indirect.scatter.add.f32 [tilespmem:s22], [sflag:$0x3], $0x10, s29, s21, $0xb8;
	[tilespmem:$0xFD00] =	vst v63  }
0x58: {  	_ =	swait.ge [sflag:s13], $0x800  }
0x59: {  	[sflag:s13] =	ssyncset.done $0x0  }
0x5a: {  	[sflag:s13] =	ssyncadd.s32 $0xFFFFF800  }
0x5b: {  	_ =	swait.ge [sflag:s19], $0x800  }
0x5c: {  	[sflag:s19] =	ssyncset.done $0x0  }
0x5d: {  	s29 =	sadd.s32 $0x100, s28;
	[sflag:s19] =	ssyncadd.s32 $0xFFFFF800  }
0x5e: {  	[tilespmem:s22], [sflag:$0x1] =	stream.indirect.gather [spmem:s3], $0x10, s29, s21, $0xb8;
	[tilespmem:$0xFD00] =	vst v63  }
.Ltmp0:
0x5f: {  	_ = 	snop;
	(pc) =	sbr.rel @p1 .LBB2_2-.Ltmp0, $4  }
0x60: {  	s28 =	sadd.s32 $0x4F00, s28  }
0x61: {  	[spmem:s2] =	stream.indirect.scatter.add.f32 [tilespmem:s23], [sflag:$0x3], $0x10, s28, s21, $0xb8;
	[tilespmem:$0xFD00] =	vst v63  }
0x62: {  	_ =	swait.ge [sflag:s13], $0x800  }
0x63: {  	[sflag:s13] =	ssyncset.done $0x0  }
0x64: {  	[sflag:s13] =	ssyncadd.s32 $0xFFFFF800  }
0x65: {  	_ =	swait.ge [sflag:s18], $0x800  }
0x66: {  	[sflag:s18] =	ssyncset.done $0x0  }
0x67: {  	[sflag:s18] =	ssyncadd.s32 $0xFFFFF800  }
0x68: {  	[spmem:s2] =	stream.indirect.scatter.add.f32 [tilespmem:s22], [sflag:$0x3], $0x10, s24, s21, $0xb8;
	[tilespmem:$0xFD00] =	vst v63  }
0x69: {  	_ =	swait.ge [sflag:s13], $0x800  }
0x6a: {  	s25 =	sadd.s32 $0x1, s25;
	[sflag:s13] =	ssyncset.done $0x0  }
0x6b: {  	p1 =	sne.s32 s25, s12;
	[sflag:s13] =	ssyncadd.s32 $0xFFFFF800  }
.Ltmp1:
0x6c: {  	[bflag:$0x0] =	sbarrier.arrive $0xFFFF;
	(pc) =	sbr.rel @p1 .LBB2_1-.Ltmp1, $4  }
0x6d: {  	[hbm:s11@s20], [sflag:s15] =	dma.strided [spmem:s16@s19], $0x500, s18, $0x2   }
0x6e: {  	_ =	swait.ge [sflag:s13], $0x500  }
0x6f: {  	[sflag:s13] =	ssyncset.done $0x0  }
0x70: {  	[sflag:s13] =	ssyncadd.s32 $0xFFFFFB00  }
0x71: {  	_ =	sfence.sel $0x180000  }
0x72: {  	[bflag:$0x0] =	sbarrier.arrive $0xFFFF  }
0x73: {  	p0 =	sne.s32 s1, $0x0;
	_ =	strace $0x9000004D  }
0x74: {  	s0 =	sadd.s32 @!p0 $0x100000, s0;
	[bflag:$0x2] =	sbarrier.arrive $0xFFFF  }
0x75: {  	[sflag:s0] =	ssyncadd.tile.s32 @!p0 $0x1;
	_ =	shalt  }
.Lfunc_end2:
_tile_overlayer_lowered:
.L_overlay_start_2:
0x76: {  	(tag) =	ssettag $0x2  }
0x77: {  	s0 =	rddreg [dreg:$0x0];
	s2 =	stileid.u32  }
0x78: {  	s1 =	rddreg [dreg:$0x1];
	p0 =	sne.s32 s2, $0x0  }
0x79: {  	s3 =	rddreg [dreg:$0x2];
	[bflag:$0x3] =	sbarrier.arrive $0xFFFF;
	s2 =	simm.s32 @!p0 $0x1C03  }
0x7a: {  	[timem:s3], [sflag:s2] =	dma.local @!p0 [hbm:s0], s1  }
0x7b: {  	s0 =	simm.s32 @!p0 $0x3  }
0x7c: {  	_ =	swait.ge @!p0 [sflag:s0], s1  }
0x7d: {  	s1 =	ssub.s32 @!p0 $0x0, s1;
	[sflag:s0] =	ssyncset.done @!p0 $0x0  }
0x7e: {  	[sflag:s0] =	ssyncadd.s32 @!p0 s1  }
0x7f: {  	[bflag:$0x3] =	sbarrier.arrive $0xFFFF  }
0x80: {  	_ =	shalt  }

// kernel: kernel.20.cloned.1.call-start
scs
__scs_entry_jumppad:
0x0: {  	(pc) =	sbr.rel $0x88, $3  }
0x1: {  	(tag) =	ssettag $0x0;
	lr =	simm.s32 $0x1  }
0x2: {  	[smem:$0x3F97] =	sst lr;
	_ =	strace $0xD0000000  }
0x3: {  	_ = 	snop  }
0x4: {  	_ = 	snop  }
0x5: {  	_ = 	snop  }
0x6: {  	_ = 	snop  }
0x7: {  	_ = 	snop  }
__scs_overlays_trampoline_lowered:
0x8: {  	[smem:$0x3FA6] =	sst s0  }
0x9: {  	[smem:$0x3FA7] =	sst s1  }
0xa: {  	[smem:$0x3FA8] =	sst s2  }
0xb: {  	[smem:$0x3FA9] =	sst s3  }
0xc: {  	[smem:$0x3FAA] =	sst s4  }
0xd: {  	[smem:$0x3FAB] =	sst s5  }
0xe: {  	[smem:$0x3FAC] =	sst s6  }
0xf: {  	[smem:$0x3FAD] =	sst s7  }
0x10: {  	[smem:$0x3FAE] =	sst s8  }
0x11: {  	[smem:$0x3FAF] =	sst s9;
	s0 =	simm.s32 @!p0 $0x0  }
0x12: {  	s1 =	sld [smem:$0x3F95];
	s0 =	simm.s32 @p0 $0x1  }
0x13: {  	[smem:$0x3FB0] =	sst s0;
	s0 =	simm.s32 @!p1 $0x0  }
0x14: {  	s2 =	sld [smem:$0x3F94];
	s0 =	simm.s32 @p1 $0x1  }
0x15: {  	[smem:$0x3FB1] =	sst s0;
	s0 =	simm.s32 @!p2 $0x0  }
0x16: {  	s3 =	sld [smem:$0x3FDB];
	s0 =	simm.s32 @p2 $0x1  }
0x17: {  	s4 =	simm.s32 $0x1BF5;
	[smem:$0x3FB3] =	sst s0  }
0x18: {  	s0 =	sld [smem:$0x3F96];
	_ =	swait.ge [sflag:s4], $0x0  }
0x19: {  	s7 =	sld [smem:$0x3F97]  }
0x1a: {  	s8 =	sadd.s32 $0xFFFFE003, lr  }
0x1b: {  	s9 =	sadd.s32 $0xFFFFFEF7, lr;
	s5 =	simm.s32 $0xFFFFFFFF;
	p2 =	slt.u32 s8, $0xFFFFF086  }
0x1c: {  	p1 =	slt.u32 s9, $0xF7A;
	s5 =	simm.s32 @!p2 $0x0  }
0x1d: {  	s5 =	simm.s32 @p1 $0x1;
	p0 =	seq.s32 s7, s2  }
0x1e: {  	s7 =	smul.u32 @!p0 $0xF7A, s2;
	p2 =	seq.s32 @!p0 s5, $0x0  }
0x1f: {  	s9 =	smul.u32 $0xF7A, s1;
	s8 =	simm.s32 @!p0 $0x1BF5;
	p2 =	por !p2, p0  }
0x20: {  	[sflag:s8] =	ssyncset.s32 @!p0 $0xFFFFF086;
	s6 =	sadd.s32 @!p0 s3, s7;
	s7 =	simm.s32 @!p0 $0x108  }
0x21: {  	s3 =	sadd.s32 s3, s9;
	s6 =	sadd.s32 @!p0 $0x88, s6;
	s7 =	simm.s32 @p2 $0x1082  }
0x22: {  	[simem:s7], [sflag:s8] =	dma.local @!p0 [hbm:s6], $0xF7A  }
0x23: {  	s9 =	sor.u32 $0xD0000000, s2;
	s6 =	simm.s32 $0x108;
	_ =	swait.ge @!p0 [sflag:s8], $0x0  }
0x24: {  	s3 =	sadd.s32 $0x88, s3;
	s6 =	simm.s32 @!p1 $0x1082;
	[sflag:s4] =	ssyncset.s32 $0xFFFFF086  }
0x25: {  	[simem:s6], [sflag:s4] =	dma.local [hbm:s3], $0xF7A  }
0x26: {  	[smem:$0x3F97] =	sst s1;
	(tag) =	ssettag s2;
	_ =	strace s9  }
0x27: {  	s1 =	sld [smem:$0x3FA7]  }
0x28: {  	s2 =	sld [smem:$0x3FA8]  }
0x29: {  	s4 =	sld [smem:$0x3FAA]  }
0x2a: {  	p0 =	seq.s32 s5, $0x0;
	s5 =	sld [smem:$0x3FAB]  }
0x2b: {  	s6 =	sld [smem:$0x3FAC]  }
0x2c: {  	s7 =	sld [smem:$0x3FAD]  }
0x2d: {  	s3 =	simm.s32 $0x108;
	s8 =	sld [smem:$0x3FAE]  }
0x2e: {  	s3 =	simm.s32 @!p0 $0x1082;
	s9 =	sld [smem:$0x3FAF]  }
0x2f: {  	lr =	sadd.s32 s0, s3;
	s0 =	sld [smem:$0x3FA6]  }
0x30: {  	s3 =	sld [smem:$0x3FA9]  }
0x31: {  	[smem:$0x3FB2] =	sst s10  }
0x32: {  	s10 =	sld [smem:$0x3FB0];
	_ =	sdelay $0x3  }
0x33: {  	p0 =	seq.s32 s10, $0x1;
	s10 =	sld [smem:$0x3FB2];
	_ =	sdelay $0x3  }
0x34: {  	[smem:$0x3FB2] =	sst s10  }
0x35: {  	s10 =	sld [smem:$0x3FB1];
	_ =	sdelay $0x3  }
0x36: {  	p1 =	seq.s32 s10, $0x1;
	s10 =	sld [smem:$0x3FB2];
	_ =	sdelay $0x3  }
0x37: {  	[smem:$0x3FB2] =	sst s10  }
0x38: {  	s10 =	sld [smem:$0x3FB3]  }
0x39: {  	_ = 	snop;
	(pc) =	sbr.ind lr, $3  }
0x3a: {  	_ = 	snop  }
0x3b: {  	_ = 	snop  }
0x3c: {  	p2 =	seq.s32 s10, $0x1;
	s10 =	sld [smem:$0x3FB2]  }
0x3d: {  	_ =	shalt  }
0x3e: {  	_ =	shalt  }
0x3f: {  	_ =	shalt  }
0x40: {  	_ =	shalt  }
0x41: {  	_ =	shalt  }
0x42: {  	_ =	shalt  }
0x43: {  	_ =	shalt  }
0x44: {  	_ =	shalt  }
0x45: {  	_ =	shalt  }
0x46: {  	_ =	shalt  }
0x47: {  	_ =	shalt  }
0x48: {  	_ =	shalt  }
0x49: {  	_ =	shalt  }
0x4a: {  	_ =	shalt  }
0x4b: {  	_ =	shalt  }
0x4c: {  	_ =	shalt  }
0x4d: {  	_ =	shalt  }
0x4e: {  	_ =	shalt  }
0x4f: {  	_ =	shalt  }
0x50: {  	_ =	shalt  }
0x51: {  	_ =	shalt  }
0x52: {  	_ =	shalt  }
0x53: {  	_ =	shalt  }
0x54: {  	_ =	shalt  }
0x55: {  	_ =	shalt  }
0x56: {  	_ =	shalt  }
0x57: {  	_ =	shalt  }
0x58: {  	_ =	shalt  }
0x59: {  	_ =	shalt  }
0x5a: {  	_ =	shalt  }
0x5b: {  	_ =	shalt  }
0x5c: {  	_ =	shalt  }
0x5d: {  	_ =	shalt  }
0x5e: {  	_ =	shalt  }
0x5f: {  	_ =	shalt  }
0x60: {  	_ =	shalt  }
0x61: {  	_ =	shalt  }
0x62: {  	_ =	shalt  }
0x63: {  	_ =	shalt  }
0x64: {  	_ =	shalt  }
0x65: {  	_ =	shalt  }
0x66: {  	_ =	shalt  }
0x67: {  	_ =	shalt  }
0x68: {  	_ =	shalt  }
0x69: {  	_ =	shalt  }
0x6a: {  	_ =	shalt  }
0x6b: {  	_ =	shalt  }
0x6c: {  	_ =	shalt  }
0x6d: {  	_ =	shalt  }
0x6e: {  	_ =	shalt  }
0x6f: {  	_ =	shalt  }
0x70: {  	_ =	shalt  }
0x71: {  	_ =	shalt  }
0x72: {  	_ =	shalt  }
0x73: {  	_ =	shalt  }
0x74: {  	_ =	shalt  }
0x75: {  	_ =	shalt  }
0x76: {  	_ =	shalt  }
0x77: {  	_ =	shalt  }
0x78: {  	_ =	shalt  }
0x79: {  	_ =	shalt  }
0x7a: {  	_ =	shalt  }
0x7b: {  	_ =	shalt  }
0x7c: {  	_ =	shalt  }
0x7d: {  	_ =	shalt  }
0x7e: {  	_ =	shalt  }
0x7f: {  	_ =	shalt  }
0x80: {  	_ =	shalt  }
0x81: {  	_ =	shalt  }
0x82: {  	_ =	shalt  }
0x83: {  	_ =	shalt  }
0x84: {  	_ =	shalt  }
0x85: {  	_ =	shalt  }
0x86: {  	_ =	shalt  }
0x87: {  	_ =	shalt  }
.Lfunc_end0:
.L_simem_size_0:
called_computation.3_lowered:
.L_overlay_start_0:
0x88: {  	s2 =	sld [smem:$0x3FD9]  }
0x89: {  	s3 =	sld [smem:$0x3FFE];
	_ =	sdelay $0x1  }
0x8a: {  	s1 =	srdreg.scid  }
0x8b: {  	s0 =	sand.u32 $0x1, s1  }
0x8c: {  	s16 =	sshll.u32 s0, $0xA;
	s2 =	sadd.s32 s3, s2  }
0x8d: {  	s2 =	sadd.s32 s2, s16  }
0x8e: {  	[smem:$0x3FBE] =	sst s2  }
0x8f: {  	_ = 	snop  }
0x90: {  	(tm) =	ssettm $0x1  }
0x91: {  	s17 =	sld [smem:$0x3FFB];
	_ =	sdelay $0x3  }
0x92: {  	_ =	strace s17  }
0x93: {  	s2 =	sld [smem:$0x3FFC];
	_ =	sdelay $0x3  }
0x94: {  	_ =	strace s2  }
0x95: {  	s2 =	sld [smem:$0x3FFD];
	_ =	sdelay $0x3  }
0x96: {  	_ =	strace s2  }
0x97: {  	_ =	strace $0x8FFFFFFF  }
0x98: {  	s18 =	sld [smem:$0x3FDB];
	_ =	sdelay $0x1  }
0x99: {  	s19 =	simm.s32 $_scs_section_size  }
0x9a: {  	s4 =	simm.s32 $_size__tile_overlayer_lowered;
	s5 =	simm.s32 $_tile_overlayer_lowered  }
0x9b: {  	s22 =	simm.s32 $0x1BFF;
	s21 =	sshll.u32 s5, $0x1;
	s2 =	sadd.s32 s19, s18  }
0x9c: {  	s6 =	simm.s32 $0x0;
	s20 =	sshll.u32 s4, $0x1;
	s4 =	sadd.s32 s21, s2  }
0x9d: {  	[timem:s6], [sflag:s22] =	dma.local [hbm:s4], s20  }
0x9e: {  	_ =	swait.ge [sflag:s22], s20  }
0x9f: {  	s3 =	ssub.s32 $0x0, s20;
	[sflag:s22] =	ssyncset.done $0x0  }
0xa0: {  	[sflag:s22] =	ssyncadd.s32 s3;
	_ =	sdelay $0x1  }
0xa1: {  	s23 =	simm.s32 $0x1B8B  }
0xa2: {  	_ =	swait.ge [sflag:s23], $0x1  }
0xa3: {  	[sflag:s23] =	ssyncset.done $0x0  }
0xa4: {  	s25 =	simm.s32 $0x1B8E;
	s24 =	sld [smem:$0x3FFE];
	[sflag:s23] =	ssyncadd.s32 $0xFFFFFFFF  }
0xa5: {  	s26 =	simm.s32 $execute0_lowered;
	[smem:$0x3FD2] =	sst s25  }
0xa6: {  	s4 =	sshll.u32 s26, $0x1;
	_ =	strace $0x8000004F;
	[dreg:$0x1] =	wrdreg $0xFFFFFFFF  }
0xa7: {  	s28 =	simm.s32 $_size_execute0_lowered;
	s2 =	sadd.s32 s2, s4;
	[dreg:$0x0] =	wrdreg $0x0  }
0xa8: {  	s4 =	sshll.u32 s28, $0x1;
	[dreg:$0x2] =	wrdreg s2  }
0xa9: {  	[dreg:$0x3] =	wrdreg s4  }
0xaa: {  	[dreg:$0x4] =	wrdreg $0xC0  }
0xab: {  	_ =	task [dreg:s6], $0x5FFFF  }
0xac: {  	[dreg:$0x1] =	wrdreg $0xFFFFFFFF  }
0xad: {  	[dreg:$0x0] =	wrdreg $0x60  }
0xae: {  	[dreg:$0x2] =	wrdreg s24  }
0xaf: {  	[dreg:$0x3] =	wrdreg $0x5F000  }
0xb0: {  	[dreg:$0x4] =	wrdreg $0x87000  }
0xb1: {  	[dreg:$0x5] =	wrdreg $0x9  }
0xb2: {  	_ =	task.clear_ibuf [dreg:s6], $0x6FFFF;
	_ =	strace $0x9000004F  }
0xb3: {  	s29 =	simm.s32 $0x9;
	_ =	strace $0x80000051  }
0xb4: {  	_ =	swait.ge [sflag:s29], $0x1  }
0xb5: {  	[sflag:s29] =	ssyncadd.s32 $0xFFFFFFFF  }
0xb6: {  	_ =	strace $0x90000051  }
0xb7: {  	_ =	sfence  }
0xb8: {  	s30 =	sld [smem:$0x0];
	_ =	sdelay $0x2  }
0xb9: {  	s31 =	sshll.u32 s1, $0xD;
	s1 =	sshrl.u32 s1, $0x2  }
0xba: {  	s3 =	sand.u32 $0x4000, s31;
	s1 =	sadd.s32 s1, s30  }
0xbb: {  	s0 =	sor.u32 s3, s0;
	s1 =	sshll.u32 s1, $0x11  }
0xbc: {  	s0 =	sor.u32 s1, s0  }
0xbd: {  	s0 =	sadd.s32 $0x8F2B, s0  }
0xbe: {  	[sflag:s0] =	ssyncadd.remote.s32 $0x1  }
0xbf: {  	_ =	sfence.sel $0xFFFF  }
0xc0: {  	[dreg:$0x0] =	wrdreg $0xFFFFFFFF;
	(pc) =	sbr.abs _section_cstart, $3  }
0xc1: {  	[dreg:$0x1] =	wrdreg $0xFFFFFFFF  }
0xc2: {  	_ =	task.clear_ibuf [dreg:s6], $0x2FFFF;
	_ =	strace $0x9FFFFFFF  }
0xc3: {  	(tm) =	ssettm $0x7FFFFFFF  }
tec
execute0_lowered:
.L_overlay_start_1:
0x0: {  	(tag) =	ssettag $0x1  }
0x1: {  	s6 =	rddreg [dreg:$0x0]  }
0x2: {  	s1 =	rddreg [dreg:$0x1]  }
0x3: {  	s0 =	srdreg.scid;
	s3 =	rddreg [dreg:$0x2]  }
0x4: {  	s2 =	stileid.u32;
	s4 =	simm.s32 $0x0;
	s18 =	simm.s32 $0x80  }
0x5: {  	s19 =	simm.s32 $0x4F00;
	s20 =	simm.s32 $0x1;
	s21 =	simm.s32 $0x5700  }
0x6: {  	s22 =	simm.s32 $0x2;
	s23 =	simm.s32 $0x4E80;
	s24 =	simm.s32 $0x4  }
0x7: {  	s5 =	sand.u32 $0x1, s0;
	s0 =	rddreg [dreg:$0x3];
	s10 =	smul.u32 $0x2800, s2  }
0x8: {  	s25 =	simm.s32 $0x0;
	[smem:$0x7FF] =	sst s4;
	s12 =	smul.u32 $0x5000, s2  }
0x9: {  	s31 =	sshll.u32 s2, $0x6;
	s7 =	sshll.u32 s5, $0x4;
	_ =	strace $0x80000050  }
0xa: {  	s26 =	ssub.s32 $0x2, s5;
	s5 =	sadd.s32 $0x16C00, s6;
	s13 =	sor.u32 s2, s7  }
0xb: {  	s9 =	sshrl.u32 s10, $0x3;
	s7 =	sor.u32 s7, s12;
	s29 =	sshrl.u32 s26, $0x1  }
0xc: {  	s16 =	sadd.s32 s10, s1;
	s17 =	sadd.s32 s10, s3;
	s8 =	smul.u32 $0x4E, s13  }
0xd: {  	s11 =	smin.u32 s13, $0x4;
	s14 =	sadd.s32 s9, s6;
	s7 =	sshrl.u32 s7, $0x3  }
0xe: {  	s15 =	ssub.s32 s26, s29;
	p0 =	sgt.u32 s13, $0x3;
	s13 =	simm.s32 $0x3  }
0xf: {  	s16 =	sshrl.u32 s16, $0x3;
	s17 =	sshrl.u32 s17, $0x3;
	s8 =	sadd.s32 s11, s8  }
0x10: {  	s30 =	sadd.s32 s7, s6;
	s10 =	sadd.s32 $0x17200, s14;
	s8 =	sshll.u32 s8, $0x4  }
0x11: {  	s12 =	smax.u32 s15, $0x1;
	s14 =	simm.s32 $0x2780;
	s28 =	sadd.s32 s8, s6  }
0x12: {  	s15 =	sor.u32 $0x1C03, s31;
	s11 =	sadd.s32 $0x1C200, s30;
	s6 =	sadd.s32 $0x3200, s28  }
0x13: {  	v0 =	vimm.s32 $0x0;
	v1 =	vimm.s32 $0x2710;
	s7 =	sadd.s32 $0xCE40, s28;
	s8 =	sadd.s32 $0x36E0, s28;
	s9 =	sadd.s32 $0xD320, s28  }
.LBB2_1:
0x14: {  	[tilespmem:$0x2700] =	vst v0  }
0x15: {  	[tilespmem:$0x4E80] =	vst v1  }
0x16: {  	[tilespmem:$0x2710] =	vst v0  }
0x17: {  	[tilespmem:$0x4E90] =	vst v1  }
0x18: {  	[tilespmem:$0x2720] =	vst v0  }
0x19: {  	[tilespmem:$0x4EA0] =	vst v1  }
0x1a: {  	[tilespmem:$0x2730] =	vst v0  }
0x1b: {  	[tilespmem:$0x4EB0] =	vst v1  }
0x1c: {  	[tilespmem:$0x2740] =	vst v0  }
0x1d: {  	[tilespmem:$0x4EC0] =	vst v1  }
0x1e: {  	[tilespmem:$0x2750] =	vst v0  }
0x1f: {  	[tilespmem:$0x4ED0] =	vst v1  }
0x20: {  	[tilespmem:$0x2760] =	vst v0  }
0x21: {  	[tilespmem:$0x4EE0] =	vst v1  }
0x22: {  	[tilespmem:$0x2770] =	vst v0  }
0x23: {  	[tilespmem:$0x4EF0] =	vst v1  }
0x24: {  	[tilespmem:s4], [sflag:$0x3] =	stream.linear.gather [hbm4b:s6+s4], $0x2700, $0x38;
	[tilespmem:$0xAF00] =	vst v63  }
0x25: {  	_ =	swait.ge [sflag:s13], $0x2700  }
0x26: {  	[sflag:s13] =	ssyncset.done $0x0  }
0x27: {  	[sflag:s13] =	ssyncadd.s32 $0xFFFFD900  }
0x28: {  	[tilespmem:s14], [sflag:$0x3] =	stream.linear.gather [hbm4b:s7+s4], $0x2700, $0x38;
	[tilespmem:$0xAF00] =	vst v63  }
0x29: {  	_ =	swait.ge [sflag:s13], $0x2700  }
0x2a: {  	[sflag:s13] =	ssyncset.done $0x0  }
0x2b: {  	s26 =	simm.s32 @!p0 $0x0;
	s28 =	simm.s32 @!p0 $0x2700;
	[sflag:s13] =	ssyncadd.s32 $0xFFFFD900  }
0x2c: {  	[tilespmem:s28], [sflag:$0x3] =	stream.linear.gather @!p0 [hbm4b:s8+s26], $0x80, $0x38;
	[tilespmem:$0xAF00] =	vst v63  }
0x2d: {  	s28 =	simm.s32 @!p0 $0x3  }
0x2e: {  	_ =	swait.ge @!p0 [sflag:s28], $0x80  }
0x2f: {  	[sflag:s28] =	ssyncset.done @!p0 $0x0  }
0x30: {  	s29 =	simm.s32 @!p0 $0x4E80;
	[sflag:s28] =	ssyncadd.s32 @!p0 $0xFFFFFF80  }
0x31: {  	[tilespmem:s29], [sflag:$0x3] =	stream.linear.gather @!p0 [hbm4b:s9+s26], $0x80, $0x38;
	[tilespmem:$0xAF00] =	vst v63  }
0x32: {  	_ =	swait.ge @!p0 [sflag:s28], $0x80  }
0x33: {  	[sflag:s28] =	ssyncset.done @!p0 $0x0  }
0x34: {  	[sflag:s28] =	ssyncadd.s32 @!p0 $0xFFFFFF80  }
0x35: {  	[spmem:s16], [sflag:s15] =	dma.local [hbm:s5], $0x500  }
0x36: {  	_ =	swait.ge [sflag:s13], $0x500  }
0x37: {  	[sflag:s13] =	ssyncset.done $0x0  }
0x38: {  	[sflag:s13] =	ssyncadd.s32 $0xFFFFFB00  }
0x39: {  	[spmem:s17], [sflag:s15] =	dma.local [hbm:s10], $0x500  }
0x3a: {  	_ =	swait.ge [sflag:s13], $0x500  }
0x3b: {  	[sflag:s13] =	ssyncset.done $0x0  }
0x3c: {  	[sflag:s13] =	ssyncadd.s32 $0xFFFFFB00  }
0x3d: {  	[bflag:$0x0] =	sbarrier.arrive $0xFFFF  }
0x3e: {  	[tilespmem:s19], [sflag:$0x1] =	stream.indirect.gather [spmem:s3], $0x10, s4, s18, $0xb8;
	[tilespmem:$0xAF00] =	vst v63  }
0x3f: {  	_ =	swait.ge [sflag:s20], $0x800  }
0x40: {  	[sflag:s20] =	ssyncset.done $0x0  }
0x41: {  	s28 =	simm.s32 $0x80;
	[sflag:s20] =	ssyncadd.s32 $0xFFFFF800  }
0x42: {  	[tilespmem:s21], [sflag:$0x2] =	stream.indirect.gather [spmem:s3], $0x10, s28, s18, $0xb8;
	[tilespmem:$0xAF00] =	vst v63  }
0x43: {  	s29 =	simm.s32 $0x2780  }
0x44: {  	[spmem:s1] =	stream.indirect.scatter.add.f32 [tilespmem:s19], [sflag:$0x3], $0x10, s29, s18, $0xb8;
	[tilespmem:$0xAF00] =	vst v63  }
0x45: {  	_ =	swait.ge [sflag:s13], $0x800  }
0x46: {  	[sflag:s13] =	ssyncset.done $0x0  }
0x47: {  	[sflag:s13] =	ssyncadd.s32 $0xFFFFF800  }
0x48: {  	_ =	swait.ge [sflag:s22], $0x800  }
0x49: {  	[sflag:s22] =	ssyncset.done $0x0  }
0x4a: {  	s30 =	simm.s32 $0x100;
	[sflag:s22] =	ssyncadd.s32 $0xFFFFF800  }
0x4b: {  	[tilespmem:s19], [sflag:$0x1] =	stream.indirect.gather [spmem:s3], $0x10, s30, s18, $0xb8;
	[tilespmem:$0xAF00] =	vst v63  }
0x4c: {  	s31 =	simm.s32 $0x2800  }
0x4d: {  	[spmem:s1] =	stream.indirect.scatter.add.f32 [tilespmem:s21], [sflag:$0x3], $0x10, s31, s18, $0xb8;
	[tilespmem:$0xAF00] =	vst v63  }
0x4e: {  	_ =	swait.ge [sflag:s13], $0x800  }
0x4f: {  	s26 =	simm.s32 $0x400;
	[sflag:s13] =	ssyncset.done $0x0  }
.LBB2_2:
0x50: {  	p1 =	sne.s32 s26, $0x9800  }
0x51: {  	[sflag:s13] =	ssyncadd.s32 $0xFFFFF800;
	s28 =	smov.u32 s26;
	s26 =	sadd.s32 $0x400, s26  }
0x52: {  	_ = 	snop  }
0x53: {  	_ =	swait.ge [sflag:s20], $0x800  }
0x54: {  	s28 =	sshra.s32 s28, $0x2;
	[sflag:s20] =	ssyncset.done $0x0  }
0x55: {  	s29 =	sadd.s32 $0x80, s28;
	[sflag:s20] =	ssyncadd.s32 $0xFFFFF800  }
0x56: {  	[tilespmem:s21], [sflag:$0x2] =	stream.indirect.gather [spmem:s3], $0x10, s29, s18, $0xb8;
	[tilespmem:$0xAF00] =	vst v63  }
0x57: {  	s29 =	sadd.s32 $0x2780, s28  }
0x58: {  	[spmem:s1] =	stream.indirect.scatter.add.f32 [tilespmem:s19], [sflag:$0x3], $0x10, s29, s18, $0xb8;
	[tilespmem:$0xAF00] =	vst v63  }
0x59: {  	_ =	swait.ge [sflag:s13], $0x800  }
0x5a: {  	[sflag:s13] =	ssyncset.done $0x0  }
0x5b: {  	[sflag:s13] =	ssyncadd.s32 $0xFFFFF800  }
0x5c: {  	_ =	swait.ge [sflag:s22], $0x800  }
0x5d: {  	[sflag:s22] =	ssyncset.done $0x0  }
0x5e: {  	s29 =	sadd.s32 $0x100, s28;
	[sflag:s22] =	ssyncadd.s32 $0xFFFFF800  }
0x5f: {  	[tilespmem:s19], [sflag:$0x1] =	stream.indirect.gather [spmem:s3], $0x10, s29, s18, $0xb8;
	[tilespmem:$0xAF00] =	vst v63  }
.Ltmp0:
0x60: {  	_ = 	snop;
	(pc) =	sbr.rel @p1 .LBB2_2-.Ltmp0, $4  }
0x61: {  	s28 =	sadd.s32 $0x2800, s28  }
0x62: {  	[spmem:s1] =	stream.indirect.scatter.add.f32 [tilespmem:s21], [sflag:$0x3], $0x10, s28, s18, $0xb8;
	[tilespmem:$0xAF00] =	vst v63  }
0x63: {  	_ =	swait.ge [sflag:s13], $0x800  }
0x64: {  	[sflag:s13] =	ssyncset.done $0x0  }
0x65: {  	[sflag:s13] =	ssyncadd.s32 $0xFFFFF800  }
0x66: {  	_ =	swait.ge [sflag:s20], $0x800  }
0x67: {  	[sflag:s20] =	ssyncset.done $0x0  }
0x68: {  	[sflag:s20] =	ssyncadd.s32 $0xFFFFF800  }
0x69: {  	[spmem:s1] =	stream.indirect.scatter.add.f32 [tilespmem:s19], [sflag:$0x3], $0x10, s23, s18, $0xb8;
	[tilespmem:$0xAF00] =	vst v63  }
0x6a: {  	_ =	swait.ge [sflag:s13], $0x800  }
0x6b: {  	s25 =	sadd.s32 $0x1, s25;
	[sflag:s13] =	ssyncset.done $0x0  }
0x6c: {  	p1 =	sne.s32 s25, s12;
	[sflag:s13] =	ssyncadd.s32 $0xFFFFF800  }
.Ltmp1:
0x6d: {  	[bflag:$0x0] =	sbarrier.arrive $0xFFFF;
	(pc) =	sbr.rel @p1 .LBB2_1-.Ltmp1, $4  }
0x6e: {  	[hbm:s11@s24], [sflag:s15] =	dma.strided [spmem:s16@s22], $0x500, s20, $0x2   }
0x6f: {  	_ =	swait.ge [sflag:s13], $0x500  }
0x70: {  	[sflag:s13] =	ssyncset.done $0x0  }
0x71: {  	[sflag:s13] =	ssyncadd.s32 $0xFFFFFB00  }
0x72: {  	_ =	sfence.sel $0x180000  }
0x73: {  	[bflag:$0x0] =	sbarrier.arrive $0xFFFF  }
0x74: {  	p0 =	sne.s32 s2, $0x0;
	_ =	strace $0x90000050  }
0x75: {  	s0 =	sadd.s32 @!p0 $0x100000, s0;
	[bflag:$0x2] =	sbarrier.arrive $0xFFFF  }
0x76: {  	[sflag:s0] =	ssyncadd.tile.s32 @!p0 $0x1;
	_ =	shalt  }
.Lfunc_end2:
_tile_overlayer_lowered:
.L_overlay_start_2:
0x77: {  	(tag) =	ssettag $0x2  }
0x78: {  	s0 =	rddreg [dreg:$0x0];
	s2 =	stileid.u32  }
0x79: {  	s1 =	rddreg [dreg:$0x1];
	p0 =	sne.s32 s2, $0x0  }
0x7a: {  	s3 =	rddreg [dreg:$0x2];
	[bflag:$0x3] =	sbarrier.arrive $0xFFFF;
	s2 =	simm.s32 @!p0 $0x1C03  }
0x7b: {  	[timem:s3], [sflag:s2] =	dma.local @!p0 [hbm:s0], s1  }
0x7c: {  	s0 =	simm.s32 @!p0 $0x3  }
0x7d: {  	_ =	swait.ge @!p0 [sflag:s0], s1  }
0x7e: {  	s1 =	ssub.s32 @!p0 $0x0, s1;
	[sflag:s0] =	ssyncset.done @!p0 $0x0  }
0x7f: {  	[sflag:s0] =	ssyncadd.s32 @!p0 s1  }
0x80: {  	[bflag:$0x3] =	sbarrier.arrive $0xFFFF  }
0x81: {  	_ =	shalt  }

</sc_bundles>
